<compile_context>
chip_gen: v7x
topology: tpu7x:2x2x1
jax: 0.10.2.dev20260603
libtpu: 0.0.44.dev20260713+nightly
codegen_flags: <defaults>
</compile_context>

<pallas_src>
import functools

import jax
import jax.numpy as jnp
from jax import lax
from jax.experimental import pallas as pl
from jax.experimental.pallas import tpu as pltpu
from jax.experimental.pallas import tpu_sc as plsc

N = 10000
E = 320000
D_IN = 128
D_HID = 16
D_OUT = 128

NC = 2
NS = 16
NW = NC * NS
CHUNK = 512
CPT = 20
EPT = CPT * CHUNK
EPAD = NW * EPT
NPAD = 10240
RPT = NPAD // NS
RV = RPT // 16
DEGW = 8

_mesh = plsc.VectorSubcoreMesh(core_axis_name="c", subcore_axis_name="s")
_sc_params = pltpu.CompilerParams(
    use_tc_tiling_on_sc=False, needs_layout_passes=False
)


def _rsqrt16(d):
    x = jnp.maximum(d, 1.0)
    yi = jnp.int32(0x5F3759DF) - (plsc.bitcast(x, jnp.int32) >> 1)
    y = plsc.bitcast(yi, jnp.float32)
    y = y * (1.5 - 0.5 * x * y * y)
    y = y * (1.5 - 0.5 * x * y * y)
    y = y * (1.5 - 0.5 * x * y * y)
    return y


def _splat(vec_ref, r):
    return plsc.load_gather(vec_ref, [jnp.full((16,), r, jnp.int32)])


def _col0(cnt8_ref, i):
    ridx = lax.iota(jnp.int32, 16) + i * 16
    return plsc.load_gather(cnt8_ref, [ridx, jnp.zeros((16,), jnp.int32)])


@functools.partial(
    pl.kernel,
    out_type=jax.ShapeDtypeStruct((NC, 2, NPAD, DEGW), jnp.float32),
    mesh=_mesh,
    scratch_types=[
        pltpu.VMEM((CPT, CHUNK), jnp.int32),
        pltpu.VMEM((CPT, CHUNK), jnp.int32),
        pltpu.VMEM((CHUNK, DEGW), jnp.float32),
        pltpu.VMEM_SHARED((NPAD, DEGW), jnp.float32),
        pltpu.VMEM_SHARED((NPAD, DEGW), jnp.float32),
        pltpu.SemaphoreType.DMA,
        pltpu.SemaphoreType.DMA,
    ],
    compiler_params=_sc_params,
)
def _sc_degrees(src_hbm, dst_hbm, ones_hbm, zeros_hbm, out_hbm,
                src_v, dst_v, ones_v, acc_src, acc_dst, sem_s, sem_d):
    cid = lax.axis_index("c")
    sid = lax.axis_index("s")
    wid = sid * NC + cid
    pltpu.sync_copy(src_hbm.at[wid], src_v)
    pltpu.sync_copy(dst_hbm.at[wid], dst_v)
    pltpu.sync_copy(ones_hbm, ones_v)
    rows = pl.ds(sid * RPT, RPT)
    pltpu.sync_copy(zeros_hbm.at[rows], acc_src.at[rows])
    pltpu.sync_copy(zeros_hbm.at[rows], acc_dst.at[rows])
    plsc.subcore_barrier()

    def body(j, carry):
        pltpu.async_copy(ones_v, acc_src.at[src_v.at[j]], sem_s, add=True)
        pltpu.async_copy(ones_v, acc_dst.at[dst_v.at[j]], sem_d, add=True)

        @pl.when(j > 0)
        def _():
            pltpu.make_async_copy(ones_v, acc_src.at[src_v.at[j]], sem_s).wait()
            pltpu.make_async_copy(ones_v, acc_dst.at[dst_v.at[j]], sem_d).wait()

        return carry

    lax.fori_loop(0, CPT, body, 0)
    pltpu.make_async_copy(ones_v, acc_src.at[src_v.at[0]], sem_s).wait()
    pltpu.make_async_copy(ones_v, acc_dst.at[dst_v.at[0]], sem_d).wait()
    plsc.subcore_barrier()
    pltpu.sync_copy(acc_src.at[rows], out_hbm.at[cid, 0, rows])
    pltpu.sync_copy(acc_dst.at[rows], out_hbm.at[cid, 1, rows])


def _agg_main_loop(tbl_sh, acc_sh, src_v, dst_v, msg_a, msg_b,
                   gs_a, gs_b, ss_a, ss_b):
    nk = CPT // 2
    pltpu.async_copy(tbl_sh.at[src_v.at[0]], msg_a, gs_a)

    def body(k, carry):
        j0 = 2 * k
        j1 = j0 + 1
        pltpu.make_async_copy(tbl_sh.at[src_v.at[j0]], msg_a, gs_a).wait()

        @pl.when(k > 0)
        def _():
            pltpu.make_async_copy(msg_b, acc_sh.at[dst_v.at[j1]], ss_b).wait()

        pltpu.async_copy(tbl_sh.at[src_v.at[j1]], msg_b, gs_b)
        pltpu.async_copy(msg_a, acc_sh.at[dst_v.at[j0]], ss_a, add=True)
        pltpu.make_async_copy(tbl_sh.at[src_v.at[j1]], msg_b, gs_b).wait()

        @pl.when(k < nk - 1)
        def _():
            pltpu.make_async_copy(msg_a, acc_sh.at[dst_v.at[j0]], ss_a).wait()
            pltpu.async_copy(tbl_sh.at[src_v.at[j0 + 2]], msg_a, gs_a)

        pltpu.async_copy(msg_b, acc_sh.at[dst_v.at[j1]], ss_b, add=True)
        return carry

    lax.fori_loop(0, nk, body, 0)
    pltpu.make_async_copy(msg_a, acc_sh.at[dst_v.at[0]], ss_a).wait()
    pltpu.make_async_copy(msg_b, acc_sh.at[dst_v.at[0]], ss_b).wait()


_agg_scratch = [
    pltpu.VMEM((CPT, CHUNK), jnp.int32),
    pltpu.VMEM((CPT, CHUNK), jnp.int32),
    pltpu.VMEM((CHUNK, D_HID), jnp.float32),
    pltpu.VMEM((CHUNK, D_HID), jnp.float32),
    pltpu.VMEM((RPT, D_HID), jnp.float32),
    pltpu.VMEM((RPT, D_HID), jnp.float32),
    pltpu.VMEM((RV * 16,), jnp.float32),
    pltpu.VMEM((RV * 16,), jnp.float32),
    pltpu.VMEM((RPT, DEGW), jnp.float32),
    pltpu.VMEM((RPT, DEGW), jnp.float32),
    pltpu.VMEM((16,), jnp.float32),
    pltpu.VMEM_SHARED((NPAD, D_HID), jnp.float32),
    pltpu.VMEM_SHARED((NPAD, D_HID), jnp.float32),
    pltpu.SemaphoreType.DMA,
    pltpu.SemaphoreType.DMA,
    pltpu.SemaphoreType.DMA,
    pltpu.SemaphoreType.DMA,
]


@functools.partial(
    pl.kernel,
    out_type=jax.ShapeDtypeStruct((NC, NPAD, D_HID), jnp.float32),
    mesh=_mesh,
    scratch_types=_agg_scratch,
    compiler_params=_sc_params,
)
def _sc_agg1(p_hbm, cnt_hbm, src_hbm, dst_hbm, zeros_hbm, out_hbm,
             src_v, dst_v, msg_a, msg_b, tab_v, opd_v, rin_v, rout_v,
             ca_v, cb_v, bias_v, tbl_sh, acc_sh, gs_a, gs_b, ss_a, ss_b):
    cid = lax.axis_index("c")
    sid = lax.axis_index("s")
    wid = sid * NC + cid
    pltpu.sync_copy(src_hbm.at[wid], src_v)
    pltpu.sync_copy(dst_hbm.at[wid], dst_v)
    rows = pl.ds(sid * RPT, RPT)
    pltpu.sync_copy(cnt_hbm.at[0, 0, rows], ca_v)
    pltpu.sync_copy(cnt_hbm.at[1, 0, rows], cb_v)
    pltpu.sync_copy(p_hbm.at[rows], tab_v)

    def mk_rout(i, c):
        rout_v[pl.ds(i * 16, 16)] = _rsqrt16(_col0(ca_v, i) + _col0(cb_v, i))
        return c

    lax.fori_loop(0, RV, mk_rout, 0)

    def scale_row(r, c):
        tab_v[r, :] = tab_v[r, :] * _splat(rout_v, r)
        return c

    lax.fori_loop(0, RPT, scale_row, 0)
    pltpu.sync_copy(tab_v, tbl_sh.at[rows])
    pltpu.sync_copy(zeros_hbm.at[rows], acc_sh.at[rows])
    plsc.subcore_barrier()

    _agg_main_loop(tbl_sh, acc_sh, src_v, dst_v, msg_a, msg_b,
                   gs_a, gs_b, ss_a, ss_b)

    plsc.subcore_barrier()
    pltpu.sync_copy(acc_sh.at[rows], out_hbm.at[cid, rows])


@functools.partial(
    pl.kernel,
    out_type=jax.ShapeDtypeStruct((NC, NPAD, D_HID), jnp.float32),
    mesh=_mesh,
    scratch_types=_agg_scratch,
    compiler_params=_sc_params,
)
def _sc_agg2(u1_hbm, cnt_hbm, b1_hbm, src_hbm, dst_hbm, zeros_hbm, out_hbm,
             src_v, dst_v, msg_a, msg_b, tab_v, opd_v, rin_v, rout_v,
             ca_v, cb_v, bias_v, tbl_sh, acc_sh, gs_a, gs_b, ss_a, ss_b):
    cid = lax.axis_index("c")
    sid = lax.axis_index("s")
    wid = sid * NC + cid
    pltpu.sync_copy(src_hbm.at[wid], src_v)
    pltpu.sync_copy(dst_hbm.at[wid], dst_v)
    rows = pl.ds(sid * RPT, RPT)
    pltpu.sync_copy(cnt_hbm.at[0, 0, rows], ca_v)
    pltpu.sync_copy(cnt_hbm.at[1, 0, rows], cb_v)

    def mk_rout(i, c):
        rout_v[pl.ds(i * 16, 16)] = _rsqrt16(_col0(ca_v, i) + _col0(cb_v, i))
        return c

    lax.fori_loop(0, RV, mk_rout, 0)
    pltpu.sync_copy(cnt_hbm.at[0, 1, rows], ca_v)
    pltpu.sync_copy(cnt_hbm.at[1, 1, rows], cb_v)

    def mk_rin(i, c):
        rin_v[pl.ds(i * 16, 16)] = _rsqrt16(_col0(ca_v, i) + _col0(cb_v, i))
        return c

    lax.fori_loop(0, RV, mk_rin, 0)
    pltpu.sync_copy(u1_hbm.at[0, rows], tab_v)
    pltpu.sync_copy(u1_hbm.at[1, rows], opd_v)
    pltpu.sync_copy(b1_hbm, bias_v)

    def mk_t2(r, c):
        s = (tab_v[r, :] + opd_v[r, :]) * _splat(rin_v, r) + bias_v[...]
        tab_v[r, :] = jnp.maximum(s, 0.0) * _splat(rout_v, r)
        return c

    lax.fori_loop(0, RPT, mk_t2, 0)
    pltpu.sync_copy(tab_v, tbl_sh.at[rows])
    pltpu.sync_copy(zeros_hbm.at[rows], acc_sh.at[rows])
    plsc.subcore_barrier()

    _agg_main_loop(tbl_sh, acc_sh, src_v, dst_v, msg_a, msg_b,
                   gs_a, gs_b, ss_a, ss_b)

    plsc.subcore_barrier()
    pltpu.sync_copy(acc_sh.at[rows], tab_v)

    def scale_out(r, c):
        tab_v[r, :] = tab_v[r, :] * _splat(rin_v, r)
        return c

    lax.fori_loop(0, RPT, scale_out, 0)
    pltpu.sync_copy(tab_v, out_hbm.at[cid, rows])


def _tc_in(nf_ref, w1_ref, p_ref):
    p_ref[...] = jnp.dot(nf_ref[...], w1_ref[...],
                         preferred_element_type=jnp.float32)


def _tc_out(s2_ref, w2_ref, b2_ref, out_ref):
    s = s2_ref[0] + s2_ref[1]
    out_ref[...] = (
        jnp.dot(s, w2_ref[...], preferred_element_type=jnp.float32)
        + b2_ref[...]
    )


def kernel(node_feat, edge_index, edge_feat, W1, b1, W2, b2):
    del edge_feat

    src = edge_index[0]
    dst = edge_index[1]
    pad = jnp.full((EPAD - E,), N, jnp.int32)
    src_t = jnp.concatenate([src, pad]).reshape(NW, CPT, CHUNK)
    dst_t = jnp.concatenate([dst, pad]).reshape(NW, CPT, CHUNK)

    nf_pad = jnp.zeros((NPAD, D_IN), jnp.float32).at[:N].set(node_feat)
    ones_deg = jnp.ones((CHUNK, DEGW), jnp.float32)
    zeros_deg = jnp.zeros((NPAD, DEGW), jnp.float32)
    zeros_agg = jnp.zeros((NPAD, D_HID), jnp.float32)
    b2r = b2.reshape(1, D_OUT)

    p = pl.pallas_call(
        _tc_in,
        out_shape=jax.ShapeDtypeStruct((NPAD, D_HID), jnp.float32),
    )(nf_pad, W1)

    cnt = _sc_degrees(src_t, dst_t, ones_deg, zeros_deg)
    u1 = _sc_agg1(p, cnt, src_t, dst_t, zeros_agg)
    s2 = _sc_agg2(u1, cnt, b1, src_t, dst_t, zeros_agg)

    out = pl.pallas_call(
        _tc_out,
        out_shape=jax.ShapeDtypeStruct((NPAD, D_OUT), jnp.float32),
    )(s2, W2, b2r)

    return out[:N]

# --- scband reference (transcript-rebuilt; emitter-appended) ---
"""Pipeline reference for scband-gcn-31817117729353 (READ-ONLY COPY).

The authoritative reference and input builder live on the scoring server;
editing this copy changes nothing except your own understanding.
"""

import jax, jax.numpy as jnp
import numpy as np

N = 10000
E = 320000
D_IN = 128
D_HID = 16
D_OUT = 128


def setup_inputs(seed: int = 0):
    key = jax.random.key(seed)
    ks = jax.random.split(key, 7)
    node_feat = jax.random.normal(ks[0], (N, D_IN), dtype=jnp.float32)
    edge_index = jax.random.randint(ks[1], (2, E), 0, N, dtype=jnp.int32)
    edge_feat = jax.random.uniform(ks[2], (E,), dtype=jnp.float32)
    W1 = jax.random.normal(ks[3], (D_IN, D_HID), dtype=jnp.float32) * 0.05
    b1 = jnp.zeros((D_HID,), dtype=jnp.float32)
    W2 = jax.random.normal(ks[4], (D_HID, D_OUT), dtype=jnp.float32) * 0.05
    b2 = jnp.zeros((D_OUT,), dtype=jnp.float32)
    return {"node_feat": node_feat, "edge_index": edge_index, "edge_feat": edge_feat,
            "W1": W1, "b1": b1, "W2": W2, "b2": b2}


def _gcn_conv(h, W, b, src, dst):
    # DGL GraphConv with norm='both':
    # out_i = ( sum_{(j->i)} h_j * d_out(j)^{-1/2} ) * d_in(i)^{-1/2} @ W + b
    deg_out = jnp.maximum(jnp.zeros((N,), jnp.float32).at[src].add(1.0), 1.0)
    deg_in = jnp.maximum(jnp.zeros((N,), jnp.float32).at[dst].add(1.0), 1.0)
    h = h * (deg_out ** -0.5)[:, None]
    h = h @ W
    msgs = jnp.take(h, src, axis=0)
    agg = jnp.zeros((N, h.shape[1]), jnp.float32).at[dst].add(msgs)
    agg = agg * (deg_in ** -0.5)[:, None]
    return agg + b


def reference(node_feat, edge_index, edge_feat, W1, b1, W2, b2):
    # use_edge_weight=False -> edge_feat is ignored (edge_weight=None)
    src = edge_index[0]
    dst = edge_index[1]
    h = _gcn_conv(node_feat, W1, b1, src, dst)
    h = jax.nn.relu(h)
    # dropout (p=0.5) is identity in eval mode
    out = _gcn_conv(h, W2, b2, src, dst)
    return out

if __name__ == "__main__":
    import jax
    _d = setup_inputs()
    print(jax.jit(kernel)(*tuple(_d.values())))

</pallas_src>

<mosaic_0001>
#map = affine_map<(d0, d1) -> (0, 0, 0)>
#map1 = affine_map<(d0, d1) -> (0, 0)>
#map2 = affine_map<(d0, d1) -> (0, 0, 0, 0)>
module attributes {stable_mosaic.version = 14 : i64} {
  func.func @_sc_degrees(%arg0: i32, %arg1: i32, %arg2: memref<32x20x512xi32, #tpu.memory_space<hbm>>, %arg3: memref<32x20x512xi32, #tpu.memory_space<hbm>>, %arg4: memref<512x8xf32, #tpu.memory_space<hbm>>, %arg5: memref<10240x8xf32, #tpu.memory_space<hbm>>, %arg6: memref<2x2x10240x8xf32, #tpu.memory_space<hbm>>, %arg7: memref<20x512xi32, #tpu.memory_space<vmem>>, %arg8: memref<20x512xi32, #tpu.memory_space<vmem>>, %arg9: memref<512x8xf32, #tpu.memory_space<vmem>>, %arg10: memref<10240x8xf32, #tpu.memory_space<vmem_shared>>, %arg11: memref<10240x8xf32, #tpu.memory_space<vmem_shared>>, %arg12: memref<!tpu.dma_semaphore, #tpu.memory_space<semaphore_mem>>, %arg13: memref<!tpu.dma_semaphore, #tpu.memory_space<semaphore_mem>>) attributes {dimension_semantics = [#tpu.dimension_semantics<core_parallel>, #tpu.dimension_semantics<subcore_parallel>], iteration_bounds = array<i64: 2, 16>, scalar_prefetch = 0 : i64, scratch_operands = 7 : i64, tpu.core_type = #tpu.core_type<sc_vector_subcore>, window_params = [{transform_indices = #map}, {transform_indices = #map}, {transform_indices = #map1}, {transform_indices = #map1}, {transform_indices = #map2}]} {
    %mul3A = arith.constant 2 : i32
    %mul3A_0 = arith.muli %arg1, %mul3A : i32
    %add3A = arith.addi %mul3A_0, %arg0 : i32
    "tpu.region"() ({
      %run_scoped3A_23 = tpu.sem_alloc : memref<!tpu.dma_semaphore, #tpu.memory_space<semaphore_mem>>
      %dma_start3A = arith.constant 0 : i32
      %dma_start3A_24 = arith.constant 0 : i32
      %dma_start3A_25 = tpu.memref_slice %arg2[%add3A, %dma_start3A, %dma_start3A_24] : memref<32x20x512xi32, #tpu.memory_space<hbm>> -> memref<1x20x512xi32, #tpu.memory_space<hbm>>
      %dma_start3A_26 = tpu.memref_squeeze %dma_start3A_25 : memref<1x20x512xi32, #tpu.memory_space<hbm>> -> memref<20x512xi32, #tpu.memory_space<hbm>>
      %dma_start3A_27 = arith.constant 0 : i32
      %dma_start3A_28 = arith.constant 0 : i32
      %dma_start3A_29 = tpu.memref_slice %arg2[%add3A, %dma_start3A_27, %dma_start3A_28] : memref<32x20x512xi32, #tpu.memory_space<hbm>> -> memref<1x20x512xi32, #tpu.memory_space<hbm>>
      %dma_start3A_30 = tpu.memref_squeeze %dma_start3A_29 : memref<1x20x512xi32, #tpu.memory_space<hbm>> -> memref<20x512xi32, #tpu.memory_space<hbm>>
      tpu.enqueue_dma source(%dma_start3A_30 : memref<20x512xi32, #tpu.memory_space<hbm>>) target(%arg7 : memref<20x512xi32, #tpu.memory_space<vmem>>) target_semaphore(%run_scoped3A_23 : memref<!tpu.dma_semaphore, #tpu.memory_space<semaphore_mem>>)
      %dma_wait3A_31 = arith.constant 0 : i32
      %dma_wait3A_32 = arith.constant 0 : i32
      %dma_wait3A_33 = tpu.memref_slice %arg2[%add3A, %dma_wait3A_31, %dma_wait3A_32] : memref<32x20x512xi32, #tpu.memory_space<hbm>> -> memref<1x20x512xi32, #tpu.memory_space<hbm>>
      %dma_wait3A_34 = tpu.memref_squeeze %dma_wait3A_33 : memref<1x20x512xi32, #tpu.memory_space<hbm>> -> memref<20x512xi32, #tpu.memory_space<hbm>>
      %dma_wait3A_35 = arith.constant 0 : i32
      %dma_wait3A_36 = arith.constant 0 : i32
      %dma_wait3A_37 = tpu.memref_slice %arg2[%add3A, %dma_wait3A_35, %dma_wait3A_36] : memref<32x20x512xi32, #tpu.memory_space<hbm>> -> memref<1x20x512xi32, #tpu.memory_space<hbm>>
      %dma_wait3A_38 = tpu.memref_squeeze %dma_wait3A_37 : memref<1x20x512xi32, #tpu.memory_space<hbm>> -> memref<20x512xi32, #tpu.memory_space<hbm>>
      tpu.wait_dma2 semaphore(%run_scoped3A_23 : memref<!tpu.dma_semaphore, #tpu.memory_space<semaphore_mem>>) src(%dma_wait3A_38 : memref<20x512xi32, #tpu.memory_space<hbm>>) dst(%arg7 : memref<20x512xi32, #tpu.memory_space<vmem>>)
      tpu.yield
    }) : () -> ()
    "tpu.region"() ({
      %run_scoped3A_23 = tpu.sem_alloc : memref<!tpu.dma_semaphore, #tpu.memory_space<semaphore_mem>>
      %dma_start3A = arith.constant 0 : i32
      %dma_start3A_24 = arith.constant 0 : i32
      %dma_start3A_25 = tpu.memref_slice %arg3[%add3A, %dma_start3A, %dma_start3A_24] : memref<32x20x512xi32, #tpu.memory_space<hbm>> -> memref<1x20x512xi32, #tpu.memory_space<hbm>>
      %dma_start3A_26 = tpu.memref_squeeze %dma_start3A_25 : memref<1x20x512xi32, #tpu.memory_space<hbm>> -> memref<20x512xi32, #tpu.memory_space<hbm>>
      %dma_start3A_27 = arith.constant 0 : i32
      %dma_start3A_28 = arith.constant 0 : i32
      %dma_start3A_29 = tpu.memref_slice %arg3[%add3A, %dma_start3A_27, %dma_start3A_28] : memref<32x20x512xi32, #tpu.memory_space<hbm>> -> memref<1x20x512xi32, #tpu.memory_space<hbm>>
      %dma_start3A_30 = tpu.memref_squeeze %dma_start3A_29 : memref<1x20x512xi32, #tpu.memory_space<hbm>> -> memref<20x512xi32, #tpu.memory_space<hbm>>
      tpu.enqueue_dma source(%dma_start3A_30 : memref<20x512xi32, #tpu.memory_space<hbm>>) target(%arg8 : memref<20x512xi32, #tpu.memory_space<vmem>>) target_semaphore(%run_scoped3A_23 : memref<!tpu.dma_semaphore, #tpu.memory_space<semaphore_mem>>)
      %dma_wait3A_31 = arith.constant 0 : i32
      %dma_wait3A_32 = arith.constant 0 : i32
      %dma_wait3A_33 = tpu.memref_slice %arg3[%add3A, %dma_wait3A_31, %dma_wait3A_32] : memref<32x20x512xi32, #tpu.memory_space<hbm>> -> memref<1x20x512xi32, #tpu.memory_space<hbm>>
      %dma_wait3A_34 = tpu.memref_squeeze %dma_wait3A_33 : memref<1x20x512xi32, #tpu.memory_space<hbm>> -> memref<20x512xi32, #tpu.memory_space<hbm>>
      %dma_wait3A_35 = arith.constant 0 : i32
      %dma_wait3A_36 = arith.constant 0 : i32
      %dma_wait3A_37 = tpu.memref_slice %arg3[%add3A, %dma_wait3A_35, %dma_wait3A_36] : memref<32x20x512xi32, #tpu.memory_space<hbm>> -> memref<1x20x512xi32, #tpu.memory_space<hbm>>
      %dma_wait3A_38 = tpu.memref_squeeze %dma_wait3A_37 : memref<1x20x512xi32, #tpu.memory_space<hbm>> -> memref<20x512xi32, #tpu.memory_space<hbm>>
      tpu.wait_dma2 semaphore(%run_scoped3A_23 : memref<!tpu.dma_semaphore, #tpu.memory_space<semaphore_mem>>) src(%dma_wait3A_38 : memref<20x512xi32, #tpu.memory_space<hbm>>) dst(%arg8 : memref<20x512xi32, #tpu.memory_space<vmem>>)
      tpu.yield
    }) : () -> ()
    "tpu.region"() ({
      %run_scoped3A_23 = tpu.sem_alloc : memref<!tpu.dma_semaphore, #tpu.memory_space<semaphore_mem>>
      tpu.enqueue_dma source(%arg4 : memref<512x8xf32, #tpu.memory_space<hbm>>) target(%arg9 : memref<512x8xf32, #tpu.memory_space<vmem>>) target_semaphore(%run_scoped3A_23 : memref<!tpu.dma_semaphore, #tpu.memory_space<semaphore_mem>>)
      tpu.wait_dma2 semaphore(%run_scoped3A_23 : memref<!tpu.dma_semaphore, #tpu.memory_space<semaphore_mem>>) src(%arg4 : memref<512x8xf32, #tpu.memory_space<hbm>>) dst(%arg9 : memref<512x8xf32, #tpu.memory_space<vmem>>)
      tpu.yield
    }) : () -> ()
    %mul3A_1 = arith.constant 640 : i32
    %mul3A_2 = arith.muli %arg1, %mul3A_1 : i32
    "tpu.region"() ({
      %run_scoped3A_23 = tpu.sem_alloc : memref<!tpu.dma_semaphore, #tpu.memory_space<semaphore_mem>>
      %dma_start3A = arith.constant 0 : i32
      %dma_start3A_24 = tpu.memref_slice %arg10[%mul3A_2, %dma_start3A] : memref<10240x8xf32, #tpu.memory_space<vmem_shared>> -> memref<640x8xf32, #tpu.memory_space<vmem_shared>>
      %dma_start3A_25 = arith.constant 0 : i32
      %dma_start3A_26 = tpu.memref_slice %arg5[%mul3A_2, %dma_start3A_25] : memref<10240x8xf32, #tpu.memory_space<hbm>> -> memref<640x8xf32, #tpu.memory_space<hbm>>
      tpu.enqueue_dma source(%dma_start3A_26 : memref<640x8xf32, #tpu.memory_space<hbm>>) target(%dma_start3A_24 : memref<640x8xf32, #tpu.memory_space<vmem_shared>>) target_semaphore(%run_scoped3A_23 : memref<!tpu.dma_semaphore, #tpu.memory_space<semaphore_mem>>)
      %dma_wait3A_27 = arith.constant 0 : i32
      %dma_wait3A_28 = tpu.memref_slice %arg10[%mul3A_2, %dma_wait3A_27] : memref<10240x8xf32, #tpu.memory_space<vmem_shared>> -> memref<640x8xf32, #tpu.memory_space<vmem_shared>>
      %dma_wait3A_29 = arith.constant 0 : i32
      %dma_wait3A_30 = tpu.memref_slice %arg5[%mul3A_2, %dma_wait3A_29] : memref<10240x8xf32, #tpu.memory_space<hbm>> -> memref<640x8xf32, #tpu.memory_space<hbm>>
      tpu.wait_dma2 semaphore(%run_scoped3A_23 : memref<!tpu.dma_semaphore, #tpu.memory_space<semaphore_mem>>) src(%dma_wait3A_30 : memref<640x8xf32, #tpu.memory_space<hbm>>) dst(%dma_wait3A_28 : memref<640x8xf32, #tpu.memory_space<vmem_shared>>)
      tpu.yield
    }) : () -> ()
    "tpu.region"() ({
      %run_scoped3A_23 = tpu.sem_alloc : memref<!tpu.dma_semaphore, #tpu.memory_space<semaphore_mem>>
      %dma_start3A = arith.constant 0 : i32
      %dma_start3A_24 = tpu.memref_slice %arg11[%mul3A_2, %dma_start3A] : memref<10240x8xf32, #tpu.memory_space<vmem_shared>> -> memref<640x8xf32, #tpu.memory_space<vmem_shared>>
      %dma_start3A_25 = arith.constant 0 : i32
      %dma_start3A_26 = tpu.memref_slice %arg5[%mul3A_2, %dma_start3A_25] : memref<10240x8xf32, #tpu.memory_space<hbm>> -> memref<640x8xf32, #tpu.memory_space<hbm>>
      tpu.enqueue_dma source(%dma_start3A_26 : memref<640x8xf32, #tpu.memory_space<hbm>>) target(%dma_start3A_24 : memref<640x8xf32, #tpu.memory_space<vmem_shared>>) target_semaphore(%run_scoped3A_23 : memref<!tpu.dma_semaphore, #tpu.memory_space<semaphore_mem>>)
      %dma_wait3A_27 = arith.constant 0 : i32
      %dma_wait3A_28 = tpu.memref_slice %arg11[%mul3A_2, %dma_wait3A_27] : memref<10240x8xf32, #tpu.memory_space<vmem_shared>> -> memref<640x8xf32, #tpu.memory_space<vmem_shared>>
      %dma_wait3A_29 = arith.constant 0 : i32
      %dma_wait3A_30 = tpu.memref_slice %arg5[%mul3A_2, %dma_wait3A_29] : memref<10240x8xf32, #tpu.memory_space<hbm>> -> memref<640x8xf32, #tpu.memory_space<hbm>>
      tpu.wait_dma2 semaphore(%run_scoped3A_23 : memref<!tpu.dma_semaphore, #tpu.memory_space<semaphore_mem>>) src(%dma_wait3A_30 : memref<640x8xf32, #tpu.memory_space<hbm>>) dst(%dma_wait3A_28 : memref<640x8xf32, #tpu.memory_space<vmem_shared>>)
      tpu.yield
    }) : () -> ()
    %barrier3A = arith.constant 0 : index
    tpu.barrier barrier_id(%barrier3A)
    %scan3A = arith.constant 0 : i32
    %scan3A_3 = arith.constant 0 : i32
    %scan3A_4 = arith.constant 20 : i32
    %scan3A_5 = arith.addi %scan3A_3, %scan3A_4 : i32
    %scan3A_6 = arith.constant 1 : i32
    scf.for %scan3A_23 = %scan3A_3 to %scan3A_5 step %scan3A_6  : i32 {
      %dma_start3A = arith.constant 0 : i32
      %dma_start3A_24 = tpu.memref_slice %arg7[%scan3A_23, %dma_start3A] : memref<20x512xi32, #tpu.memory_space<vmem>> -> memref<1x512xi32, #tpu.memory_space<vmem>>
      %dma_start3A_25 = tpu.memref_squeeze %dma_start3A_24 : memref<1x512xi32, #tpu.memory_space<vmem>> -> memref<512xi32, #tpu.memory_space<vmem>>
      %dma_start3A_26 = arith.constant 0 : i32
      %dma_start3A_27 = arith.constant 0 : i32
      %dma_start3A_28 = tpu.memref_slice %arg10[%dma_start3A_26, %dma_start3A_27] : memref<10240x8xf32, #tpu.memory_space<vmem_shared>> -> memref<10240x8xf32, #tpu.memory_space<vmem_shared>>
      tpu.enqueue_indirect_dma source(%arg9 : memref<512x8xf32, #tpu.memory_space<vmem>>) target(%dma_start3A_28 : memref<10240x8xf32, #tpu.memory_space<vmem_shared>>) offsets(%dma_start3A_25 : memref<512xi32, #tpu.memory_space<vmem>>) semaphore(%arg12 : memref<!tpu.dma_semaphore, #tpu.memory_space<semaphore_mem>>) {add = true}
      %dma_start3A_29 = arith.constant 0 : i32
      %dma_start3A_30 = tpu.memref_slice %arg8[%scan3A_23, %dma_start3A_29] : memref<20x512xi32, #tpu.memory_space<vmem>> -> memref<1x512xi32, #tpu.memory_space<vmem>>
      %dma_start3A_31 = tpu.memref_squeeze %dma_start3A_30 : memref<1x512xi32, #tpu.memory_space<vmem>> -> memref<512xi32, #tpu.memory_space<vmem>>
      %dma_start3A_32 = arith.constant 0 : i32
      %dma_start3A_33 = arith.constant 0 : i32
      %dma_start3A_34 = tpu.memref_slice %arg11[%dma_start3A_32, %dma_start3A_33] : memref<10240x8xf32, #tpu.memory_space<vmem_shared>> -> memref<10240x8xf32, #tpu.memory_space<vmem_shared>>
      tpu.enqueue_indirect_dma source(%arg9 : memref<512x8xf32, #tpu.memory_space<vmem>>) target(%dma_start3A_34 : memref<10240x8xf32, #tpu.memory_space<vmem_shared>>) offsets(%dma_start3A_31 : memref<512xi32, #tpu.memory_space<vmem>>) semaphore(%arg13 : memref<!tpu.dma_semaphore, #tpu.memory_space<semaphore_mem>>) {add = true}
      %gt3A = arith.constant 0 : i32
      %gt3A_35 = arith.cmpi sgt, %scan3A_23, %gt3A : i32
      %convert_element_type3A = arith.extui %gt3A_35 : i1 to i32
      %cond3A = arith.constant 0 : i32
      %cond3A_36 = arith.cmpi ne, %convert_element_type3A, %cond3A : i32
      scf.if %cond3A_36 {
        %dma_wait3A_37 = arith.constant 0 : i32
        %dma_wait3A_38 = tpu.memref_slice %arg7[%scan3A_23, %dma_wait3A_37] : memref<20x512xi32, #tpu.memory_space<vmem>> -> memref<1x512xi32, #tpu.memory_space<vmem>>
        %dma_wait3A_39 = tpu.memref_squeeze %dma_wait3A_38 : memref<1x512xi32, #tpu.memory_space<vmem>> -> memref<512xi32, #tpu.memory_space<vmem>>
        %dma_wait3A_40 = arith.constant 0 : i32
        %dma_wait3A_41 = arith.constant 0 : i32
        %dma_wait3A_42 = tpu.memref_slice %arg10[%dma_wait3A_40, %dma_wait3A_41] : memref<10240x8xf32, #tpu.memory_space<vmem_shared>> -> memref<10240x8xf32, #tpu.memory_space<vmem_shared>>
        tpu.wait_indirect_dma semaphore(%arg12 : memref<!tpu.dma_semaphore, #tpu.memory_space<semaphore_mem>>) src(%arg9 : memref<512x8xf32, #tpu.memory_space<vmem>>) dst(%dma_wait3A_42 : memref<10240x8xf32, #tpu.memory_space<vmem_shared>>)
        %dma_wait3A_43 = arith.constant 0 : i32
        %dma_wait3A_44 = tpu.memref_slice %arg8[%scan3A_23, %dma_wait3A_43] : memref<20x512xi32, #tpu.memory_space<vmem>> -> memref<1x512xi32, #tpu.memory_space<vmem>>
        %dma_wait3A_45 = tpu.memref_squeeze %dma_wait3A_44 : memref<1x512xi32, #tpu.memory_space<vmem>> -> memref<512xi32, #tpu.memory_space<vmem>>
        %dma_wait3A_46 = arith.constant 0 : i32
        %dma_wait3A_47 = arith.constant 0 : i32
        %dma_wait3A_48 = tpu.memref_slice %arg11[%dma_wait3A_46, %dma_wait3A_47] : memref<10240x8xf32, #tpu.memory_space<vmem_shared>> -> memref<10240x8xf32, #tpu.memory_space<vmem_shared>>
        tpu.wait_indirect_dma semaphore(%arg13 : memref<!tpu.dma_semaphore, #tpu.memory_space<semaphore_mem>>) src(%arg9 : memref<512x8xf32, #tpu.memory_space<vmem>>) dst(%dma_wait3A_48 : memref<10240x8xf32, #tpu.memory_space<vmem_shared>>)
      } else {
      }
    }
    %scan3A_7 = arith.constant 20 : i32
    %dma_wait3A = arith.constant 0 : i32
    %dma_wait3A_8 = arith.constant 0 : i32
    %dma_wait3A_9 = tpu.memref_slice %arg7[%dma_wait3A, %dma_wait3A_8] : memref<20x512xi32, #tpu.memory_space<vmem>> -> memref<1x512xi32, #tpu.memory_space<vmem>>
    %dma_wait3A_10 = tpu.memref_squeeze %dma_wait3A_9 : memref<1x512xi32, #tpu.memory_space<vmem>> -> memref<512xi32, #tpu.memory_space<vmem>>
    %dma_wait3A_11 = arith.constant 0 : i32
    %dma_wait3A_12 = arith.constant 0 : i32
    %dma_wait3A_13 = tpu.memref_slice %arg10[%dma_wait3A_11, %dma_wait3A_12] : memref<10240x8xf32, #tpu.memory_space<vmem_shared>> -> memref<10240x8xf32, #tpu.memory_space<vmem_shared>>
    tpu.wait_indirect_dma semaphore(%arg12 : memref<!tpu.dma_semaphore, #tpu.memory_space<semaphore_mem>>) src(%arg9 : memref<512x8xf32, #tpu.memory_space<vmem>>) dst(%dma_wait3A_13 : memref<10240x8xf32, #tpu.memory_space<vmem_shared>>)
    %dma_wait3A_14 = arith.constant 0 : i32
    %dma_wait3A_15 = arith.constant 0 : i32
    %dma_wait3A_16 = tpu.memref_slice %arg8[%dma_wait3A_14, %dma_wait3A_15] : memref<20x512xi32, #tpu.memory_space<vmem>> -> memref<1x512xi32, #tpu.memory_space<vmem>>
    %dma_wait3A_17 = tpu.memref_squeeze %dma_wait3A_16 : memref<1x512xi32, #tpu.memory_space<vmem>> -> memref<512xi32, #tpu.memory_space<vmem>>
    %dma_wait3A_18 = arith.constant 0 : i32
    %dma_wait3A_19 = arith.constant 0 : i32
    %dma_wait3A_20 = tpu.memref_slice %arg11[%dma_wait3A_18, %dma_wait3A_19] : memref<10240x8xf32, #tpu.memory_space<vmem_shared>> -> memref<10240x8xf32, #tpu.memory_space<vmem_shared>>
    tpu.wait_indirect_dma semaphore(%arg13 : memref<!tpu.dma_semaphore, #tpu.memory_space<semaphore_mem>>) src(%arg9 : memref<512x8xf32, #tpu.memory_space<vmem>>) dst(%dma_wait3A_20 : memref<10240x8xf32, #tpu.memory_space<vmem_shared>>)
    %barrier3A_21 = arith.constant 0 : index
    tpu.barrier barrier_id(%barrier3A_21)
    %run_scoped3A = arith.constant 0 : i32
    "tpu.region"() ({
      %run_scoped3A_23 = tpu.sem_alloc : memref<!tpu.dma_semaphore, #tpu.memory_space<semaphore_mem>>
      %dma_start3A = arith.constant 0 : i32
      %dma_start3A_24 = tpu.memref_slice %arg6[%arg0, %run_scoped3A, %mul3A_2, %dma_start3A] : memref<2x2x10240x8xf32, #tpu.memory_space<hbm>> -> memref<1x1x640x8xf32, #tpu.memory_space<hbm>>
      %dma_start3A_25 = tpu.memref_squeeze %dma_start3A_24 : memref<1x1x640x8xf32, #tpu.memory_space<hbm>> -> memref<640x8xf32, #tpu.memory_space<hbm>>
      %dma_start3A_26 = arith.constant 0 : i32
      %dma_start3A_27 = tpu.memref_slice %arg10[%mul3A_2, %dma_start3A_26] : memref<10240x8xf32, #tpu.memory_space<vmem_shared>> -> memref<640x8xf32, #tpu.memory_space<vmem_shared>>
      tpu.enqueue_dma source(%dma_start3A_27 : memref<640x8xf32, #tpu.memory_space<vmem_shared>>) target(%dma_start3A_25 : memref<640x8xf32, #tpu.memory_space<hbm>>) target_semaphore(%run_scoped3A_23 : memref<!tpu.dma_semaphore, #tpu.memory_space<semaphore_mem>>)
      %dma_wait3A_28 = arith.constant 0 : i32
      %dma_wait3A_29 = tpu.memref_slice %arg6[%arg0, %run_scoped3A, %mul3A_2, %dma_wait3A_28] : memref<2x2x10240x8xf32, #tpu.memory_space<hbm>> -> memref<1x1x640x8xf32, #tpu.memory_space<hbm>>
      %dma_wait3A_30 = tpu.memref_squeeze %dma_wait3A_29 : memref<1x1x640x8xf32, #tpu.memory_space<hbm>> -> memref<640x8xf32, #tpu.memory_space<hbm>>
      %dma_wait3A_31 = arith.constant 0 : i32
      %dma_wait3A_32 = tpu.memref_slice %arg10[%mul3A_2, %dma_wait3A_31] : memref<10240x8xf32, #tpu.memory_space<vmem_shared>> -> memref<640x8xf32, #tpu.memory_space<vmem_shared>>
      tpu.wait_dma2 semaphore(%run_scoped3A_23 : memref<!tpu.dma_semaphore, #tpu.memory_space<semaphore_mem>>) src(%dma_wait3A_32 : memref<640x8xf32, #tpu.memory_space<vmem_shared>>) dst(%dma_wait3A_30 : memref<640x8xf32, #tpu.memory_space<hbm>>)
      tpu.yield
    }) : () -> ()
    %run_scoped3A_22 = arith.constant 1 : i32
    "tpu.region"() ({
      %run_scoped3A_23 = tpu.sem_alloc : memref<!tpu.dma_semaphore, #tpu.memory_space<semaphore_mem>>
      %dma_start3A = arith.constant 0 : i32
      %dma_start3A_24 = tpu.memref_slice %arg6[%arg0, %run_scoped3A_22, %mul3A_2, %dma_start3A] : memref<2x2x10240x8xf32, #tpu.memory_space<hbm>> -> memref<1x1x640x8xf32, #tpu.memory_space<hbm>>
      %dma_start3A_25 = tpu.memref_squeeze %dma_start3A_24 : memref<1x1x640x8xf32, #tpu.memory_space<hbm>> -> memref<640x8xf32, #tpu.memory_space<hbm>>
      %dma_start3A_26 = arith.constant 0 : i32
      %dma_start3A_27 = tpu.memref_slice %arg11[%mul3A_2, %dma_start3A_26] : memref<10240x8xf32, #tpu.memory_space<vmem_shared>> -> memref<640x8xf32, #tpu.memory_space<vmem_shared>>
      tpu.enqueue_dma source(%dma_start3A_27 : memref<640x8xf32, #tpu.memory_space<vmem_shared>>) target(%dma_start3A_25 : memref<640x8xf32, #tpu.memory_space<hbm>>) target_semaphore(%run_scoped3A_23 : memref<!tpu.dma_semaphore, #tpu.memory_space<semaphore_mem>>)
      %dma_wait3A_28 = arith.constant 0 : i32
      %dma_wait3A_29 = tpu.memref_slice %arg6[%arg0, %run_scoped3A_22, %mul3A_2, %dma_wait3A_28] : memref<2x2x10240x8xf32, #tpu.memory_space<hbm>> -> memref<1x1x640x8xf32, #tpu.memory_space<hbm>>
      %dma_wait3A_30 = tpu.memref_squeeze %dma_wait3A_29 : memref<1x1x640x8xf32, #tpu.memory_space<hbm>> -> memref<640x8xf32, #tpu.memory_space<hbm>>
      %dma_wait3A_31 = arith.constant 0 : i32
      %dma_wait3A_32 = tpu.memref_slice %arg11[%mul3A_2, %dma_wait3A_31] : memref<10240x8xf32, #tpu.memory_space<vmem_shared>> -> memref<640x8xf32, #tpu.memory_space<vmem_shared>>
      tpu.wait_dma2 semaphore(%run_scoped3A_23 : memref<!tpu.dma_semaphore, #tpu.memory_space<semaphore_mem>>) src(%dma_wait3A_32 : memref<640x8xf32, #tpu.memory_space<vmem_shared>>) dst(%dma_wait3A_30 : memref<640x8xf32, #tpu.memory_space<hbm>>)
      tpu.yield
    }) : () -> ()
    return
  }
}

#map = affine_map<(d0, d1) -> (0, 0, 0)>
#map1 = affine_map<(d0, d1) -> (0, 0, 0, 0)>
#map2 = affine_map<(d0, d1) -> (0)>
#map3 = affine_map<(d0, d1) -> (0, 0)>
module attributes {stable_mosaic.version = 14 : i64} {
  func.func @_sc_agg2(%arg0: i32, %arg1: i32, %arg2: memref<2x10240x16xf32, #tpu.memory_space<hbm>>, %arg3: memref<2x2x10240x8xf32, #tpu.memory_space<hbm>>, %arg4: memref<16xf32, #tpu.memory_space<hbm>>, %arg5: memref<32x20x512xi32, #tpu.memory_space<hbm>>, %arg6: memref<32x20x512xi32, #tpu.memory_space<hbm>>, %arg7: memref<10240x16xf32, #tpu.memory_space<hbm>>, %arg8: memref<2x10240x16xf32, #tpu.memory_space<hbm>>, %arg9: memref<20x512xi32, #tpu.memory_space<vmem>>, %arg10: memref<20x512xi32, #tpu.memory_space<vmem>>, %arg11: memref<512x16xf32, #tpu.memory_space<vmem>>, %arg12: memref<512x16xf32, #tpu.memory_space<vmem>>, %arg13: memref<640x16xf32, #tpu.memory_space<vmem>>, %arg14: memref<640x16xf32, #tpu.memory_space<vmem>>, %arg15: memref<640xf32, #tpu.memory_space<vmem>>, %arg16: memref<640xf32, #tpu.memory_space<vmem>>, %arg17: memref<640x8xf32, #tpu.memory_space<vmem>>, %arg18: memref<640x8xf32, #tpu.memory_space<vmem>>, %arg19: memref<16xf32, #tpu.memory_space<vmem>>, %arg20: memref<10240x16xf32, #tpu.memory_space<vmem_shared>>, %arg21: memref<10240x16xf32, #tpu.memory_space<vmem_shared>>, %arg22: memref<!tpu.dma_semaphore, #tpu.memory_space<semaphore_mem>>, %arg23: memref<!tpu.dma_semaphore, #tpu.memory_space<semaphore_mem>>, %arg24: memref<!tpu.dma_semaphore, #tpu.memory_space<semaphore_mem>>, %arg25: memref<!tpu.dma_semaphore, #tpu.memory_space<semaphore_mem>>) attributes {dimension_semantics = [#tpu.dimension_semantics<core_parallel>, #tpu.dimension_semantics<subcore_parallel>], iteration_bounds = array<i64: 2, 16>, scalar_prefetch = 0 : i64, scratch_operands = 17 : i64, tpu.core_type = #tpu.core_type<sc_vector_subcore>, window_params = [{transform_indices = #map}, {transform_indices = #map1}, {transform_indices = #map2}, {transform_indices = #map}, {transform_indices = #map}, {transform_indices = #map3}, {transform_indices = #map}]} {
    %mul3A = arith.constant 2 : i32
    %mul3A_0 = arith.muli %arg1, %mul3A : i32
    %add3A = arith.addi %mul3A_0, %arg0 : i32
    "tpu.region"() ({
      %run_scoped3A_61 = tpu.sem_alloc : memref<!tpu.dma_semaphore, #tpu.memory_space<semaphore_mem>>
      %dma_start3A_62 = arith.constant 0 : i32
      %dma_start3A_63 = arith.constant 0 : i32
      %dma_start3A_64 = tpu.memref_slice %arg5[%add3A, %dma_start3A_62, %dma_start3A_63] : memref<32x20x512xi32, #tpu.memory_space<hbm>> -> memref<1x20x512xi32, #tpu.memory_space<hbm>>
      %dma_start3A_65 = tpu.memref_squeeze %dma_start3A_64 : memref<1x20x512xi32, #tpu.memory_space<hbm>> -> memref<20x512xi32, #tpu.memory_space<hbm>>
      %dma_start3A_66 = arith.constant 0 : i32
      %dma_start3A_67 = arith.constant 0 : i32
      %dma_start3A_68 = tpu.memref_slice %arg5[%add3A, %dma_start3A_66, %dma_start3A_67] : memref<32x20x512xi32, #tpu.memory_space<hbm>> -> memref<1x20x512xi32, #tpu.memory_space<hbm>>
      %dma_start3A_69 = tpu.memref_squeeze %dma_start3A_68 : memref<1x20x512xi32, #tpu.memory_space<hbm>> -> memref<20x512xi32, #tpu.memory_space<hbm>>
      tpu.enqueue_dma source(%dma_start3A_69 : memref<20x512xi32, #tpu.memory_space<hbm>>) target(%arg9 : memref<20x512xi32, #tpu.memory_space<vmem>>) target_semaphore(%run_scoped3A_61 : memref<!tpu.dma_semaphore, #tpu.memory_space<semaphore_mem>>)
      %dma_wait3A_70 = arith.constant 0 : i32
      %dma_wait3A_71 = arith.constant 0 : i32
      %dma_wait3A_72 = tpu.memref_slice %arg5[%add3A, %dma_wait3A_70, %dma_wait3A_71] : memref<32x20x512xi32, #tpu.memory_space<hbm>> -> memref<1x20x512xi32, #tpu.memory_space<hbm>>
      %dma_wait3A_73 = tpu.memref_squeeze %dma_wait3A_72 : memref<1x20x512xi32, #tpu.memory_space<hbm>> -> memref<20x512xi32, #tpu.memory_space<hbm>>
      %dma_wait3A_74 = arith.constant 0 : i32
      %dma_wait3A_75 = arith.constant 0 : i32
      %dma_wait3A_76 = tpu.memref_slice %arg5[%add3A, %dma_wait3A_74, %dma_wait3A_75] : memref<32x20x512xi32, #tpu.memory_space<hbm>> -> memref<1x20x512xi32, #tpu.memory_space<hbm>>
      %dma_wait3A_77 = tpu.memref_squeeze %dma_wait3A_76 : memref<1x20x512xi32, #tpu.memory_space<hbm>> -> memref<20x512xi32, #tpu.memory_space<hbm>>
      tpu.wait_dma2 semaphore(%run_scoped3A_61 : memref<!tpu.dma_semaphore, #tpu.memory_space<semaphore_mem>>) src(%dma_wait3A_77 : memref<20x512xi32, #tpu.memory_space<hbm>>) dst(%arg9 : memref<20x512xi32, #tpu.memory_space<vmem>>)
      tpu.yield
    }) : () -> ()
    "tpu.region"() ({
      %run_scoped3A_61 = tpu.sem_alloc : memref<!tpu.dma_semaphore, #tpu.memory_space<semaphore_mem>>
      %dma_start3A_62 = arith.constant 0 : i32
      %dma_start3A_63 = arith.constant 0 : i32
      %dma_start3A_64 = tpu.memref_slice %arg6[%add3A, %dma_start3A_62, %dma_start3A_63] : memref<32x20x512xi32, #tpu.memory_space<hbm>> -> memref<1x20x512xi32, #tpu.memory_space<hbm>>
      %dma_start3A_65 = tpu.memref_squeeze %dma_start3A_64 : memref<1x20x512xi32, #tpu.memory_space<hbm>> -> memref<20x512xi32, #tpu.memory_space<hbm>>
      %dma_start3A_66 = arith.constant 0 : i32
      %dma_start3A_67 = arith.constant 0 : i32
      %dma_start3A_68 = tpu.memref_slice %arg6[%add3A, %dma_start3A_66, %dma_start3A_67] : memref<32x20x512xi32, #tpu.memory_space<hbm>> -> memref<1x20x512xi32, #tpu.memory_space<hbm>>
      %dma_start3A_69 = tpu.memref_squeeze %dma_start3A_68 : memref<1x20x512xi32, #tpu.memory_space<hbm>> -> memref<20x512xi32, #tpu.memory_space<hbm>>
      tpu.enqueue_dma source(%dma_start3A_69 : memref<20x512xi32, #tpu.memory_space<hbm>>) target(%arg10 : memref<20x512xi32, #tpu.memory_space<vmem>>) target_semaphore(%run_scoped3A_61 : memref<!tpu.dma_semaphore, #tpu.memory_space<semaphore_mem>>)
      %dma_wait3A_70 = arith.constant 0 : i32
      %dma_wait3A_71 = arith.constant 0 : i32
      %dma_wait3A_72 = tpu.memref_slice %arg6[%add3A, %dma_wait3A_70, %dma_wait3A_71] : memref<32x20x512xi32, #tpu.memory_space<hbm>> -> memref<1x20x512xi32, #tpu.memory_space<hbm>>
      %dma_wait3A_73 = tpu.memref_squeeze %dma_wait3A_72 : memref<1x20x512xi32, #tpu.memory_space<hbm>> -> memref<20x512xi32, #tpu.memory_space<hbm>>
      %dma_wait3A_74 = arith.constant 0 : i32
      %dma_wait3A_75 = arith.constant 0 : i32
      %dma_wait3A_76 = tpu.memref_slice %arg6[%add3A, %dma_wait3A_74, %dma_wait3A_75] : memref<32x20x512xi32, #tpu.memory_space<hbm>> -> memref<1x20x512xi32, #tpu.memory_space<hbm>>
      %dma_wait3A_77 = tpu.memref_squeeze %dma_wait3A_76 : memref<1x20x512xi32, #tpu.memory_space<hbm>> -> memref<20x512xi32, #tpu.memory_space<hbm>>
      tpu.wait_dma2 semaphore(%run_scoped3A_61 : memref<!tpu.dma_semaphore, #tpu.memory_space<semaphore_mem>>) src(%dma_wait3A_77 : memref<20x512xi32, #tpu.memory_space<hbm>>) dst(%arg10 : memref<20x512xi32, #tpu.memory_space<vmem>>)
      tpu.yield
    }) : () -> ()
    %mul3A_1 = arith.constant 640 : i32
    %mul3A_2 = arith.muli %arg1, %mul3A_1 : i32
    %run_scoped3A = arith.constant 0 : i32
    %run_scoped3A_3 = arith.constant 0 : i32
    "tpu.region"() ({
      %run_scoped3A_61 = tpu.sem_alloc : memref<!tpu.dma_semaphore, #tpu.memory_space<semaphore_mem>>
      %dma_start3A_62 = arith.constant 0 : i32
      %dma_start3A_63 = tpu.memref_slice %arg3[%run_scoped3A, %run_scoped3A_3, %mul3A_2, %dma_start3A_62] : memref<2x2x10240x8xf32, #tpu.memory_space<hbm>> -> memref<1x1x640x8xf32, #tpu.memory_space<hbm>>
      %dma_start3A_64 = tpu.memref_squeeze %dma_start3A_63 : memref<1x1x640x8xf32, #tpu.memory_space<hbm>> -> memref<640x8xf32, #tpu.memory_space<hbm>>
      %dma_start3A_65 = arith.constant 0 : i32
      %dma_start3A_66 = tpu.memref_slice %arg3[%run_scoped3A, %run_scoped3A_3, %mul3A_2, %dma_start3A_65] : memref<2x2x10240x8xf32, #tpu.memory_space<hbm>> -> memref<1x1x640x8xf32, #tpu.memory_space<hbm>>
      %dma_start3A_67 = tpu.memref_squeeze %dma_start3A_66 : memref<1x1x640x8xf32, #tpu.memory_space<hbm>> -> memref<640x8xf32, #tpu.memory_space<hbm>>
      tpu.enqueue_dma source(%dma_start3A_67 : memref<640x8xf32, #tpu.memory_space<hbm>>) target(%arg17 : memref<640x8xf32, #tpu.memory_space<vmem>>) target_semaphore(%run_scoped3A_61 : memref<!tpu.dma_semaphore, #tpu.memory_space<semaphore_mem>>)
      %dma_wait3A_68 = arith.constant 0 : i32
      %dma_wait3A_69 = tpu.memref_slice %arg3[%run_scoped3A, %run_scoped3A_3, %mul3A_2, %dma_wait3A_68] : memref<2x2x10240x8xf32, #tpu.memory_space<hbm>> -> memref<1x1x640x8xf32, #tpu.memory_space<hbm>>
      %dma_wait3A_70 = tpu.memref_squeeze %dma_wait3A_69 : memref<1x1x640x8xf32, #tpu.memory_space<hbm>> -> memref<640x8xf32, #tpu.memory_space<hbm>>
      %dma_wait3A_71 = arith.constant 0 : i32
      %dma_wait3A_72 = tpu.memref_slice %arg3[%run_scoped3A, %run_scoped3A_3, %mul3A_2, %dma_wait3A_71] : memref<2x2x10240x8xf32, #tpu.memory_space<hbm>> -> memref<1x1x640x8xf32, #tpu.memory_space<hbm>>
      %dma_wait3A_73 = tpu.memref_squeeze %dma_wait3A_72 : memref<1x1x640x8xf32, #tpu.memory_space<hbm>> -> memref<640x8xf32, #tpu.memory_space<hbm>>
      tpu.wait_dma2 semaphore(%run_scoped3A_61 : memref<!tpu.dma_semaphore, #tpu.memory_space<semaphore_mem>>) src(%dma_wait3A_73 : memref<640x8xf32, #tpu.memory_space<hbm>>) dst(%arg17 : memref<640x8xf32, #tpu.memory_space<vmem>>)
      tpu.yield
    }) : () -> ()
    %run_scoped3A_4 = arith.constant 1 : i32
    %run_scoped3A_5 = arith.constant 0 : i32
    "tpu.region"() ({
      %run_scoped3A_61 = tpu.sem_alloc : memref<!tpu.dma_semaphore, #tpu.memory_space<semaphore_mem>>
      %dma_start3A_62 = arith.constant 0 : i32
      %dma_start3A_63 = tpu.memref_slice %arg3[%run_scoped3A_4, %run_scoped3A_5, %mul3A_2, %dma_start3A_62] : memref<2x2x10240x8xf32, #tpu.memory_space<hbm>> -> memref<1x1x640x8xf32, #tpu.memory_space<hbm>>
      %dma_start3A_64 = tpu.memref_squeeze %dma_start3A_63 : memref<1x1x640x8xf32, #tpu.memory_space<hbm>> -> memref<640x8xf32, #tpu.memory_space<hbm>>
      %dma_start3A_65 = arith.constant 0 : i32
      %dma_start3A_66 = tpu.memref_slice %arg3[%run_scoped3A_4, %run_scoped3A_5, %mul3A_2, %dma_start3A_65] : memref<2x2x10240x8xf32, #tpu.memory_space<hbm>> -> memref<1x1x640x8xf32, #tpu.memory_space<hbm>>
      %dma_start3A_67 = tpu.memref_squeeze %dma_start3A_66 : memref<1x1x640x8xf32, #tpu.memory_space<hbm>> -> memref<640x8xf32, #tpu.memory_space<hbm>>
      tpu.enqueue_dma source(%dma_start3A_67 : memref<640x8xf32, #tpu.memory_space<hbm>>) target(%arg18 : memref<640x8xf32, #tpu.memory_space<vmem>>) target_semaphore(%run_scoped3A_61 : memref<!tpu.dma_semaphore, #tpu.memory_space<semaphore_mem>>)
      %dma_wait3A_68 = arith.constant 0 : i32
      %dma_wait3A_69 = tpu.memref_slice %arg3[%run_scoped3A_4, %run_scoped3A_5, %mul3A_2, %dma_wait3A_68] : memref<2x2x10240x8xf32, #tpu.memory_space<hbm>> -> memref<1x1x640x8xf32, #tpu.memory_space<hbm>>
      %dma_wait3A_70 = tpu.memref_squeeze %dma_wait3A_69 : memref<1x1x640x8xf32, #tpu.memory_space<hbm>> -> memref<640x8xf32, #tpu.memory_space<hbm>>
      %dma_wait3A_71 = arith.constant 0 : i32
      %dma_wait3A_72 = tpu.memref_slice %arg3[%run_scoped3A_4, %run_scoped3A_5, %mul3A_2, %dma_wait3A_71] : memref<2x2x10240x8xf32, #tpu.memory_space<hbm>> -> memref<1x1x640x8xf32, #tpu.memory_space<hbm>>
      %dma_wait3A_73 = tpu.memref_squeeze %dma_wait3A_72 : memref<1x1x640x8xf32, #tpu.memory_space<hbm>> -> memref<640x8xf32, #tpu.memory_space<hbm>>
      tpu.wait_dma2 semaphore(%run_scoped3A_61 : memref<!tpu.dma_semaphore, #tpu.memory_space<semaphore_mem>>) src(%dma_wait3A_73 : memref<640x8xf32, #tpu.memory_space<hbm>>) dst(%arg18 : memref<640x8xf32, #tpu.memory_space<vmem>>)
      tpu.yield
    }) : () -> ()
    %scan3A = arith.constant 0 : i32
    %scan3A_6 = arith.constant 0 : i32
    %scan3A_7 = arith.constant 40 : i32
    %scan3A_8 = arith.addi %scan3A_6, %scan3A_7 : i32
    %scan3A_9 = arith.constant 1 : i32
    scf.for %scan3A_61 = %scan3A_6 to %scan3A_8 step %scan3A_9  : i32 {
      %iota3A = tpu.iota {dimensions = array<i32: 0>} : vector<16xi32>
      %mul3A_62 = arith.constant 16 : i32
      %mul3A_63 = arith.muli %scan3A_61, %mul3A_62 : i32
      %add3A_64 = vector.broadcast %mul3A_63 : i32 to vector<16xi32>
      %add3A_65 = arith.addi %iota3A, %add3A_64 : vector<16xi32>
      %broadcast_in_dim3A = arith.constant 0 : i32
      %broadcast_in_dim3A_66 = vector.broadcast %broadcast_in_dim3A : i32 to vector<16xi32>
      %gather3A = tpu.vector_load_idx %arg17[%add3A_65, %broadcast_in_dim3A_66] : memref<640x8xf32, #tpu.memory_space<vmem>>[vector<16xi32>, vector<16xi32>], vector<16xf32>,
      %iota3A_67 = tpu.iota {dimensions = array<i32: 0>} : vector<16xi32>
      %mul3A_68 = arith.constant 16 : i32
      %mul3A_69 = arith.muli %scan3A_61, %mul3A_68 : i32
      %add3A_70 = vector.broadcast %mul3A_69 : i32 to vector<16xi32>
      %add3A_71 = arith.addi %iota3A_67, %add3A_70 : vector<16xi32>
      %broadcast_in_dim3A_72 = arith.constant 0 : i32
      %broadcast_in_dim3A_73 = vector.broadcast %broadcast_in_dim3A_72 : i32 to vector<16xi32>
      %gather3A_74 = tpu.vector_load_idx %arg18[%add3A_71, %broadcast_in_dim3A_73] : memref<640x8xf32, #tpu.memory_space<vmem>>[vector<16xi32>, vector<16xi32>], vector<16xf32>,
      %add3A_75 = arith.addf %gather3A, %gather3A_74 : vector<16xf32>
      %max3A = arith.constant 1.000000e+00 : f32
      %max3A_76 = vector.broadcast %max3A : f32 to vector<16xf32>
      %max3A_77 = arith.maximumf %add3A_75, %max3A_76 : vector<16xf32>
      %bitcast3A = vector.bitcast %max3A_77 : vector<16xf32> to vector<16xi32>
      %shift_right_arithmetic3A = arith.constant 1 : i32
      %shift_right_arithmetic3A_78 = vector.broadcast %shift_right_arithmetic3A : i32 to vector<16xi32>
      %shift_right_arithmetic3A_79 = arith.shrsi %bitcast3A, %shift_right_arithmetic3A_78 : vector<16xi32>
      %sub3A = arith.constant 1597463007 : i32
      %sub3A_80 = vector.broadcast %sub3A : i32 to vector<16xi32>
      %sub3A_81 = arith.subi %sub3A_80, %shift_right_arithmetic3A_79 : vector<16xi32>
      %bitcast3A_82 = vector.bitcast %sub3A_81 : vector<16xi32> to vector<16xf32>
      %mul3A_83 = arith.constant 5.000000e-01 : f32
      %mul3A_84 = vector.broadcast %mul3A_83 : f32 to vector<16xf32>
      %mul3A_85 = arith.mulf %mul3A_84, %max3A_77 : vector<16xf32>
      %mul3A_86 = arith.mulf %mul3A_85, %bitcast3A_82 : vector<16xf32>
      %mul3A_87 = arith.mulf %mul3A_86, %bitcast3A_82 : vector<16xf32>
      %sub3A_88 = arith.constant 1.500000e+00 : f32
      %sub3A_89 = vector.broadcast %sub3A_88 : f32 to vector<16xf32>
      %sub3A_90 = arith.subf %sub3A_89, %mul3A_87 : vector<16xf32>
      %mul3A_91 = arith.mulf %bitcast3A_82, %sub3A_90 : vector<16xf32>
      %mul3A_92 = arith.constant 5.000000e-01 : f32
      %mul3A_93 = vector.broadcast %mul3A_92 : f32 to vector<16xf32>
      %mul3A_94 = arith.mulf %mul3A_93, %max3A_77 : vector<16xf32>
      %mul3A_95 = arith.mulf %mul3A_94, %mul3A_91 : vector<16xf32>
      %mul3A_96 = arith.mulf %mul3A_95, %mul3A_91 : vector<16xf32>
      %sub3A_97 = arith.constant 1.500000e+00 : f32
      %sub3A_98 = vector.broadcast %sub3A_97 : f32 to vector<16xf32>
      %sub3A_99 = arith.subf %sub3A_98, %mul3A_96 : vector<16xf32>
      %mul3A_100 = arith.mulf %mul3A_91, %sub3A_99 : vector<16xf32>
      %mul3A_101 = arith.constant 5.000000e-01 : f32
      %mul3A_102 = vector.broadcast %mul3A_101 : f32 to vector<16xf32>
      %mul3A_103 = arith.mulf %mul3A_102, %max3A_77 : vector<16xf32>
      %mul3A_104 = arith.mulf %mul3A_103, %mul3A_100 : vector<16xf32>
      %mul3A_105 = arith.mulf %mul3A_104, %mul3A_100 : vector<16xf32>
      %sub3A_106 = arith.constant 1.500000e+00 : f32
      %sub3A_107 = vector.broadcast %sub3A_106 : f32 to vector<16xf32>
      %sub3A_108 = arith.subf %sub3A_107, %mul3A_105 : vector<16xf32>
      %mul3A_109 = arith.mulf %mul3A_100, %sub3A_108 : vector<16xf32>
      %mul3A_110 = arith.constant 16 : i32
      %mul3A_111 = arith.muli %scan3A_61, %mul3A_110 : i32
      %swap3A = arith.index_cast %mul3A_111 : i32 to index
      %swap3A_112 = tpu.vector_load %arg16[%swap3A] {strides = array<i32>} : memref<640xf32, #tpu.memory_space<vmem>>, vector<16xf32>,
      tpu.vector_store %arg16[%swap3A], %mul3A_109 {strides = array<i32>} : memref<640xf32, #tpu.memory_space<vmem>>, vector<16xf32>,
    }
    %scan3A_10 = arith.constant 40 : i32
    %run_scoped3A_11 = arith.constant 0 : i32
    %run_scoped3A_12 = arith.constant 1 : i32
    "tpu.region"() ({
      %run_scoped3A_61 = tpu.sem_alloc : memref<!tpu.dma_semaphore, #tpu.memory_space<semaphore_mem>>
      %dma_start3A_62 = arith.constant 0 : i32
      %dma_start3A_63 = tpu.memref_slice %arg3[%run_scoped3A_11, %run_scoped3A_12, %mul3A_2, %dma_start3A_62] : memref<2x2x10240x8xf32, #tpu.memory_space<hbm>> -> memref<1x1x640x8xf32, #tpu.memory_space<hbm>>
      %dma_start3A_64 = tpu.memref_squeeze %dma_start3A_63 : memref<1x1x640x8xf32, #tpu.memory_space<hbm>> -> memref<640x8xf32, #tpu.memory_space<hbm>>
      %dma_start3A_65 = arith.constant 0 : i32
      %dma_start3A_66 = tpu.memref_slice %arg3[%run_scoped3A_11, %run_scoped3A_12, %mul3A_2, %dma_start3A_65] : memref<2x2x10240x8xf32, #tpu.memory_space<hbm>> -> memref<1x1x640x8xf32, #tpu.memory_space<hbm>>
      %dma_start3A_67 = tpu.memref_squeeze %dma_start3A_66 : memref<1x1x640x8xf32, #tpu.memory_space<hbm>> -> memref<640x8xf32, #tpu.memory_space<hbm>>
      tpu.enqueue_dma source(%dma_start3A_67 : memref<640x8xf32, #tpu.memory_space<hbm>>) target(%arg17 : memref<640x8xf32, #tpu.memory_space<vmem>>) target_semaphore(%run_scoped3A_61 : memref<!tpu.dma_semaphore, #tpu.memory_space<semaphore_mem>>)
      %dma_wait3A_68 = arith.constant 0 : i32
      %dma_wait3A_69 = tpu.memref_slice %arg3[%run_scoped3A_11, %run_scoped3A_12, %mul3A_2, %dma_wait3A_68] : memref<2x2x10240x8xf32, #tpu.memory_space<hbm>> -> memref<1x1x640x8xf32, #tpu.memory_space<hbm>>
      %dma_wait3A_70 = tpu.memref_squeeze %dma_wait3A_69 : memref<1x1x640x8xf32, #tpu.memory_space<hbm>> -> memref<640x8xf32, #tpu.memory_space<hbm>>
      %dma_wait3A_71 = arith.constant 0 : i32
      %dma_wait3A_72 = tpu.memref_slice %arg3[%run_scoped3A_11, %run_scoped3A_12, %mul3A_2, %dma_wait3A_71] : memref<2x2x10240x8xf32, #tpu.memory_space<hbm>> -> memref<1x1x640x8xf32, #tpu.memory_space<hbm>>
      %dma_wait3A_73 = tpu.memref_squeeze %dma_wait3A_72 : memref<1x1x640x8xf32, #tpu.memory_space<hbm>> -> memref<640x8xf32, #tpu.memory_space<hbm>>
      tpu.wait_dma2 semaphore(%run_scoped3A_61 : memref<!tpu.dma_semaphore, #tpu.memory_space<semaphore_mem>>) src(%dma_wait3A_73 : memref<640x8xf32, #tpu.memory_space<hbm>>) dst(%arg17 : memref<640x8xf32, #tpu.memory_space<vmem>>)
      tpu.yield
    }) : () -> ()
    %run_scoped3A_13 = arith.constant 1 : i32
    %run_scoped3A_14 = arith.constant 1 : i32
    "tpu.region"() ({
      %run_scoped3A_61 = tpu.sem_alloc : memref<!tpu.dma_semaphore, #tpu.memory_space<semaphore_mem>>
      %dma_start3A_62 = arith.constant 0 : i32
      %dma_start3A_63 = tpu.memref_slice %arg3[%run_scoped3A_13, %run_scoped3A_14, %mul3A_2, %dma_start3A_62] : memref<2x2x10240x8xf32, #tpu.memory_space<hbm>> -> memref<1x1x640x8xf32, #tpu.memory_space<hbm>>
      %dma_start3A_64 = tpu.memref_squeeze %dma_start3A_63 : memref<1x1x640x8xf32, #tpu.memory_space<hbm>> -> memref<640x8xf32, #tpu.memory_space<hbm>>
      %dma_start3A_65 = arith.constant 0 : i32
      %dma_start3A_66 = tpu.memref_slice %arg3[%run_scoped3A_13, %run_scoped3A_14, %mul3A_2, %dma_start3A_65] : memref<2x2x10240x8xf32, #tpu.memory_space<hbm>> -> memref<1x1x640x8xf32, #tpu.memory_space<hbm>>
      %dma_start3A_67 = tpu.memref_squeeze %dma_start3A_66 : memref<1x1x640x8xf32, #tpu.memory_space<hbm>> -> memref<640x8xf32, #tpu.memory_space<hbm>>
      tpu.enqueue_dma source(%dma_start3A_67 : memref<640x8xf32, #tpu.memory_space<hbm>>) target(%arg18 : memref<640x8xf32, #tpu.memory_space<vmem>>) target_semaphore(%run_scoped3A_61 : memref<!tpu.dma_semaphore, #tpu.memory_space<semaphore_mem>>)
      %dma_wait3A_68 = arith.constant 0 : i32
      %dma_wait3A_69 = tpu.memref_slice %arg3[%run_scoped3A_13, %run_scoped3A_14, %mul3A_2, %dma_wait3A_68] : memref<2x2x10240x8xf32, #tpu.memory_space<hbm>> -> memref<1x1x640x8xf32, #tpu.memory_space<hbm>>
      %dma_wait3A_70 = tpu.memref_squeeze %dma_wait3A_69 : memref<1x1x640x8xf32, #tpu.memory_space<hbm>> -> memref<640x8xf32, #tpu.memory_space<hbm>>
      %dma_wait3A_71 = arith.constant 0 : i32
      %dma_wait3A_72 = tpu.memref_slice %arg3[%run_scoped3A_13, %run_scoped3A_14, %mul3A_2, %dma_wait3A_71] : memref<2x2x10240x8xf32, #tpu.memory_space<hbm>> -> memref<1x1x640x8xf32, #tpu.memory_space<hbm>>
      %dma_wait3A_73 = tpu.memref_squeeze %dma_wait3A_72 : memref<1x1x640x8xf32, #tpu.memory_space<hbm>> -> memref<640x8xf32, #tpu.memory_space<hbm>>
      tpu.wait_dma2 semaphore(%run_scoped3A_61 : memref<!tpu.dma_semaphore, #tpu.memory_space<semaphore_mem>>) src(%dma_wait3A_73 : memref<640x8xf32, #tpu.memory_space<hbm>>) dst(%arg18 : memref<640x8xf32, #tpu.memory_space<vmem>>)
      tpu.yield
    }) : () -> ()
    %scan3A_15 = arith.constant 0 : i32
    %scan3A_16 = arith.constant 0 : i32
    %scan3A_17 = arith.constant 40 : i32
    %scan3A_18 = arith.addi %scan3A_16, %scan3A_17 : i32
    %scan3A_19 = arith.constant 1 : i32
    scf.for %scan3A_61 = %scan3A_16 to %scan3A_18 step %scan3A_19  : i32 {
      %iota3A = tpu.iota {dimensions = array<i32: 0>} : vector<16xi32>
      %mul3A_62 = arith.constant 16 : i32
      %mul3A_63 = arith.muli %scan3A_61, %mul3A_62 : i32
      %add3A_64 = vector.broadcast %mul3A_63 : i32 to vector<16xi32>
      %add3A_65 = arith.addi %iota3A, %add3A_64 : vector<16xi32>
      %broadcast_in_dim3A = arith.constant 0 : i32
      %broadcast_in_dim3A_66 = vector.broadcast %broadcast_in_dim3A : i32 to vector<16xi32>
      %gather3A = tpu.vector_load_idx %arg17[%add3A_65, %broadcast_in_dim3A_66] : memref<640x8xf32, #tpu.memory_space<vmem>>[vector<16xi32>, vector<16xi32>], vector<16xf32>,
      %iota3A_67 = tpu.iota {dimensions = array<i32: 0>} : vector<16xi32>
      %mul3A_68 = arith.constant 16 : i32
      %mul3A_69 = arith.muli %scan3A_61, %mul3A_68 : i32
      %add3A_70 = vector.broadcast %mul3A_69 : i32 to vector<16xi32>
      %add3A_71 = arith.addi %iota3A_67, %add3A_70 : vector<16xi32>
      %broadcast_in_dim3A_72 = arith.constant 0 : i32
      %broadcast_in_dim3A_73 = vector.broadcast %broadcast_in_dim3A_72 : i32 to vector<16xi32>
      %gather3A_74 = tpu.vector_load_idx %arg18[%add3A_71, %broadcast_in_dim3A_73] : memref<640x8xf32, #tpu.memory_space<vmem>>[vector<16xi32>, vector<16xi32>], vector<16xf32>,
      %add3A_75 = arith.addf %gather3A, %gather3A_74 : vector<16xf32>
      %max3A = arith.constant 1.000000e+00 : f32
      %max3A_76 = vector.broadcast %max3A : f32 to vector<16xf32>
      %max3A_77 = arith.maximumf %add3A_75, %max3A_76 : vector<16xf32>
      %bitcast3A = vector.bitcast %max3A_77 : vector<16xf32> to vector<16xi32>
      %shift_right_arithmetic3A = arith.constant 1 : i32
      %shift_right_arithmetic3A_78 = vector.broadcast %shift_right_arithmetic3A : i32 to vector<16xi32>
      %shift_right_arithmetic3A_79 = arith.shrsi %bitcast3A, %shift_right_arithmetic3A_78 : vector<16xi32>
      %sub3A = arith.constant 1597463007 : i32
      %sub3A_80 = vector.broadcast %sub3A : i32 to vector<16xi32>
      %sub3A_81 = arith.subi %sub3A_80, %shift_right_arithmetic3A_79 : vector<16xi32>
      %bitcast3A_82 = vector.bitcast %sub3A_81 : vector<16xi32> to vector<16xf32>
      %mul3A_83 = arith.constant 5.000000e-01 : f32
      %mul3A_84 = vector.broadcast %mul3A_83 : f32 to vector<16xf32>
      %mul3A_85 = arith.mulf %mul3A_84, %max3A_77 : vector<16xf32>
      %mul3A_86 = arith.mulf %mul3A_85, %bitcast3A_82 : vector<16xf32>
      %mul3A_87 = arith.mulf %mul3A_86, %bitcast3A_82 : vector<16xf32>
      %sub3A_88 = arith.constant 1.500000e+00 : f32
      %sub3A_89 = vector.broadcast %sub3A_88 : f32 to vector<16xf32>
      %sub3A_90 = arith.subf %sub3A_89, %mul3A_87 : vector<16xf32>
      %mul3A_91 = arith.mulf %bitcast3A_82, %sub3A_90 : vector<16xf32>
      %mul3A_92 = arith.constant 5.000000e-01 : f32
      %mul3A_93 = vector.broadcast %mul3A_92 : f32 to vector<16xf32>
      %mul3A_94 = arith.mulf %mul3A_93, %max3A_77 : vector<16xf32>
      %mul3A_95 = arith.mulf %mul3A_94, %mul3A_91 : vector<16xf32>
      %mul3A_96 = arith.mulf %mul3A_95, %mul3A_91 : vector<16xf32>
      %sub3A_97 = arith.constant 1.500000e+00 : f32
      %sub3A_98 = vector.broadcast %sub3A_97 : f32 to vector<16xf32>
      %sub3A_99 = arith.subf %sub3A_98, %mul3A_96 : vector<16xf32>
      %mul3A_100 = arith.mulf %mul3A_91, %sub3A_99 : vector<16xf32>
      %mul3A_101 = arith.constant 5.000000e-01 : f32
      %mul3A_102 = vector.broadcast %mul3A_101 : f32 to vector<16xf32>
      %mul3A_103 = arith.mulf %mul3A_102, %max3A_77 : vector<16xf32>
      %mul3A_104 = arith.mulf %mul3A_103, %mul3A_100 : vector<16xf32>
      %mul3A_105 = arith.mulf %mul3A_104, %mul3A_100 : vector<16xf32>
      %sub3A_106 = arith.constant 1.500000e+00 : f32
      %sub3A_107 = vector.broadcast %sub3A_106 : f32 to vector<16xf32>
      %sub3A_108 = arith.subf %sub3A_107, %mul3A_105 : vector<16xf32>
      %mul3A_109 = arith.mulf %mul3A_100, %sub3A_108 : vector<16xf32>
      %mul3A_110 = arith.constant 16 : i32
      %mul3A_111 = arith.muli %scan3A_61, %mul3A_110 : i32
      %swap3A = arith.index_cast %mul3A_111 : i32 to index
      %swap3A_112 = tpu.vector_load %arg15[%swap3A] {strides = array<i32>} : memref<640xf32, #tpu.memory_space<vmem>>, vector<16xf32>,
      tpu.vector_store %arg15[%swap3A], %mul3A_109 {strides = array<i32>} : memref<640xf32, #tpu.memory_space<vmem>>, vector<16xf32>,
    }
    %scan3A_20 = arith.constant 40 : i32
    %run_scoped3A_21 = arith.constant 0 : i32
    "tpu.region"() ({
      %run_scoped3A_61 = tpu.sem_alloc : memref<!tpu.dma_semaphore, #tpu.memory_space<semaphore_mem>>
      %dma_start3A_62 = arith.constant 0 : i32
      %dma_start3A_63 = tpu.memref_slice %arg2[%run_scoped3A_21, %mul3A_2, %dma_start3A_62] : memref<2x10240x16xf32, #tpu.memory_space<hbm>> -> memref<1x640x16xf32, #tpu.memory_space<hbm>>
      %dma_start3A_64 = tpu.memref_squeeze %dma_start3A_63 : memref<1x640x16xf32, #tpu.memory_space<hbm>> -> memref<640x16xf32, #tpu.memory_space<hbm>>
      %dma_start3A_65 = arith.constant 0 : i32
      %dma_start3A_66 = tpu.memref_slice %arg2[%run_scoped3A_21, %mul3A_2, %dma_start3A_65] : memref<2x10240x16xf32, #tpu.memory_space<hbm>> -> memref<1x640x16xf32, #tpu.memory_space<hbm>>
      %dma_start3A_67 = tpu.memref_squeeze %dma_start3A_66 : memref<1x640x16xf32, #tpu.memory_space<hbm>> -> memref<640x16xf32, #tpu.memory_space<hbm>>
      tpu.enqueue_dma source(%dma_start3A_67 : memref<640x16xf32, #tpu.memory_space<hbm>>) target(%arg13 : memref<640x16xf32, #tpu.memory_space<vmem>>) target_semaphore(%run_scoped3A_61 : memref<!tpu.dma_semaphore, #tpu.memory_space<semaphore_mem>>)
      %dma_wait3A_68 = arith.constant 0 : i32
      %dma_wait3A_69 = tpu.memref_slice %arg2[%run_scoped3A_21, %mul3A_2, %dma_wait3A_68] : memref<2x10240x16xf32, #tpu.memory_space<hbm>> -> memref<1x640x16xf32, #tpu.memory_space<hbm>>
      %dma_wait3A_70 = tpu.memref_squeeze %dma_wait3A_69 : memref<1x640x16xf32, #tpu.memory_space<hbm>> -> memref<640x16xf32, #tpu.memory_space<hbm>>
      %dma_wait3A_71 = arith.constant 0 : i32
      %dma_wait3A_72 = tpu.memref_slice %arg2[%run_scoped3A_21, %mul3A_2, %dma_wait3A_71] : memref<2x10240x16xf32, #tpu.memory_space<hbm>> -> memref<1x640x16xf32, #tpu.memory_space<hbm>>
      %dma_wait3A_73 = tpu.memref_squeeze %dma_wait3A_72 : memref<1x640x16xf32, #tpu.memory_space<hbm>> -> memref<640x16xf32, #tpu.memory_space<hbm>>
      tpu.wait_dma2 semaphore(%run_scoped3A_61 : memref<!tpu.dma_semaphore, #tpu.memory_space<semaphore_mem>>) src(%dma_wait3A_73 : memref<640x16xf32, #tpu.memory_space<hbm>>) dst(%arg13 : memref<640x16xf32, #tpu.memory_space<vmem>>)
      tpu.yield
    }) : () -> ()
    %run_scoped3A_22 = arith.constant 1 : i32
    "tpu.region"() ({
      %run_scoped3A_61 = tpu.sem_alloc : memref<!tpu.dma_semaphore, #tpu.memory_space<semaphore_mem>>
      %dma_start3A_62 = arith.constant 0 : i32
      %dma_start3A_63 = tpu.memref_slice %arg2[%run_scoped3A_22, %mul3A_2, %dma_start3A_62] : memref<2x10240x16xf32, #tpu.memory_space<hbm>> -> memref<1x640x16xf32, #tpu.memory_space<hbm>>
      %dma_start3A_64 = tpu.memref_squeeze %dma_start3A_63 : memref<1x640x16xf32, #tpu.memory_space<hbm>> -> memref<640x16xf32, #tpu.memory_space<hbm>>
      %dma_start3A_65 = arith.constant 0 : i32
      %dma_start3A_66 = tpu.memref_slice %arg2[%run_scoped3A_22, %mul3A_2, %dma_start3A_65] : memref<2x10240x16xf32, #tpu.memory_space<hbm>> -> memref<1x640x16xf32, #tpu.memory_space<hbm>>
      %dma_start3A_67 = tpu.memref_squeeze %dma_start3A_66 : memref<1x640x16xf32, #tpu.memory_space<hbm>> -> memref<640x16xf32, #tpu.memory_space<hbm>>
      tpu.enqueue_dma source(%dma_start3A_67 : memref<640x16xf32, #tpu.memory_space<hbm>>) target(%arg14 : memref<640x16xf32, #tpu.memory_space<vmem>>) target_semaphore(%run_scoped3A_61 : memref<!tpu.dma_semaphore, #tpu.memory_space<semaphore_mem>>)
      %dma_wait3A_68 = arith.constant 0 : i32
      %dma_wait3A_69 = tpu.memref_slice %arg2[%run_scoped3A_22, %mul3A_2, %dma_wait3A_68] : memref<2x10240x16xf32, #tpu.memory_space<hbm>> -> memref<1x640x16xf32, #tpu.memory_space<hbm>>
      %dma_wait3A_70 = tpu.memref_squeeze %dma_wait3A_69 : memref<1x640x16xf32, #tpu.memory_space<hbm>> -> memref<640x16xf32, #tpu.memory_space<hbm>>
      %dma_wait3A_71 = arith.constant 0 : i32
      %dma_wait3A_72 = tpu.memref_slice %arg2[%run_scoped3A_22, %mul3A_2, %dma_wait3A_71] : memref<2x10240x16xf32, #tpu.memory_space<hbm>> -> memref<1x640x16xf32, #tpu.memory_space<hbm>>
      %dma_wait3A_73 = tpu.memref_squeeze %dma_wait3A_72 : memref<1x640x16xf32, #tpu.memory_space<hbm>> -> memref<640x16xf32, #tpu.memory_space<hbm>>
      tpu.wait_dma2 semaphore(%run_scoped3A_61 : memref<!tpu.dma_semaphore, #tpu.memory_space<semaphore_mem>>) src(%dma_wait3A_73 : memref<640x16xf32, #tpu.memory_space<hbm>>) dst(%arg14 : memref<640x16xf32, #tpu.memory_space<vmem>>)
      tpu.yield
    }) : () -> ()
    "tpu.region"() ({
      %run_scoped3A_61 = tpu.sem_alloc : memref<!tpu.dma_semaphore, #tpu.memory_space<semaphore_mem>>
      tpu.enqueue_dma source(%arg4 : memref<16xf32, #tpu.memory_space<hbm>>) target(%arg19 : memref<16xf32, #tpu.memory_space<vmem>>) target_semaphore(%run_scoped3A_61 : memref<!tpu.dma_semaphore, #tpu.memory_space<semaphore_mem>>)
      tpu.wait_dma2 semaphore(%run_scoped3A_61 : memref<!tpu.dma_semaphore, #tpu.memory_space<semaphore_mem>>) src(%arg4 : memref<16xf32, #tpu.memory_space<hbm>>) dst(%arg19 : memref<16xf32, #tpu.memory_space<vmem>>)
      tpu.yield
    }) : () -> ()
    %scan3A_23 = arith.constant 0 : i32
    %scan3A_24 = arith.constant 0 : i32
    %scan3A_25 = arith.constant 640 : i32
    %scan3A_26 = arith.addi %scan3A_24, %scan3A_25 : i32
    %scan3A_27 = arith.constant 1 : i32
    scf.for %scan3A_61 = %scan3A_24 to %scan3A_26 step %scan3A_27  : i32 {
      %get3A = arith.index_cast %scan3A_61 : i32 to index
      %get3A_62 = arith.constant 0 : index
      %get3A_63 = tpu.vector_load %arg13[%get3A, %get3A_62] {strides = array<i32>} : memref<640x16xf32, #tpu.memory_space<vmem>>, vector<16xf32>,
      %get3A_64 = arith.index_cast %scan3A_61 : i32 to index
      %get3A_65 = arith.constant 0 : index
      %get3A_66 = tpu.vector_load %arg14[%get3A_64, %get3A_65] {strides = array<i32>} : memref<640x16xf32, #tpu.memory_space<vmem>>, vector<16xf32>,
      %add3A_67 = arith.addf %get3A_63, %get3A_66 : vector<16xf32>
      %broadcast_in_dim3A = vector.broadcast %scan3A_61 : i32 to vector<16xi32>
      %gather3A = tpu.vector_load_idx %arg15[%broadcast_in_dim3A] : memref<640xf32, #tpu.memory_space<vmem>>[vector<16xi32>], vector<16xf32>,
      %mul3A_68 = arith.mulf %add3A_67, %gather3A : vector<16xf32>
      %get3A_69 = arith.constant 0 : index
      %get3A_70 = tpu.vector_load %arg19[%get3A_69] {strides = array<i32>} : memref<16xf32, #tpu.memory_space<vmem>>, vector<16xf32>,
      %add3A_71 = arith.addf %mul3A_68, %get3A_70 : vector<16xf32>
      %max3A = arith.constant 0.000000e+00 : f32
      %max3A_72 = vector.broadcast %max3A : f32 to vector<16xf32>
      %max3A_73 = arith.maximumf %add3A_71, %max3A_72 : vector<16xf32>
      %broadcast_in_dim3A_74 = vector.broadcast %scan3A_61 : i32 to vector<16xi32>
      %gather3A_75 = tpu.vector_load_idx %arg16[%broadcast_in_dim3A_74] : memref<640xf32, #tpu.memory_space<vmem>>[vector<16xi32>], vector<16xf32>,
      %mul3A_76 = arith.mulf %max3A_73, %gather3A_75 : vector<16xf32>
      %swap3A = arith.index_cast %scan3A_61 : i32 to index
      %swap3A_77 = arith.constant 0 : index
      %swap3A_78 = tpu.vector_load %arg13[%swap3A, %swap3A_77] {strides = array<i32>} : memref<640x16xf32, #tpu.memory_space<vmem>>, vector<16xf32>,
      tpu.vector_store %arg13[%swap3A, %swap3A_77], %mul3A_76 {strides = array<i32>} : memref<640x16xf32, #tpu.memory_space<vmem>>, vector<16xf32>,
    }
    %scan3A_28 = arith.constant 640 : i32
    "tpu.region"() ({
      %run_scoped3A_61 = tpu.sem_alloc : memref<!tpu.dma_semaphore, #tpu.memory_space<semaphore_mem>>
      %dma_start3A_62 = arith.constant 0 : i32
      %dma_start3A_63 = tpu.memref_slice %arg20[%mul3A_2, %dma_start3A_62] : memref<10240x16xf32, #tpu.memory_space<vmem_shared>> -> memref<640x16xf32, #tpu.memory_space<vmem_shared>>
      %dma_start3A_64 = arith.constant 0 : i32
      %dma_start3A_65 = tpu.memref_slice %arg20[%mul3A_2, %dma_start3A_64] : memref<10240x16xf32, #tpu.memory_space<vmem_shared>> -> memref<640x16xf32, #tpu.memory_space<vmem_shared>>
      tpu.enqueue_dma source(%arg13 : memref<640x16xf32, #tpu.memory_space<vmem>>) target(%dma_start3A_65 : memref<640x16xf32, #tpu.memory_space<vmem_shared>>) target_semaphore(%run_scoped3A_61 : memref<!tpu.dma_semaphore, #tpu.memory_space<semaphore_mem>>)
      %dma_wait3A_66 = arith.constant 0 : i32
      %dma_wait3A_67 = tpu.memref_slice %arg20[%mul3A_2, %dma_wait3A_66] : memref<10240x16xf32, #tpu.memory_space<vmem_shared>> -> memref<640x16xf32, #tpu.memory_space<vmem_shared>>
      %dma_wait3A_68 = arith.constant 0 : i32
      %dma_wait3A_69 = tpu.memref_slice %arg20[%mul3A_2, %dma_wait3A_68] : memref<10240x16xf32, #tpu.memory_space<vmem_shared>> -> memref<640x16xf32, #tpu.memory_space<vmem_shared>>
      tpu.wait_dma2 semaphore(%run_scoped3A_61 : memref<!tpu.dma_semaphore, #tpu.memory_space<semaphore_mem>>) src(%arg13 : memref<640x16xf32, #tpu.memory_space<vmem>>) dst(%dma_wait3A_69 : memref<640x16xf32, #tpu.memory_space<vmem_shared>>)
      tpu.yield
    }) : () -> ()
    "tpu.region"() ({
      %run_scoped3A_61 = tpu.sem_alloc : memref<!tpu.dma_semaphore, #tpu.memory_space<semaphore_mem>>
      %dma_start3A_62 = arith.constant 0 : i32
      %dma_start3A_63 = tpu.memref_slice %arg21[%mul3A_2, %dma_start3A_62] : memref<10240x16xf32, #tpu.memory_space<vmem_shared>> -> memref<640x16xf32, #tpu.memory_space<vmem_shared>>
      %dma_start3A_64 = arith.constant 0 : i32
      %dma_start3A_65 = tpu.memref_slice %arg7[%mul3A_2, %dma_start3A_64] : memref<10240x16xf32, #tpu.memory_space<hbm>> -> memref<640x16xf32, #tpu.memory_space<hbm>>
      tpu.enqueue_dma source(%dma_start3A_65 : memref<640x16xf32, #tpu.memory_space<hbm>>) target(%dma_start3A_63 : memref<640x16xf32, #tpu.memory_space<vmem_shared>>) target_semaphore(%run_scoped3A_61 : memref<!tpu.dma_semaphore, #tpu.memory_space<semaphore_mem>>)
      %dma_wait3A_66 = arith.constant 0 : i32
      %dma_wait3A_67 = tpu.memref_slice %arg21[%mul3A_2, %dma_wait3A_66] : memref<10240x16xf32, #tpu.memory_space<vmem_shared>> -> memref<640x16xf32, #tpu.memory_space<vmem_shared>>
      %dma_wait3A_68 = arith.constant 0 : i32
      %dma_wait3A_69 = tpu.memref_slice %arg7[%mul3A_2, %dma_wait3A_68] : memref<10240x16xf32, #tpu.memory_space<hbm>> -> memref<640x16xf32, #tpu.memory_space<hbm>>
      tpu.wait_dma2 semaphore(%run_scoped3A_61 : memref<!tpu.dma_semaphore, #tpu.memory_space<semaphore_mem>>) src(%dma_wait3A_69 : memref<640x16xf32, #tpu.memory_space<hbm>>) dst(%dma_wait3A_67 : memref<640x16xf32, #tpu.memory_space<vmem_shared>>)
      tpu.yield
    }) : () -> ()
    %barrier3A = arith.constant 0 : index
    tpu.barrier barrier_id(%barrier3A)
    %dma_start3A = arith.constant 0 : i32
    %dma_start3A_29 = arith.constant 0 : i32
    %dma_start3A_30 = tpu.memref_slice %arg9[%dma_start3A, %dma_start3A_29] : memref<20x512xi32, #tpu.memory_space<vmem>> -> memref<1x512xi32, #tpu.memory_space<vmem>>
    %dma_start3A_31 = tpu.memref_squeeze %dma_start3A_30 : memref<1x512xi32, #tpu.memory_space<vmem>> -> memref<512xi32, #tpu.memory_space<vmem>>
    %dma_start3A_32 = arith.constant 0 : i32
    %dma_start3A_33 = arith.constant 0 : i32
    %dma_start3A_34 = tpu.memref_slice %arg20[%dma_start3A_32, %dma_start3A_33] : memref<10240x16xf32, #tpu.memory_space<vmem_shared>> -> memref<10240x16xf32, #tpu.memory_space<vmem_shared>>
    tpu.enqueue_indirect_dma source(%dma_start3A_34 : memref<10240x16xf32, #tpu.memory_space<vmem_shared>>) target(%arg11 : memref<512x16xf32, #tpu.memory_space<vmem>>) offsets(%dma_start3A_31 : memref<512xi32, #tpu.memory_space<vmem>>) semaphore(%arg22 : memref<!tpu.dma_semaphore, #tpu.memory_space<semaphore_mem>>)
    %scan3A_35 = arith.constant 0 : i32
    %scan3A_36 = arith.constant 0 : i32
    %scan3A_37 = arith.constant 10 : i32
    %scan3A_38 = arith.addi %scan3A_36, %scan3A_37 : i32
    %scan3A_39 = arith.constant 1 : i32
    scf.for %scan3A_61 = %scan3A_36 to %scan3A_38 step %scan3A_39  : i32 {
      %mul3A_62 = arith.constant 2 : i32
      %mul3A_63 = arith.muli %mul3A_62, %scan3A_61 : i32
      %add3A_64 = arith.constant 1 : i32
      %add3A_65 = arith.addi %mul3A_63, %add3A_64 : i32
      %dma_wait3A_66 = arith.constant 0 : i32
      %dma_wait3A_67 = tpu.memref_slice %arg9[%mul3A_63, %dma_wait3A_66] : memref<20x512xi32, #tpu.memory_space<vmem>> -> memref<1x512xi32, #tpu.memory_space<vmem>>
      %dma_wait3A_68 = tpu.memref_squeeze %dma_wait3A_67 : memref<1x512xi32, #tpu.memory_space<vmem>> -> memref<512xi32, #tpu.memory_space<vmem>>
      %dma_wait3A_69 = arith.constant 0 : i32
      %dma_wait3A_70 = arith.constant 0 : i32
      %dma_wait3A_71 = tpu.memref_slice %arg20[%dma_wait3A_69, %dma_wait3A_70] : memref<10240x16xf32, #tpu.memory_space<vmem_shared>> -> memref<10240x16xf32, #tpu.memory_space<vmem_shared>>
      tpu.wait_indirect_dma semaphore(%arg22 : memref<!tpu.dma_semaphore, #tpu.memory_space<semaphore_mem>>) src(%dma_wait3A_71 : memref<10240x16xf32, #tpu.memory_space<vmem_shared>>) dst(%arg11 : memref<512x16xf32, #tpu.memory_space<vmem>>)
      %gt3A = arith.constant 0 : i32
      %gt3A_72 = arith.cmpi sgt, %scan3A_61, %gt3A : i32
      %convert_element_type3A = arith.extui %gt3A_72 : i1 to i32
      %cond3A = arith.constant 0 : i32
      %cond3A_73 = arith.cmpi ne, %convert_element_type3A, %cond3A : i32
      scf.if %cond3A_73 {
        %dma_wait3A_102 = arith.constant 0 : i32
        %dma_wait3A_103 = tpu.memref_slice %arg10[%add3A_65, %dma_wait3A_102] : memref<20x512xi32, #tpu.memory_space<vmem>> -> memref<1x512xi32, #tpu.memory_space<vmem>>
        %dma_wait3A_104 = tpu.memref_squeeze %dma_wait3A_103 : memref<1x512xi32, #tpu.memory_space<vmem>> -> memref<512xi32, #tpu.memory_space<vmem>>
        %dma_wait3A_105 = arith.constant 0 : i32
        %dma_wait3A_106 = arith.constant 0 : i32
        %dma_wait3A_107 = tpu.memref_slice %arg21[%dma_wait3A_105, %dma_wait3A_106] : memref<10240x16xf32, #tpu.memory_space<vmem_shared>> -> memref<10240x16xf32, #tpu.memory_space<vmem_shared>>
        tpu.wait_indirect_dma semaphore(%arg25 : memref<!tpu.dma_semaphore, #tpu.memory_space<semaphore_mem>>) src(%arg12 : memref<512x16xf32, #tpu.memory_space<vmem>>) dst(%dma_wait3A_107 : memref<10240x16xf32, #tpu.memory_space<vmem_shared>>)
      } else {
      }
      %dma_start3A_74 = arith.constant 0 : i32
      %dma_start3A_75 = tpu.memref_slice %arg9[%add3A_65, %dma_start3A_74] : memref<20x512xi32, #tpu.memory_space<vmem>> -> memref<1x512xi32, #tpu.memory_space<vmem>>
      %dma_start3A_76 = tpu.memref_squeeze %dma_start3A_75 : memref<1x512xi32, #tpu.memory_space<vmem>> -> memref<512xi32, #tpu.memory_space<vmem>>
      %dma_start3A_77 = arith.constant 0 : i32
      %dma_start3A_78 = arith.constant 0 : i32
      %dma_start3A_79 = tpu.memref_slice %arg20[%dma_start3A_77, %dma_start3A_78] : memref<10240x16xf32, #tpu.memory_space<vmem_shared>> -> memref<10240x16xf32, #tpu.memory_space<vmem_shared>>
      tpu.enqueue_indirect_dma source(%dma_start3A_79 : memref<10240x16xf32, #tpu.memory_space<vmem_shared>>) target(%arg12 : memref<512x16xf32, #tpu.memory_space<vmem>>) offsets(%dma_start3A_76 : memref<512xi32, #tpu.memory_space<vmem>>) semaphore(%arg23 : memref<!tpu.dma_semaphore, #tpu.memory_space<semaphore_mem>>)
      %dma_start3A_80 = arith.constant 0 : i32
      %dma_start3A_81 = tpu.memref_slice %arg10[%mul3A_63, %dma_start3A_80] : memref<20x512xi32, #tpu.memory_space<vmem>> -> memref<1x512xi32, #tpu.memory_space<vmem>>
      %dma_start3A_82 = tpu.memref_squeeze %dma_start3A_81 : memref<1x512xi32, #tpu.memory_space<vmem>> -> memref<512xi32, #tpu.memory_space<vmem>>
      %dma_start3A_83 = arith.constant 0 : i32
      %dma_start3A_84 = arith.constant 0 : i32
      %dma_start3A_85 = tpu.memref_slice %arg21[%dma_start3A_83, %dma_start3A_84] : memref<10240x16xf32, #tpu.memory_space<vmem_shared>> -> memref<10240x16xf32, #tpu.memory_space<vmem_shared>>
      tpu.enqueue_indirect_dma source(%arg11 : memref<512x16xf32, #tpu.memory_space<vmem>>) target(%dma_start3A_85 : memref<10240x16xf32, #tpu.memory_space<vmem_shared>>) offsets(%dma_start3A_82 : memref<512xi32, #tpu.memory_space<vmem>>) semaphore(%arg24 : memref<!tpu.dma_semaphore, #tpu.memory_space<semaphore_mem>>) {add = true}
      %dma_wait3A_86 = arith.constant 0 : i32
      %dma_wait3A_87 = tpu.memref_slice %arg9[%add3A_65, %dma_wait3A_86] : memref<20x512xi32, #tpu.memory_space<vmem>> -> memref<1x512xi32, #tpu.memory_space<vmem>>
      %dma_wait3A_88 = tpu.memref_squeeze %dma_wait3A_87 : memref<1x512xi32, #tpu.memory_space<vmem>> -> memref<512xi32, #tpu.memory_space<vmem>>
      %dma_wait3A_89 = arith.constant 0 : i32
      %dma_wait3A_90 = arith.constant 0 : i32
      %dma_wait3A_91 = tpu.memref_slice %arg20[%dma_wait3A_89, %dma_wait3A_90] : memref<10240x16xf32, #tpu.memory_space<vmem_shared>> -> memref<10240x16xf32, #tpu.memory_space<vmem_shared>>
      tpu.wait_indirect_dma semaphore(%arg23 : memref<!tpu.dma_semaphore, #tpu.memory_space<semaphore_mem>>) src(%dma_wait3A_91 : memref<10240x16xf32, #tpu.memory_space<vmem_shared>>) dst(%arg12 : memref<512x16xf32, #tpu.memory_space<vmem>>)
      %lt3A = arith.constant 9 : i32
      %lt3A_92 = arith.cmpi slt, %scan3A_61, %lt3A : i32
      %convert_element_type3A_93 = arith.extui %lt3A_92 : i1 to i32
      %cond3A_94 = arith.constant 0 : i32
      %cond3A_95 = arith.cmpi ne, %convert_element_type3A_93, %cond3A_94 : i32
      scf.if %cond3A_95 {
        %dma_wait3A_102 = arith.constant 0 : i32
        %dma_wait3A_103 = tpu.memref_slice %arg10[%mul3A_63, %dma_wait3A_102] : memref<20x512xi32, #tpu.memory_space<vmem>> -> memref<1x512xi32, #tpu.memory_space<vmem>>
        %dma_wait3A_104 = tpu.memref_squeeze %dma_wait3A_103 : memref<1x512xi32, #tpu.memory_space<vmem>> -> memref<512xi32, #tpu.memory_space<vmem>>
        %dma_wait3A_105 = arith.constant 0 : i32
        %dma_wait3A_106 = arith.constant 0 : i32
        %dma_wait3A_107 = tpu.memref_slice %arg21[%dma_wait3A_105, %dma_wait3A_106] : memref<10240x16xf32, #tpu.memory_space<vmem_shared>> -> memref<10240x16xf32, #tpu.memory_space<vmem_shared>>
        tpu.wait_indirect_dma semaphore(%arg24 : memref<!tpu.dma_semaphore, #tpu.memory_space<semaphore_mem>>) src(%arg11 : memref<512x16xf32, #tpu.memory_space<vmem>>) dst(%dma_wait3A_107 : memref<10240x16xf32, #tpu.memory_space<vmem_shared>>)
        %add3A_108 = arith.constant 2 : i32
        %add3A_109 = arith.addi %mul3A_63, %add3A_108 : i32
        %dma_start3A_110 = arith.constant 0 : i32
        %dma_start3A_111 = tpu.memref_slice %arg9[%add3A_109, %dma_start3A_110] : memref<20x512xi32, #tpu.memory_space<vmem>> -> memref<1x512xi32, #tpu.memory_space<vmem>>
        %dma_start3A_112 = tpu.memref_squeeze %dma_start3A_111 : memref<1x512xi32, #tpu.memory_space<vmem>> -> memref<512xi32, #tpu.memory_space<vmem>>
        %dma_start3A_113 = arith.constant 0 : i32
        %dma_start3A_114 = arith.constant 0 : i32
        %dma_start3A_115 = tpu.memref_slice %arg20[%dma_start3A_113, %dma_start3A_114] : memref<10240x16xf32, #tpu.memory_space<vmem_shared>> -> memref<10240x16xf32, #tpu.memory_space<vmem_shared>>
        tpu.enqueue_indirect_dma source(%dma_start3A_115 : memref<10240x16xf32, #tpu.memory_space<vmem_shared>>) target(%arg11 : memref<512x16xf32, #tpu.memory_space<vmem>>) offsets(%dma_start3A_112 : memref<512xi32, #tpu.memory_space<vmem>>) semaphore(%arg22 : memref<!tpu.dma_semaphore, #tpu.memory_space<semaphore_mem>>)
      } else {
      }
      %dma_start3A_96 = arith.constant 0 : i32
      %dma_start3A_97 = tpu.memref_slice %arg10[%add3A_65, %dma_start3A_96] : memref<20x512xi32, #tpu.memory_space<vmem>> -> memref<1x512xi32, #tpu.memory_space<vmem>>
      %dma_start3A_98 = tpu.memref_squeeze %dma_start3A_97 : memref<1x512xi32, #tpu.memory_space<vmem>> -> memref<512xi32, #tpu.memory_space<vmem>>
      %dma_start3A_99 = arith.constant 0 : i32
      %dma_start3A_100 = arith.constant 0 : i32
      %dma_start3A_101 = tpu.memref_slice %arg21[%dma_start3A_99, %dma_start3A_100] : memref<10240x16xf32, #tpu.memory_space<vmem_shared>> -> memref<10240x16xf32, #tpu.memory_space<vmem_shared>>
      tpu.enqueue_indirect_dma source(%arg12 : memref<512x16xf32, #tpu.memory_space<vmem>>) target(%dma_start3A_101 : memref<10240x16xf32, #tpu.memory_space<vmem_shared>>) offsets(%dma_start3A_98 : memref<512xi32, #tpu.memory_space<vmem>>) semaphore(%arg25 : memref<!tpu.dma_semaphore, #tpu.memory_space<semaphore_mem>>) {add = true}
    }
    %scan3A_40 = arith.constant 10 : i32
    %dma_wait3A = arith.constant 0 : i32
    %dma_wait3A_41 = arith.constant 0 : i32
    %dma_wait3A_42 = tpu.memref_slice %arg10[%dma_wait3A, %dma_wait3A_41] : memref<20x512xi32, #tpu.memory_space<vmem>> -> memref<1x512xi32, #tpu.memory_space<vmem>>
    %dma_wait3A_43 = tpu.memref_squeeze %dma_wait3A_42 : memref<1x512xi32, #tpu.memory_space<vmem>> -> memref<512xi32, #tpu.memory_space<vmem>>
    %dma_wait3A_44 = arith.constant 0 : i32
    %dma_wait3A_45 = arith.constant 0 : i32
    %dma_wait3A_46 = tpu.memref_slice %arg21[%dma_wait3A_44, %dma_wait3A_45] : memref<10240x16xf32, #tpu.memory_space<vmem_shared>> -> memref<10240x16xf32, #tpu.memory_space<vmem_shared>>
    tpu.wait_indirect_dma semaphore(%arg24 : memref<!tpu.dma_semaphore, #tpu.memory_space<semaphore_mem>>) src(%arg11 : memref<512x16xf32, #tpu.memory_space<vmem>>) dst(%dma_wait3A_46 : memref<10240x16xf32, #tpu.memory_space<vmem_shared>>)
    %dma_wait3A_47 = arith.constant 0 : i32
    %dma_wait3A_48 = arith.constant 0 : i32
    %dma_wait3A_49 = tpu.memref_slice %arg10[%dma_wait3A_47, %dma_wait3A_48] : memref<20x512xi32, #tpu.memory_space<vmem>> -> memref<1x512xi32, #tpu.memory_space<vmem>>
    %dma_wait3A_50 = tpu.memref_squeeze %dma_wait3A_49 : memref<1x512xi32, #tpu.memory_space<vmem>> -> memref<512xi32, #tpu.memory_space<vmem>>
    %dma_wait3A_51 = arith.constant 0 : i32
    %dma_wait3A_52 = arith.constant 0 : i32
    %dma_wait3A_53 = tpu.memref_slice %arg21[%dma_wait3A_51, %dma_wait3A_52] : memref<10240x16xf32, #tpu.memory_space<vmem_shared>> -> memref<10240x16xf32, #tpu.memory_space<vmem_shared>>
    tpu.wait_indirect_dma semaphore(%arg25 : memref<!tpu.dma_semaphore, #tpu.memory_space<semaphore_mem>>) src(%arg12 : memref<512x16xf32, #tpu.memory_space<vmem>>) dst(%dma_wait3A_53 : memref<10240x16xf32, #tpu.memory_space<vmem_shared>>)
    %barrier3A_54 = arith.constant 0 : index
    tpu.barrier barrier_id(%barrier3A_54)
    "tpu.region"() ({
      %run_scoped3A_61 = tpu.sem_alloc : memref<!tpu.dma_semaphore, #tpu.memory_space<semaphore_mem>>
      %dma_start3A_62 = arith.constant 0 : i32
      %dma_start3A_63 = tpu.memref_slice %arg21[%mul3A_2, %dma_start3A_62] : memref<10240x16xf32, #tpu.memory_space<vmem_shared>> -> memref<640x16xf32, #tpu.memory_space<vmem_shared>>
      %dma_start3A_64 = arith.constant 0 : i32
      %dma_start3A_65 = tpu.memref_slice %arg21[%mul3A_2, %dma_start3A_64] : memref<10240x16xf32, #tpu.memory_space<vmem_shared>> -> memref<640x16xf32, #tpu.memory_space<vmem_shared>>
      tpu.enqueue_dma source(%dma_start3A_65 : memref<640x16xf32, #tpu.memory_space<vmem_shared>>) target(%arg13 : memref<640x16xf32, #tpu.memory_space<vmem>>) target_semaphore(%run_scoped3A_61 : memref<!tpu.dma_semaphore, #tpu.memory_space<semaphore_mem>>)
      %dma_wait3A_66 = arith.constant 0 : i32
      %dma_wait3A_67 = tpu.memref_slice %arg21[%mul3A_2, %dma_wait3A_66] : memref<10240x16xf32, #tpu.memory_space<vmem_shared>> -> memref<640x16xf32, #tpu.memory_space<vmem_shared>>
      %dma_wait3A_68 = arith.constant 0 : i32
      %dma_wait3A_69 = tpu.memref_slice %arg21[%mul3A_2, %dma_wait3A_68] : memref<10240x16xf32, #tpu.memory_space<vmem_shared>> -> memref<640x16xf32, #tpu.memory_space<vmem_shared>>
      tpu.wait_dma2 semaphore(%run_scoped3A_61 : memref<!tpu.dma_semaphore, #tpu.memory_space<semaphore_mem>>) src(%dma_wait3A_69 : memref<640x16xf32, #tpu.memory_space<vmem_shared>>) dst(%arg13 : memref<640x16xf32, #tpu.memory_space<vmem>>)
      tpu.yield
    }) : () -> ()
    %scan3A_55 = arith.constant 0 : i32
    %scan3A_56 = arith.constant 0 : i32
    %scan3A_57 = arith.constant 640 : i32
    %scan3A_58 = arith.addi %scan3A_56, %scan3A_57 : i32
    %scan3A_59 = arith.constant 1 : i32
    scf.for %scan3A_61 = %scan3A_56 to %scan3A_58 step %scan3A_59  : i32 {
      %get3A = arith.index_cast %scan3A_61 : i32 to index
      %get3A_62 = arith.constant 0 : index
      %get3A_63 = tpu.vector_load %arg13[%get3A, %get3A_62] {strides = array<i32>} : memref<640x16xf32, #tpu.memory_space<vmem>>, vector<16xf32>,
      %broadcast_in_dim3A = vector.broadcast %scan3A_61 : i32 to vector<16xi32>
      %gather3A = tpu.vector_load_idx %arg15[%broadcast_in_dim3A] : memref<640xf32, #tpu.memory_space<vmem>>[vector<16xi32>], vector<16xf32>,
      %mul3A_64 = arith.mulf %get3A_63, %gather3A : vector<16xf32>
      %swap3A = arith.index_cast %scan3A_61 : i32 to index
      %swap3A_65 = arith.constant 0 : index
      %swap3A_66 = tpu.vector_load %arg13[%swap3A, %swap3A_65] {strides = array<i32>} : memref<640x16xf32, #tpu.memory_space<vmem>>, vector<16xf32>,
      tpu.vector_store %arg13[%swap3A, %swap3A_65], %mul3A_64 {strides = array<i32>} : memref<640x16xf32, #tpu.memory_space<vmem>>, vector<16xf32>,
    }
    %scan3A_60 = arith.constant 640 : i32
    "tpu.region"() ({
      %run_scoped3A_61 = tpu.sem_alloc : memref<!tpu.dma_semaphore, #tpu.memory_space<semaphore_mem>>
      %dma_start3A_62 = arith.constant 0 : i32
      %dma_start3A_63 = tpu.memref_slice %arg8[%arg0, %mul3A_2, %dma_start3A_62] : memref<2x10240x16xf32, #tpu.memory_space<hbm>> -> memref<1x640x16xf32, #tpu.memory_space<hbm>>
      %dma_start3A_64 = tpu.memref_squeeze %dma_start3A_63 : memref<1x640x16xf32, #tpu.memory_space<hbm>> -> memref<640x16xf32, #tpu.memory_space<hbm>>
      %dma_start3A_65 = arith.constant 0 : i32
      %dma_start3A_66 = tpu.memref_slice %arg8[%arg0, %mul3A_2, %dma_start3A_65] : memref<2x10240x16xf32, #tpu.memory_space<hbm>> -> memref<1x640x16xf32, #tpu.memory_space<hbm>>
      %dma_start3A_67 = tpu.memref_squeeze %dma_start3A_66 : memref<1x640x16xf32, #tpu.memory_space<hbm>> -> memref<640x16xf32, #tpu.memory_space<hbm>>
      tpu.enqueue_dma source(%arg13 : memref<640x16xf32, #tpu.memory_space<vmem>>) target(%dma_start3A_67 : memref<640x16xf32, #tpu.memory_space<hbm>>) target_semaphore(%run_scoped3A_61 : memref<!tpu.dma_semaphore, #tpu.memory_space<semaphore_mem>>)
      %dma_wait3A_68 = arith.constant 0 : i32
      %dma_wait3A_69 = tpu.memref_slice %arg8[%arg0, %mul3A_2, %dma_wait3A_68] : memref<2x10240x16xf32, #tpu.memory_space<hbm>> -> memref<1x640x16xf32, #tpu.memory_space<hbm>>
      %dma_wait3A_70 = tpu.memref_squeeze %dma_wait3A_69 : memref<1x640x16xf32, #tpu.memory_space<hbm>> -> memref<640x16xf32, #tpu.memory_space<hbm>>
      %dma_wait3A_71 = arith.constant 0 : i32
      %dma_wait3A_72 = tpu.memref_slice %arg8[%arg0, %mul3A_2, %dma_wait3A_71] : memref<2x10240x16xf32, #tpu.memory_space<hbm>> -> memref<1x640x16xf32, #tpu.memory_space<hbm>>
      %dma_wait3A_73 = tpu.memref_squeeze %dma_wait3A_72 : memref<1x640x16xf32, #tpu.memory_space<hbm>> -> memref<640x16xf32, #tpu.memory_space<hbm>>
      tpu.wait_dma2 semaphore(%run_scoped3A_61 : memref<!tpu.dma_semaphore, #tpu.memory_space<semaphore_mem>>) src(%arg13 : memref<640x16xf32, #tpu.memory_space<vmem>>) dst(%dma_wait3A_73 : memref<640x16xf32, #tpu.memory_space<hbm>>)
      tpu.yield
    }) : () -> ()
    return
  }
}

#map = affine_map<(d0, d1) -> (0, 0)>
#map1 = affine_map<(d0, d1) -> (0, 0, 0, 0)>
#map2 = affine_map<(d0, d1) -> (0, 0, 0)>
module attributes {stable_mosaic.version = 14 : i64} {
  func.func @_sc_agg1(%arg0: i32, %arg1: i32, %arg2: memref<10240x16xf32, #tpu.memory_space<hbm>>, %arg3: memref<2x2x10240x8xf32, #tpu.memory_space<hbm>>, %arg4: memref<32x20x512xi32, #tpu.memory_space<hbm>>, %arg5: memref<32x20x512xi32, #tpu.memory_space<hbm>>, %arg6: memref<10240x16xf32, #tpu.memory_space<hbm>>, %arg7: memref<2x10240x16xf32, #tpu.memory_space<hbm>>, %arg8: memref<20x512xi32, #tpu.memory_space<vmem>>, %arg9: memref<20x512xi32, #tpu.memory_space<vmem>>, %arg10: memref<512x16xf32, #tpu.memory_space<vmem>>, %arg11: memref<512x16xf32, #tpu.memory_space<vmem>>, %arg12: memref<640x16xf32, #tpu.memory_space<vmem>>, %arg13: memref<640x16xf32, #tpu.memory_space<vmem>>, %arg14: memref<640xf32, #tpu.memory_space<vmem>>, %arg15: memref<640xf32, #tpu.memory_space<vmem>>, %arg16: memref<640x8xf32, #tpu.memory_space<vmem>>, %arg17: memref<640x8xf32, #tpu.memory_space<vmem>>, %arg18: memref<16xf32, #tpu.memory_space<vmem>>, %arg19: memref<10240x16xf32, #tpu.memory_space<vmem_shared>>, %arg20: memref<10240x16xf32, #tpu.memory_space<vmem_shared>>, %arg21: memref<!tpu.dma_semaphore, #tpu.memory_space<semaphore_mem>>, %arg22: memref<!tpu.dma_semaphore, #tpu.memory_space<semaphore_mem>>, %arg23: memref<!tpu.dma_semaphore, #tpu.memory_space<semaphore_mem>>, %arg24: memref<!tpu.dma_semaphore, #tpu.memory_space<semaphore_mem>>) attributes {dimension_semantics = [#tpu.dimension_semantics<core_parallel>, #tpu.dimension_semantics<subcore_parallel>], iteration_bounds = array<i64: 2, 16>, scalar_prefetch = 0 : i64, scratch_operands = 17 : i64, tpu.core_type = #tpu.core_type<sc_vector_subcore>, window_params = [{transform_indices = #map}, {transform_indices = #map1}, {transform_indices = #map2}, {transform_indices = #map2}, {transform_indices = #map}, {transform_indices = #map2}]} {
    %mul3A = arith.constant 2 : i32
    %mul3A_0 = arith.muli %arg1, %mul3A : i32
    %add3A = arith.addi %mul3A_0, %arg0 : i32
    "tpu.region"() ({
      %run_scoped3A_43 = tpu.sem_alloc : memref<!tpu.dma_semaphore, #tpu.memory_space<semaphore_mem>>
      %dma_start3A_44 = arith.constant 0 : i32
      %dma_start3A_45 = arith.constant 0 : i32
      %dma_start3A_46 = tpu.memref_slice %arg4[%add3A, %dma_start3A_44, %dma_start3A_45] : memref<32x20x512xi32, #tpu.memory_space<hbm>> -> memref<1x20x512xi32, #tpu.memory_space<hbm>>
      %dma_start3A_47 = tpu.memref_squeeze %dma_start3A_46 : memref<1x20x512xi32, #tpu.memory_space<hbm>> -> memref<20x512xi32, #tpu.memory_space<hbm>>
      %dma_start3A_48 = arith.constant 0 : i32
      %dma_start3A_49 = arith.constant 0 : i32
      %dma_start3A_50 = tpu.memref_slice %arg4[%add3A, %dma_start3A_48, %dma_start3A_49] : memref<32x20x512xi32, #tpu.memory_space<hbm>> -> memref<1x20x512xi32, #tpu.memory_space<hbm>>
      %dma_start3A_51 = tpu.memref_squeeze %dma_start3A_50 : memref<1x20x512xi32, #tpu.memory_space<hbm>> -> memref<20x512xi32, #tpu.memory_space<hbm>>
      tpu.enqueue_dma source(%dma_start3A_51 : memref<20x512xi32, #tpu.memory_space<hbm>>) target(%arg8 : memref<20x512xi32, #tpu.memory_space<vmem>>) target_semaphore(%run_scoped3A_43 : memref<!tpu.dma_semaphore, #tpu.memory_space<semaphore_mem>>)
      %dma_wait3A_52 = arith.constant 0 : i32
      %dma_wait3A_53 = arith.constant 0 : i32
      %dma_wait3A_54 = tpu.memref_slice %arg4[%add3A, %dma_wait3A_52, %dma_wait3A_53] : memref<32x20x512xi32, #tpu.memory_space<hbm>> -> memref<1x20x512xi32, #tpu.memory_space<hbm>>
      %dma_wait3A_55 = tpu.memref_squeeze %dma_wait3A_54 : memref<1x20x512xi32, #tpu.memory_space<hbm>> -> memref<20x512xi32, #tpu.memory_space<hbm>>
      %dma_wait3A_56 = arith.constant 0 : i32
      %dma_wait3A_57 = arith.constant 0 : i32
      %dma_wait3A_58 = tpu.memref_slice %arg4[%add3A, %dma_wait3A_56, %dma_wait3A_57] : memref<32x20x512xi32, #tpu.memory_space<hbm>> -> memref<1x20x512xi32, #tpu.memory_space<hbm>>
      %dma_wait3A_59 = tpu.memref_squeeze %dma_wait3A_58 : memref<1x20x512xi32, #tpu.memory_space<hbm>> -> memref<20x512xi32, #tpu.memory_space<hbm>>
      tpu.wait_dma2 semaphore(%run_scoped3A_43 : memref<!tpu.dma_semaphore, #tpu.memory_space<semaphore_mem>>) src(%dma_wait3A_59 : memref<20x512xi32, #tpu.memory_space<hbm>>) dst(%arg8 : memref<20x512xi32, #tpu.memory_space<vmem>>)
      tpu.yield
    }) : () -> ()
    "tpu.region"() ({
      %run_scoped3A_43 = tpu.sem_alloc : memref<!tpu.dma_semaphore, #tpu.memory_space<semaphore_mem>>
      %dma_start3A_44 = arith.constant 0 : i32
      %dma_start3A_45 = arith.constant 0 : i32
      %dma_start3A_46 = tpu.memref_slice %arg5[%add3A, %dma_start3A_44, %dma_start3A_45] : memref<32x20x512xi32, #tpu.memory_space<hbm>> -> memref<1x20x512xi32, #tpu.memory_space<hbm>>
      %dma_start3A_47 = tpu.memref_squeeze %dma_start3A_46 : memref<1x20x512xi32, #tpu.memory_space<hbm>> -> memref<20x512xi32, #tpu.memory_space<hbm>>
      %dma_start3A_48 = arith.constant 0 : i32
      %dma_start3A_49 = arith.constant 0 : i32
      %dma_start3A_50 = tpu.memref_slice %arg5[%add3A, %dma_start3A_48, %dma_start3A_49] : memref<32x20x512xi32, #tpu.memory_space<hbm>> -> memref<1x20x512xi32, #tpu.memory_space<hbm>>
      %dma_start3A_51 = tpu.memref_squeeze %dma_start3A_50 : memref<1x20x512xi32, #tpu.memory_space<hbm>> -> memref<20x512xi32, #tpu.memory_space<hbm>>
      tpu.enqueue_dma source(%dma_start3A_51 : memref<20x512xi32, #tpu.memory_space<hbm>>) target(%arg9 : memref<20x512xi32, #tpu.memory_space<vmem>>) target_semaphore(%run_scoped3A_43 : memref<!tpu.dma_semaphore, #tpu.memory_space<semaphore_mem>>)
      %dma_wait3A_52 = arith.constant 0 : i32
      %dma_wait3A_53 = arith.constant 0 : i32
      %dma_wait3A_54 = tpu.memref_slice %arg5[%add3A, %dma_wait3A_52, %dma_wait3A_53] : memref<32x20x512xi32, #tpu.memory_space<hbm>> -> memref<1x20x512xi32, #tpu.memory_space<hbm>>
      %dma_wait3A_55 = tpu.memref_squeeze %dma_wait3A_54 : memref<1x20x512xi32, #tpu.memory_space<hbm>> -> memref<20x512xi32, #tpu.memory_space<hbm>>
      %dma_wait3A_56 = arith.constant 0 : i32
      %dma_wait3A_57 = arith.constant 0 : i32
      %dma_wait3A_58 = tpu.memref_slice %arg5[%add3A, %dma_wait3A_56, %dma_wait3A_57] : memref<32x20x512xi32, #tpu.memory_space<hbm>> -> memref<1x20x512xi32, #tpu.memory_space<hbm>>
      %dma_wait3A_59 = tpu.memref_squeeze %dma_wait3A_58 : memref<1x20x512xi32, #tpu.memory_space<hbm>> -> memref<20x512xi32, #tpu.memory_space<hbm>>
      tpu.wait_dma2 semaphore(%run_scoped3A_43 : memref<!tpu.dma_semaphore, #tpu.memory_space<semaphore_mem>>) src(%dma_wait3A_59 : memref<20x512xi32, #tpu.memory_space<hbm>>) dst(%arg9 : memref<20x512xi32, #tpu.memory_space<vmem>>)
      tpu.yield
    }) : () -> ()
    %mul3A_1 = arith.constant 640 : i32
    %mul3A_2 = arith.muli %arg1, %mul3A_1 : i32
    %run_scoped3A = arith.constant 0 : i32
    %run_scoped3A_3 = arith.constant 0 : i32
    "tpu.region"() ({
      %run_scoped3A_43 = tpu.sem_alloc : memref<!tpu.dma_semaphore, #tpu.memory_space<semaphore_mem>>
      %dma_start3A_44 = arith.constant 0 : i32
      %dma_start3A_45 = tpu.memref_slice %arg3[%run_scoped3A, %run_scoped3A_3, %mul3A_2, %dma_start3A_44] : memref<2x2x10240x8xf32, #tpu.memory_space<hbm>> -> memref<1x1x640x8xf32, #tpu.memory_space<hbm>>
      %dma_start3A_46 = tpu.memref_squeeze %dma_start3A_45 : memref<1x1x640x8xf32, #tpu.memory_space<hbm>> -> memref<640x8xf32, #tpu.memory_space<hbm>>
      %dma_start3A_47 = arith.constant 0 : i32
      %dma_start3A_48 = tpu.memref_slice %arg3[%run_scoped3A, %run_scoped3A_3, %mul3A_2, %dma_start3A_47] : memref<2x2x10240x8xf32, #tpu.memory_space<hbm>> -> memref<1x1x640x8xf32, #tpu.memory_space<hbm>>
      %dma_start3A_49 = tpu.memref_squeeze %dma_start3A_48 : memref<1x1x640x8xf32, #tpu.memory_space<hbm>> -> memref<640x8xf32, #tpu.memory_space<hbm>>
      tpu.enqueue_dma source(%dma_start3A_49 : memref<640x8xf32, #tpu.memory_space<hbm>>) target(%arg16 : memref<640x8xf32, #tpu.memory_space<vmem>>) target_semaphore(%run_scoped3A_43 : memref<!tpu.dma_semaphore, #tpu.memory_space<semaphore_mem>>)
      %dma_wait3A_50 = arith.constant 0 : i32
      %dma_wait3A_51 = tpu.memref_slice %arg3[%run_scoped3A, %run_scoped3A_3, %mul3A_2, %dma_wait3A_50] : memref<2x2x10240x8xf32, #tpu.memory_space<hbm>> -> memref<1x1x640x8xf32, #tpu.memory_space<hbm>>
      %dma_wait3A_52 = tpu.memref_squeeze %dma_wait3A_51 : memref<1x1x640x8xf32, #tpu.memory_space<hbm>> -> memref<640x8xf32, #tpu.memory_space<hbm>>
      %dma_wait3A_53 = arith.constant 0 : i32
      %dma_wait3A_54 = tpu.memref_slice %arg3[%run_scoped3A, %run_scoped3A_3, %mul3A_2, %dma_wait3A_53] : memref<2x2x10240x8xf32, #tpu.memory_space<hbm>> -> memref<1x1x640x8xf32, #tpu.memory_space<hbm>>
      %dma_wait3A_55 = tpu.memref_squeeze %dma_wait3A_54 : memref<1x1x640x8xf32, #tpu.memory_space<hbm>> -> memref<640x8xf32, #tpu.memory_space<hbm>>
      tpu.wait_dma2 semaphore(%run_scoped3A_43 : memref<!tpu.dma_semaphore, #tpu.memory_space<semaphore_mem>>) src(%dma_wait3A_55 : memref<640x8xf32, #tpu.memory_space<hbm>>) dst(%arg16 : memref<640x8xf32, #tpu.memory_space<vmem>>)
      tpu.yield
    }) : () -> ()
    %run_scoped3A_4 = arith.constant 1 : i32
    %run_scoped3A_5 = arith.constant 0 : i32
    "tpu.region"() ({
      %run_scoped3A_43 = tpu.sem_alloc : memref<!tpu.dma_semaphore, #tpu.memory_space<semaphore_mem>>
      %dma_start3A_44 = arith.constant 0 : i32
      %dma_start3A_45 = tpu.memref_slice %arg3[%run_scoped3A_4, %run_scoped3A_5, %mul3A_2, %dma_start3A_44] : memref<2x2x10240x8xf32, #tpu.memory_space<hbm>> -> memref<1x1x640x8xf32, #tpu.memory_space<hbm>>
      %dma_start3A_46 = tpu.memref_squeeze %dma_start3A_45 : memref<1x1x640x8xf32, #tpu.memory_space<hbm>> -> memref<640x8xf32, #tpu.memory_space<hbm>>
      %dma_start3A_47 = arith.constant 0 : i32
      %dma_start3A_48 = tpu.memref_slice %arg3[%run_scoped3A_4, %run_scoped3A_5, %mul3A_2, %dma_start3A_47] : memref<2x2x10240x8xf32, #tpu.memory_space<hbm>> -> memref<1x1x640x8xf32, #tpu.memory_space<hbm>>
      %dma_start3A_49 = tpu.memref_squeeze %dma_start3A_48 : memref<1x1x640x8xf32, #tpu.memory_space<hbm>> -> memref<640x8xf32, #tpu.memory_space<hbm>>
      tpu.enqueue_dma source(%dma_start3A_49 : memref<640x8xf32, #tpu.memory_space<hbm>>) target(%arg17 : memref<640x8xf32, #tpu.memory_space<vmem>>) target_semaphore(%run_scoped3A_43 : memref<!tpu.dma_semaphore, #tpu.memory_space<semaphore_mem>>)
      %dma_wait3A_50 = arith.constant 0 : i32
      %dma_wait3A_51 = tpu.memref_slice %arg3[%run_scoped3A_4, %run_scoped3A_5, %mul3A_2, %dma_wait3A_50] : memref<2x2x10240x8xf32, #tpu.memory_space<hbm>> -> memref<1x1x640x8xf32, #tpu.memory_space<hbm>>
      %dma_wait3A_52 = tpu.memref_squeeze %dma_wait3A_51 : memref<1x1x640x8xf32, #tpu.memory_space<hbm>> -> memref<640x8xf32, #tpu.memory_space<hbm>>
      %dma_wait3A_53 = arith.constant 0 : i32
      %dma_wait3A_54 = tpu.memref_slice %arg3[%run_scoped3A_4, %run_scoped3A_5, %mul3A_2, %dma_wait3A_53] : memref<2x2x10240x8xf32, #tpu.memory_space<hbm>> -> memref<1x1x640x8xf32, #tpu.memory_space<hbm>>
      %dma_wait3A_55 = tpu.memref_squeeze %dma_wait3A_54 : memref<1x1x640x8xf32, #tpu.memory_space<hbm>> -> memref<640x8xf32, #tpu.memory_space<hbm>>
      tpu.wait_dma2 semaphore(%run_scoped3A_43 : memref<!tpu.dma_semaphore, #tpu.memory_space<semaphore_mem>>) src(%dma_wait3A_55 : memref<640x8xf32, #tpu.memory_space<hbm>>) dst(%arg17 : memref<640x8xf32, #tpu.memory_space<vmem>>)
      tpu.yield
    }) : () -> ()
    "tpu.region"() ({
      %run_scoped3A_43 = tpu.sem_alloc : memref<!tpu.dma_semaphore, #tpu.memory_space<semaphore_mem>>
      %dma_start3A_44 = arith.constant 0 : i32
      %dma_start3A_45 = tpu.memref_slice %arg2[%mul3A_2, %dma_start3A_44] : memref<10240x16xf32, #tpu.memory_space<hbm>> -> memref<640x16xf32, #tpu.memory_space<hbm>>
      %dma_start3A_46 = arith.constant 0 : i32
      %dma_start3A_47 = tpu.memref_slice %arg2[%mul3A_2, %dma_start3A_46] : memref<10240x16xf32, #tpu.memory_space<hbm>> -> memref<640x16xf32, #tpu.memory_space<hbm>>
      tpu.enqueue_dma source(%dma_start3A_47 : memref<640x16xf32, #tpu.memory_space<hbm>>) target(%arg12 : memref<640x16xf32, #tpu.memory_space<vmem>>) target_semaphore(%run_scoped3A_43 : memref<!tpu.dma_semaphore, #tpu.memory_space<semaphore_mem>>)
      %dma_wait3A_48 = arith.constant 0 : i32
      %dma_wait3A_49 = tpu.memref_slice %arg2[%mul3A_2, %dma_wait3A_48] : memref<10240x16xf32, #tpu.memory_space<hbm>> -> memref<640x16xf32, #tpu.memory_space<hbm>>
      %dma_wait3A_50 = arith.constant 0 : i32
      %dma_wait3A_51 = tpu.memref_slice %arg2[%mul3A_2, %dma_wait3A_50] : memref<10240x16xf32, #tpu.memory_space<hbm>> -> memref<640x16xf32, #tpu.memory_space<hbm>>
      tpu.wait_dma2 semaphore(%run_scoped3A_43 : memref<!tpu.dma_semaphore, #tpu.memory_space<semaphore_mem>>) src(%dma_wait3A_51 : memref<640x16xf32, #tpu.memory_space<hbm>>) dst(%arg12 : memref<640x16xf32, #tpu.memory_space<vmem>>)
      tpu.yield
    }) : () -> ()
    %scan3A = arith.constant 0 : i32
    %scan3A_6 = arith.constant 0 : i32
    %scan3A_7 = arith.constant 40 : i32
    %scan3A_8 = arith.addi %scan3A_6, %scan3A_7 : i32
    %scan3A_9 = arith.constant 1 : i32
    scf.for %scan3A_43 = %scan3A_6 to %scan3A_8 step %scan3A_9  : i32 {
      %iota3A = tpu.iota {dimensions = array<i32: 0>} : vector<16xi32>
      %mul3A_44 = arith.constant 16 : i32
      %mul3A_45 = arith.muli %scan3A_43, %mul3A_44 : i32
      %add3A_46 = vector.broadcast %mul3A_45 : i32 to vector<16xi32>
      %add3A_47 = arith.addi %iota3A, %add3A_46 : vector<16xi32>
      %broadcast_in_dim3A = arith.constant 0 : i32
      %broadcast_in_dim3A_48 = vector.broadcast %broadcast_in_dim3A : i32 to vector<16xi32>
      %gather3A = tpu.vector_load_idx %arg16[%add3A_47, %broadcast_in_dim3A_48] : memref<640x8xf32, #tpu.memory_space<vmem>>[vector<16xi32>, vector<16xi32>], vector<16xf32>,
      %iota3A_49 = tpu.iota {dimensions = array<i32: 0>} : vector<16xi32>
      %mul3A_50 = arith.constant 16 : i32
      %mul3A_51 = arith.muli %scan3A_43, %mul3A_50 : i32
      %add3A_52 = vector.broadcast %mul3A_51 : i32 to vector<16xi32>
      %add3A_53 = arith.addi %iota3A_49, %add3A_52 : vector<16xi32>
      %broadcast_in_dim3A_54 = arith.constant 0 : i32
      %broadcast_in_dim3A_55 = vector.broadcast %broadcast_in_dim3A_54 : i32 to vector<16xi32>
      %gather3A_56 = tpu.vector_load_idx %arg17[%add3A_53, %broadcast_in_dim3A_55] : memref<640x8xf32, #tpu.memory_space<vmem>>[vector<16xi32>, vector<16xi32>], vector<16xf32>,
      %add3A_57 = arith.addf %gather3A, %gather3A_56 : vector<16xf32>
      %max3A = arith.constant 1.000000e+00 : f32
      %max3A_58 = vector.broadcast %max3A : f32 to vector<16xf32>
      %max3A_59 = arith.maximumf %add3A_57, %max3A_58 : vector<16xf32>
      %bitcast3A = vector.bitcast %max3A_59 : vector<16xf32> to vector<16xi32>
      %shift_right_arithmetic3A = arith.constant 1 : i32
      %shift_right_arithmetic3A_60 = vector.broadcast %shift_right_arithmetic3A : i32 to vector<16xi32>
      %shift_right_arithmetic3A_61 = arith.shrsi %bitcast3A, %shift_right_arithmetic3A_60 : vector<16xi32>
      %sub3A = arith.constant 1597463007 : i32
      %sub3A_62 = vector.broadcast %sub3A : i32 to vector<16xi32>
      %sub3A_63 = arith.subi %sub3A_62, %shift_right_arithmetic3A_61 : vector<16xi32>
      %bitcast3A_64 = vector.bitcast %sub3A_63 : vector<16xi32> to vector<16xf32>
      %mul3A_65 = arith.constant 5.000000e-01 : f32
      %mul3A_66 = vector.broadcast %mul3A_65 : f32 to vector<16xf32>
      %mul3A_67 = arith.mulf %mul3A_66, %max3A_59 : vector<16xf32>
      %mul3A_68 = arith.mulf %mul3A_67, %bitcast3A_64 : vector<16xf32>
      %mul3A_69 = arith.mulf %mul3A_68, %bitcast3A_64 : vector<16xf32>
      %sub3A_70 = arith.constant 1.500000e+00 : f32
      %sub3A_71 = vector.broadcast %sub3A_70 : f32 to vector<16xf32>
      %sub3A_72 = arith.subf %sub3A_71, %mul3A_69 : vector<16xf32>
      %mul3A_73 = arith.mulf %bitcast3A_64, %sub3A_72 : vector<16xf32>
      %mul3A_74 = arith.constant 5.000000e-01 : f32
      %mul3A_75 = vector.broadcast %mul3A_74 : f32 to vector<16xf32>
      %mul3A_76 = arith.mulf %mul3A_75, %max3A_59 : vector<16xf32>
      %mul3A_77 = arith.mulf %mul3A_76, %mul3A_73 : vector<16xf32>
      %mul3A_78 = arith.mulf %mul3A_77, %mul3A_73 : vector<16xf32>
      %sub3A_79 = arith.constant 1.500000e+00 : f32
      %sub3A_80 = vector.broadcast %sub3A_79 : f32 to vector<16xf32>
      %sub3A_81 = arith.subf %sub3A_80, %mul3A_78 : vector<16xf32>
      %mul3A_82 = arith.mulf %mul3A_73, %sub3A_81 : vector<16xf32>
      %mul3A_83 = arith.constant 5.000000e-01 : f32
      %mul3A_84 = vector.broadcast %mul3A_83 : f32 to vector<16xf32>
      %mul3A_85 = arith.mulf %mul3A_84, %max3A_59 : vector<16xf32>
      %mul3A_86 = arith.mulf %mul3A_85, %mul3A_82 : vector<16xf32>
      %mul3A_87 = arith.mulf %mul3A_86, %mul3A_82 : vector<16xf32>
      %sub3A_88 = arith.constant 1.500000e+00 : f32
      %sub3A_89 = vector.broadcast %sub3A_88 : f32 to vector<16xf32>
      %sub3A_90 = arith.subf %sub3A_89, %mul3A_87 : vector<16xf32>
      %mul3A_91 = arith.mulf %mul3A_82, %sub3A_90 : vector<16xf32>
      %mul3A_92 = arith.constant 16 : i32
      %mul3A_93 = arith.muli %scan3A_43, %mul3A_92 : i32
      %swap3A = arith.index_cast %mul3A_93 : i32 to index
      %swap3A_94 = tpu.vector_load %arg15[%swap3A] {strides = array<i32>} : memref<640xf32, #tpu.memory_space<vmem>>, vector<16xf32>,
      tpu.vector_store %arg15[%swap3A], %mul3A_91 {strides = array<i32>} : memref<640xf32, #tpu.memory_space<vmem>>, vector<16xf32>,
    }
    %scan3A_10 = arith.constant 40 : i32
    %scan3A_11 = arith.constant 0 : i32
    %scan3A_12 = arith.constant 0 : i32
    %scan3A_13 = arith.constant 640 : i32
    %scan3A_14 = arith.addi %scan3A_12, %scan3A_13 : i32
    %scan3A_15 = arith.constant 1 : i32
    scf.for %scan3A_43 = %scan3A_12 to %scan3A_14 step %scan3A_15  : i32 {
      %get3A = arith.index_cast %scan3A_43 : i32 to index
      %get3A_44 = arith.constant 0 : index
      %get3A_45 = tpu.vector_load %arg12[%get3A, %get3A_44] {strides = array<i32>} : memref<640x16xf32, #tpu.memory_space<vmem>>, vector<16xf32>,
      %broadcast_in_dim3A = vector.broadcast %scan3A_43 : i32 to vector<16xi32>
      %gather3A = tpu.vector_load_idx %arg15[%broadcast_in_dim3A] : memref<640xf32, #tpu.memory_space<vmem>>[vector<16xi32>], vector<16xf32>,
      %mul3A_46 = arith.mulf %get3A_45, %gather3A : vector<16xf32>
      %swap3A = arith.index_cast %scan3A_43 : i32 to index
      %swap3A_47 = arith.constant 0 : index
      %swap3A_48 = tpu.vector_load %arg12[%swap3A, %swap3A_47] {strides = array<i32>} : memref<640x16xf32, #tpu.memory_space<vmem>>, vector<16xf32>,
      tpu.vector_store %arg12[%swap3A, %swap3A_47], %mul3A_46 {strides = array<i32>} : memref<640x16xf32, #tpu.memory_space<vmem>>, vector<16xf32>,
    }
    %scan3A_16 = arith.constant 640 : i32
    "tpu.region"() ({
      %run_scoped3A_43 = tpu.sem_alloc : memref<!tpu.dma_semaphore, #tpu.memory_space<semaphore_mem>>
      %dma_start3A_44 = arith.constant 0 : i32
      %dma_start3A_45 = tpu.memref_slice %arg19[%mul3A_2, %dma_start3A_44] : memref<10240x16xf32, #tpu.memory_space<vmem_shared>> -> memref<640x16xf32, #tpu.memory_space<vmem_shared>>
      %dma_start3A_46 = arith.constant 0 : i32
      %dma_start3A_47 = tpu.memref_slice %arg19[%mul3A_2, %dma_start3A_46] : memref<10240x16xf32, #tpu.memory_space<vmem_shared>> -> memref<640x16xf32, #tpu.memory_space<vmem_shared>>
      tpu.enqueue_dma source(%arg12 : memref<640x16xf32, #tpu.memory_space<vmem>>) target(%dma_start3A_47 : memref<640x16xf32, #tpu.memory_space<vmem_shared>>) target_semaphore(%run_scoped3A_43 : memref<!tpu.dma_semaphore, #tpu.memory_space<semaphore_mem>>)
      %dma_wait3A_48 = arith.constant 0 : i32
      %dma_wait3A_49 = tpu.memref_slice %arg19[%mul3A_2, %dma_wait3A_48] : memref<10240x16xf32, #tpu.memory_space<vmem_shared>> -> memref<640x16xf32, #tpu.memory_space<vmem_shared>>
      %dma_wait3A_50 = arith.constant 0 : i32
      %dma_wait3A_51 = tpu.memref_slice %arg19[%mul3A_2, %dma_wait3A_50] : memref<10240x16xf32, #tpu.memory_space<vmem_shared>> -> memref<640x16xf32, #tpu.memory_space<vmem_shared>>
      tpu.wait_dma2 semaphore(%run_scoped3A_43 : memref<!tpu.dma_semaphore, #tpu.memory_space<semaphore_mem>>) src(%arg12 : memref<640x16xf32, #tpu.memory_space<vmem>>) dst(%dma_wait3A_51 : memref<640x16xf32, #tpu.memory_space<vmem_shared>>)
      tpu.yield
    }) : () -> ()
    "tpu.region"() ({
      %run_scoped3A_43 = tpu.sem_alloc : memref<!tpu.dma_semaphore, #tpu.memory_space<semaphore_mem>>
      %dma_start3A_44 = arith.constant 0 : i32
      %dma_start3A_45 = tpu.memref_slice %arg20[%mul3A_2, %dma_start3A_44] : memref<10240x16xf32, #tpu.memory_space<vmem_shared>> -> memref<640x16xf32, #tpu.memory_space<vmem_shared>>
      %dma_start3A_46 = arith.constant 0 : i32
      %dma_start3A_47 = tpu.memref_slice %arg6[%mul3A_2, %dma_start3A_46] : memref<10240x16xf32, #tpu.memory_space<hbm>> -> memref<640x16xf32, #tpu.memory_space<hbm>>
      tpu.enqueue_dma source(%dma_start3A_47 : memref<640x16xf32, #tpu.memory_space<hbm>>) target(%dma_start3A_45 : memref<640x16xf32, #tpu.memory_space<vmem_shared>>) target_semaphore(%run_scoped3A_43 : memref<!tpu.dma_semaphore, #tpu.memory_space<semaphore_mem>>)
      %dma_wait3A_48 = arith.constant 0 : i32
      %dma_wait3A_49 = tpu.memref_slice %arg20[%mul3A_2, %dma_wait3A_48] : memref<10240x16xf32, #tpu.memory_space<vmem_shared>> -> memref<640x16xf32, #tpu.memory_space<vmem_shared>>
      %dma_wait3A_50 = arith.constant 0 : i32
      %dma_wait3A_51 = tpu.memref_slice %arg6[%mul3A_2, %dma_wait3A_50] : memref<10240x16xf32, #tpu.memory_space<hbm>> -> memref<640x16xf32, #tpu.memory_space<hbm>>
      tpu.wait_dma2 semaphore(%run_scoped3A_43 : memref<!tpu.dma_semaphore, #tpu.memory_space<semaphore_mem>>) src(%dma_wait3A_51 : memref<640x16xf32, #tpu.memory_space<hbm>>) dst(%dma_wait3A_49 : memref<640x16xf32, #tpu.memory_space<vmem_shared>>)
      tpu.yield
    }) : () -> ()
    %barrier3A = arith.constant 0 : index
    tpu.barrier barrier_id(%barrier3A)
    %dma_start3A = arith.constant 0 : i32
    %dma_start3A_17 = arith.constant 0 : i32
    %dma_start3A_18 = tpu.memref_slice %arg8[%dma_start3A, %dma_start3A_17] : memref<20x512xi32, #tpu.memory_space<vmem>> -> memref<1x512xi32, #tpu.memory_space<vmem>>
    %dma_start3A_19 = tpu.memref_squeeze %dma_start3A_18 : memref<1x512xi32, #tpu.memory_space<vmem>> -> memref<512xi32, #tpu.memory_space<vmem>>
    %dma_start3A_20 = arith.constant 0 : i32
    %dma_start3A_21 = arith.constant 0 : i32
    %dma_start3A_22 = tpu.memref_slice %arg19[%dma_start3A_20, %dma_start3A_21] : memref<10240x16xf32, #tpu.memory_space<vmem_shared>> -> memref<10240x16xf32, #tpu.memory_space<vmem_shared>>
    tpu.enqueue_indirect_dma source(%dma_start3A_22 : memref<10240x16xf32, #tpu.memory_space<vmem_shared>>) target(%arg10 : memref<512x16xf32, #tpu.memory_space<vmem>>) offsets(%dma_start3A_19 : memref<512xi32, #tpu.memory_space<vmem>>) semaphore(%arg21 : memref<!tpu.dma_semaphore, #tpu.memory_space<semaphore_mem>>)
    %scan3A_23 = arith.constant 0 : i32
    %scan3A_24 = arith.constant 0 : i32
    %scan3A_25 = arith.constant 10 : i32
    %scan3A_26 = arith.addi %scan3A_24, %scan3A_25 : i32
    %scan3A_27 = arith.constant 1 : i32
    scf.for %scan3A_43 = %scan3A_24 to %scan3A_26 step %scan3A_27  : i32 {
      %mul3A_44 = arith.constant 2 : i32
      %mul3A_45 = arith.muli %mul3A_44, %scan3A_43 : i32
      %add3A_46 = arith.constant 1 : i32
      %add3A_47 = arith.addi %mul3A_45, %add3A_46 : i32
      %dma_wait3A_48 = arith.constant 0 : i32
      %dma_wait3A_49 = tpu.memref_slice %arg8[%mul3A_45, %dma_wait3A_48] : memref<20x512xi32, #tpu.memory_space<vmem>> -> memref<1x512xi32, #tpu.memory_space<vmem>>
      %dma_wait3A_50 = tpu.memref_squeeze %dma_wait3A_49 : memref<1x512xi32, #tpu.memory_space<vmem>> -> memref<512xi32, #tpu.memory_space<vmem>>
      %dma_wait3A_51 = arith.constant 0 : i32
      %dma_wait3A_52 = arith.constant 0 : i32
      %dma_wait3A_53 = tpu.memref_slice %arg19[%dma_wait3A_51, %dma_wait3A_52] : memref<10240x16xf32, #tpu.memory_space<vmem_shared>> -> memref<10240x16xf32, #tpu.memory_space<vmem_shared>>
      tpu.wait_indirect_dma semaphore(%arg21 : memref<!tpu.dma_semaphore, #tpu.memory_space<semaphore_mem>>) src(%dma_wait3A_53 : memref<10240x16xf32, #tpu.memory_space<vmem_shared>>) dst(%arg10 : memref<512x16xf32, #tpu.memory_space<vmem>>)
      %gt3A = arith.constant 0 : i32
      %gt3A_54 = arith.cmpi sgt, %scan3A_43, %gt3A : i32
      %convert_element_type3A = arith.extui %gt3A_54 : i1 to i32
      %cond3A = arith.constant 0 : i32
      %cond3A_55 = arith.cmpi ne, %convert_element_type3A, %cond3A : i32
      scf.if %cond3A_55 {
        %dma_wait3A_84 = arith.constant 0 : i32
        %dma_wait3A_85 = tpu.memref_slice %arg9[%add3A_47, %dma_wait3A_84] : memref<20x512xi32, #tpu.memory_space<vmem>> -> memref<1x512xi32, #tpu.memory_space<vmem>>
        %dma_wait3A_86 = tpu.memref_squeeze %dma_wait3A_85 : memref<1x512xi32, #tpu.memory_space<vmem>> -> memref<512xi32, #tpu.memory_space<vmem>>
        %dma_wait3A_87 = arith.constant 0 : i32
        %dma_wait3A_88 = arith.constant 0 : i32
        %dma_wait3A_89 = tpu.memref_slice %arg20[%dma_wait3A_87, %dma_wait3A_88] : memref<10240x16xf32, #tpu.memory_space<vmem_shared>> -> memref<10240x16xf32, #tpu.memory_space<vmem_shared>>
        tpu.wait_indirect_dma semaphore(%arg24 : memref<!tpu.dma_semaphore, #tpu.memory_space<semaphore_mem>>) src(%arg11 : memref<512x16xf32, #tpu.memory_space<vmem>>) dst(%dma_wait3A_89 : memref<10240x16xf32, #tpu.memory_space<vmem_shared>>)
      } else {
      }
      %dma_start3A_56 = arith.constant 0 : i32
      %dma_start3A_57 = tpu.memref_slice %arg8[%add3A_47, %dma_start3A_56] : memref<20x512xi32, #tpu.memory_space<vmem>> -> memref<1x512xi32, #tpu.memory_space<vmem>>
      %dma_start3A_58 = tpu.memref_squeeze %dma_start3A_57 : memref<1x512xi32, #tpu.memory_space<vmem>> -> memref<512xi32, #tpu.memory_space<vmem>>
      %dma_start3A_59 = arith.constant 0 : i32
      %dma_start3A_60 = arith.constant 0 : i32
      %dma_start3A_61 = tpu.memref_slice %arg19[%dma_start3A_59, %dma_start3A_60] : memref<10240x16xf32, #tpu.memory_space<vmem_shared>> -> memref<10240x16xf32, #tpu.memory_space<vmem_shared>>
      tpu.enqueue_indirect_dma source(%dma_start3A_61 : memref<10240x16xf32, #tpu.memory_space<vmem_shared>>) target(%arg11 : memref<512x16xf32, #tpu.memory_space<vmem>>) offsets(%dma_start3A_58 : memref<512xi32, #tpu.memory_space<vmem>>) semaphore(%arg22 : memref<!tpu.dma_semaphore, #tpu.memory_space<semaphore_mem>>)
      %dma_start3A_62 = arith.constant 0 : i32
      %dma_start3A_63 = tpu.memref_slice %arg9[%mul3A_45, %dma_start3A_62] : memref<20x512xi32, #tpu.memory_space<vmem>> -> memref<1x512xi32, #tpu.memory_space<vmem>>
      %dma_start3A_64 = tpu.memref_squeeze %dma_start3A_63 : memref<1x512xi32, #tpu.memory_space<vmem>> -> memref<512xi32, #tpu.memory_space<vmem>>
      %dma_start3A_65 = arith.constant 0 : i32
      %dma_start3A_66 = arith.constant 0 : i32
      %dma_start3A_67 = tpu.memref_slice %arg20[%dma_start3A_65, %dma_start3A_66] : memref<10240x16xf32, #tpu.memory_space<vmem_shared>> -> memref<10240x16xf32, #tpu.memory_space<vmem_shared>>
      tpu.enqueue_indirect_dma source(%arg10 : memref<512x16xf32, #tpu.memory_space<vmem>>) target(%dma_start3A_67 : memref<10240x16xf32, #tpu.memory_space<vmem_shared>>) offsets(%dma_start3A_64 : memref<512xi32, #tpu.memory_space<vmem>>) semaphore(%arg23 : memref<!tpu.dma_semaphore, #tpu.memory_space<semaphore_mem>>) {add = true}
      %dma_wait3A_68 = arith.constant 0 : i32
      %dma_wait3A_69 = tpu.memref_slice %arg8[%add3A_47, %dma_wait3A_68] : memref<20x512xi32, #tpu.memory_space<vmem>> -> memref<1x512xi32, #tpu.memory_space<vmem>>
      %dma_wait3A_70 = tpu.memref_squeeze %dma_wait3A_69 : memref<1x512xi32, #tpu.memory_space<vmem>> -> memref<512xi32, #tpu.memory_space<vmem>>
      %dma_wait3A_71 = arith.constant 0 : i32
      %dma_wait3A_72 = arith.constant 0 : i32
      %dma_wait3A_73 = tpu.memref_slice %arg19[%dma_wait3A_71, %dma_wait3A_72] : memref<10240x16xf32, #tpu.memory_space<vmem_shared>> -> memref<10240x16xf32, #tpu.memory_space<vmem_shared>>
      tpu.wait_indirect_dma semaphore(%arg22 : memref<!tpu.dma_semaphore, #tpu.memory_space<semaphore_mem>>) src(%dma_wait3A_73 : memref<10240x16xf32, #tpu.memory_space<vmem_shared>>) dst(%arg11 : memref<512x16xf32, #tpu.memory_space<vmem>>)
      %lt3A = arith.constant 9 : i32
      %lt3A_74 = arith.cmpi slt, %scan3A_43, %lt3A : i32
      %convert_element_type3A_75 = arith.extui %lt3A_74 : i1 to i32
      %cond3A_76 = arith.constant 0 : i32
      %cond3A_77 = arith.cmpi ne, %convert_element_type3A_75, %cond3A_76 : i32
      scf.if %cond3A_77 {
        %dma_wait3A_84 = arith.constant 0 : i32
        %dma_wait3A_85 = tpu.memref_slice %arg9[%mul3A_45, %dma_wait3A_84] : memref<20x512xi32, #tpu.memory_space<vmem>> -> memref<1x512xi32, #tpu.memory_space<vmem>>
        %dma_wait3A_86 = tpu.memref_squeeze %dma_wait3A_85 : memref<1x512xi32, #tpu.memory_space<vmem>> -> memref<512xi32, #tpu.memory_space<vmem>>
        %dma_wait3A_87 = arith.constant 0 : i32
        %dma_wait3A_88 = arith.constant 0 : i32
        %dma_wait3A_89 = tpu.memref_slice %arg20[%dma_wait3A_87, %dma_wait3A_88] : memref<10240x16xf32, #tpu.memory_space<vmem_shared>> -> memref<10240x16xf32, #tpu.memory_space<vmem_shared>>
        tpu.wait_indirect_dma semaphore(%arg23 : memref<!tpu.dma_semaphore, #tpu.memory_space<semaphore_mem>>) src(%arg10 : memref<512x16xf32, #tpu.memory_space<vmem>>) dst(%dma_wait3A_89 : memref<10240x16xf32, #tpu.memory_space<vmem_shared>>)
        %add3A_90 = arith.constant 2 : i32
        %add3A_91 = arith.addi %mul3A_45, %add3A_90 : i32
        %dma_start3A_92 = arith.constant 0 : i32
        %dma_start3A_93 = tpu.memref_slice %arg8[%add3A_91, %dma_start3A_92] : memref<20x512xi32, #tpu.memory_space<vmem>> -> memref<1x512xi32, #tpu.memory_space<vmem>>
        %dma_start3A_94 = tpu.memref_squeeze %dma_start3A_93 : memref<1x512xi32, #tpu.memory_space<vmem>> -> memref<512xi32, #tpu.memory_space<vmem>>
        %dma_start3A_95 = arith.constant 0 : i32
        %dma_start3A_96 = arith.constant 0 : i32
        %dma_start3A_97 = tpu.memref_slice %arg19[%dma_start3A_95, %dma_start3A_96] : memref<10240x16xf32, #tpu.memory_space<vmem_shared>> -> memref<10240x16xf32, #tpu.memory_space<vmem_shared>>
        tpu.enqueue_indirect_dma source(%dma_start3A_97 : memref<10240x16xf32, #tpu.memory_space<vmem_shared>>) target(%arg10 : memref<512x16xf32, #tpu.memory_space<vmem>>) offsets(%dma_start3A_94 : memref<512xi32, #tpu.memory_space<vmem>>) semaphore(%arg21 : memref<!tpu.dma_semaphore, #tpu.memory_space<semaphore_mem>>)
      } else {
      }
      %dma_start3A_78 = arith.constant 0 : i32
      %dma_start3A_79 = tpu.memref_slice %arg9[%add3A_47, %dma_start3A_78] : memref<20x512xi32, #tpu.memory_space<vmem>> -> memref<1x512xi32, #tpu.memory_space<vmem>>
      %dma_start3A_80 = tpu.memref_squeeze %dma_start3A_79 : memref<1x512xi32, #tpu.memory_space<vmem>> -> memref<512xi32, #tpu.memory_space<vmem>>
      %dma_start3A_81 = arith.constant 0 : i32
      %dma_start3A_82 = arith.constant 0 : i32
      %dma_start3A_83 = tpu.memref_slice %arg20[%dma_start3A_81, %dma_start3A_82] : memref<10240x16xf32, #tpu.memory_space<vmem_shared>> -> memref<10240x16xf32, #tpu.memory_space<vmem_shared>>
      tpu.enqueue_indirect_dma source(%arg11 : memref<512x16xf32, #tpu.memory_space<vmem>>) target(%dma_start3A_83 : memref<10240x16xf32, #tpu.memory_space<vmem_shared>>) offsets(%dma_start3A_80 : memref<512xi32, #tpu.memory_space<vmem>>) semaphore(%arg24 : memref<!tpu.dma_semaphore, #tpu.memory_space<semaphore_mem>>) {add = true}
    }
    %scan3A_28 = arith.constant 10 : i32
    %dma_wait3A = arith.constant 0 : i32
    %dma_wait3A_29 = arith.constant 0 : i32
    %dma_wait3A_30 = tpu.memref_slice %arg9[%dma_wait3A, %dma_wait3A_29] : memref<20x512xi32, #tpu.memory_space<vmem>> -> memref<1x512xi32, #tpu.memory_space<vmem>>
    %dma_wait3A_31 = tpu.memref_squeeze %dma_wait3A_30 : memref<1x512xi32, #tpu.memory_space<vmem>> -> memref<512xi32, #tpu.memory_space<vmem>>
    %dma_wait3A_32 = arith.constant 0 : i32
    %dma_wait3A_33 = arith.constant 0 : i32
    %dma_wait3A_34 = tpu.memref_slice %arg20[%dma_wait3A_32, %dma_wait3A_33] : memref<10240x16xf32, #tpu.memory_space<vmem_shared>> -> memref<10240x16xf32, #tpu.memory_space<vmem_shared>>
    tpu.wait_indirect_dma semaphore(%arg23 : memref<!tpu.dma_semaphore, #tpu.memory_space<semaphore_mem>>) src(%arg10 : memref<512x16xf32, #tpu.memory_space<vmem>>) dst(%dma_wait3A_34 : memref<10240x16xf32, #tpu.memory_space<vmem_shared>>)
    %dma_wait3A_35 = arith.constant 0 : i32
    %dma_wait3A_36 = arith.constant 0 : i32
    %dma_wait3A_37 = tpu.memref_slice %arg9[%dma_wait3A_35, %dma_wait3A_36] : memref<20x512xi32, #tpu.memory_space<vmem>> -> memref<1x512xi32, #tpu.memory_space<vmem>>
    %dma_wait3A_38 = tpu.memref_squeeze %dma_wait3A_37 : memref<1x512xi32, #tpu.memory_space<vmem>> -> memref<512xi32, #tpu.memory_space<vmem>>
    %dma_wait3A_39 = arith.constant 0 : i32
    %dma_wait3A_40 = arith.constant 0 : i32
    %dma_wait3A_41 = tpu.memref_slice %arg20[%dma_wait3A_39, %dma_wait3A_40] : memref<10240x16xf32, #tpu.memory_space<vmem_shared>> -> memref<10240x16xf32, #tpu.memory_space<vmem_shared>>
    tpu.wait_indirect_dma semaphore(%arg24 : memref<!tpu.dma_semaphore, #tpu.memory_space<semaphore_mem>>) src(%arg11 : memref<512x16xf32, #tpu.memory_space<vmem>>) dst(%dma_wait3A_41 : memref<10240x16xf32, #tpu.memory_space<vmem_shared>>)
    %barrier3A_42 = arith.constant 0 : index
    tpu.barrier barrier_id(%barrier3A_42)
    "tpu.region"() ({
      %run_scoped3A_43 = tpu.sem_alloc : memref<!tpu.dma_semaphore, #tpu.memory_space<semaphore_mem>>
      %dma_start3A_44 = arith.constant 0 : i32
      %dma_start3A_45 = tpu.memref_slice %arg7[%arg0, %mul3A_2, %dma_start3A_44] : memref<2x10240x16xf32, #tpu.memory_space<hbm>> -> memref<1x640x16xf32, #tpu.memory_space<hbm>>
      %dma_start3A_46 = tpu.memref_squeeze %dma_start3A_45 : memref<1x640x16xf32, #tpu.memory_space<hbm>> -> memref<640x16xf32, #tpu.memory_space<hbm>>
      %dma_start3A_47 = arith.constant 0 : i32
      %dma_start3A_48 = tpu.memref_slice %arg20[%mul3A_2, %dma_start3A_47] : memref<10240x16xf32, #tpu.memory_space<vmem_shared>> -> memref<640x16xf32, #tpu.memory_space<vmem_shared>>
      tpu.enqueue_dma source(%dma_start3A_48 : memref<640x16xf32, #tpu.memory_space<vmem_shared>>) target(%dma_start3A_46 : memref<640x16xf32, #tpu.memory_space<hbm>>) target_semaphore(%run_scoped3A_43 : memref<!tpu.dma_semaphore, #tpu.memory_space<semaphore_mem>>)
      %dma_wait3A_49 = arith.constant 0 : i32
      %dma_wait3A_50 = tpu.memref_slice %arg7[%arg0, %mul3A_2, %dma_wait3A_49] : memref<2x10240x16xf32, #tpu.memory_space<hbm>> -> memref<1x640x16xf32, #tpu.memory_space<hbm>>
      %dma_wait3A_51 = tpu.memref_squeeze %dma_wait3A_50 : memref<1x640x16xf32, #tpu.memory_space<hbm>> -> memref<640x16xf32, #tpu.memory_space<hbm>>
      %dma_wait3A_52 = arith.constant 0 : i32
      %dma_wait3A_53 = tpu.memref_slice %arg20[%mul3A_2, %dma_wait3A_52] : memref<10240x16xf32, #tpu.memory_space<vmem_shared>> -> memref<640x16xf32, #tpu.memory_space<vmem_shared>>
      tpu.wait_dma2 semaphore(%run_scoped3A_43 : memref<!tpu.dma_semaphore, #tpu.memory_space<semaphore_mem>>) src(%dma_wait3A_53 : memref<640x16xf32, #tpu.memory_space<vmem_shared>>) dst(%dma_wait3A_51 : memref<640x16xf32, #tpu.memory_space<hbm>>)
      tpu.yield
    }) : () -> ()
    return
  }
}

module attributes {stable_mosaic.version = 14 : i64} {
  func.func @_tc_in(%arg0: memref<10240x128xf32, #tpu.memory_space<vmem>>, %arg1: memref<128x16xf32, #tpu.memory_space<vmem>>, %arg2: memref<10240x16xf32, #tpu.memory_space<vmem>>) attributes {dimension_semantics = [], scalar_prefetch = 0 : i64, scratch_operands = 0 : i64, tpu.core_type = #tpu.core_type<tc>} {
    %get3A = arith.constant 0 : index
    %get3A_0 = arith.constant 0 : index
    %get3A_1 = vector.load %arg0[%get3A, %get3A_0] : memref<10240x128xf32, #tpu.memory_space<vmem>>, vector<10240x128xf32>
    %get3A_2 = arith.constant 0 : index
    %get3A_3 = arith.constant 0 : index
    %get3A_4 = vector.load %arg1[%get3A_2, %get3A_3] : memref<128x16xf32, #tpu.memory_space<vmem>>, vector<128x16xf32>
    %dot_general3A = arith.constant dense<0.000000e+00> : vector<10240x16xf32>
    %dot_general3A_5 = tpu.matmul %get3A_1, %get3A_4, %dot_general3A {dimension_numbers = #tpu.dot_dimension_numbers<[1], [0], [0], [1], [0, 0, 1, 1], [], []>, transpose_lhs_hint = false} : vector<10240x128xf32>, vector<128x16xf32>, vector<10240x16xf32> -> vector<10240x16xf32>
    %swap3A = arith.constant 0 : index
    %swap3A_6 = arith.constant 0 : index
    %swap3A_7 = vector.load %arg2[%swap3A, %swap3A_6] : memref<10240x16xf32, #tpu.memory_space<vmem>>, vector<10240x16xf32>
    tpu.vector_store %arg2[%swap3A, %swap3A_6], %dot_general3A_5 {strides = array<i32>} : memref<10240x16xf32, #tpu.memory_space<vmem>>, vector<10240x16xf32>,
    return
  }
}

module attributes {stable_mosaic.version = 14 : i64} {
  func.func @_tc_out(%arg0: memref<2x10240x16xf32, #tpu.memory_space<vmem>>, %arg1: memref<16x128xf32, #tpu.memory_space<vmem>>, %arg2: memref<1x128xf32, #tpu.memory_space<vmem>>, %arg3: memref<10240x128xf32, #tpu.memory_space<vmem>>) attributes {dimension_semantics = [], scalar_prefetch = 0 : i64, scratch_operands = 0 : i64, tpu.core_type = #tpu.core_type<tc>} {
    %get3A = arith.constant 0 : index
    %get3A_0 = arith.constant 0 : index
    %get3A_1 = arith.constant 0 : index
    %get3A_2 = vector.load %arg0[%get3A, %get3A_0, %get3A_1] : memref<2x10240x16xf32, #tpu.memory_space<vmem>>, vector<1x10240x16xf32>
    %get3A_3 = vector.shape_cast %get3A_2 : vector<1x10240x16xf32> to vector<10240x16xf32>
    %get3A_4 = arith.constant 1 : index
    %get3A_5 = arith.constant 0 : index
    %get3A_6 = arith.constant 0 : index
    %get3A_7 = vector.load %arg0[%get3A_4, %get3A_5, %get3A_6] : memref<2x10240x16xf32, #tpu.memory_space<vmem>>, vector<1x10240x16xf32>
    %get3A_8 = vector.shape_cast %get3A_7 : vector<1x10240x16xf32> to vector<10240x16xf32>
    %add3A = arith.addf %get3A_3, %get3A_8 : vector<10240x16xf32>
    %get3A_9 = arith.constant 0 : index
    %get3A_10 = arith.constant 0 : index
    %get3A_11 = vector.load %arg1[%get3A_9, %get3A_10] : memref<16x128xf32, #tpu.memory_space<vmem>>, vector<16x128xf32>
    %dot_general3A = arith.constant dense<0.000000e+00> : vector<10240x128xf32>
    %dot_general3A_12 = tpu.matmul %add3A, %get3A_11, %dot_general3A {dimension_numbers = #tpu.dot_dimension_numbers<[1], [0], [0], [1], [0, 0, 1, 1], [], []>, transpose_lhs_hint = false} : vector<10240x16xf32>, vector<16x128xf32>, vector<10240x128xf32> -> vector<10240x128xf32>
    %get3A_13 = arith.constant 0 : index
    %get3A_14 = arith.constant 0 : index
    %get3A_15 = vector.load %arg2[%get3A_13, %get3A_14] : memref<1x128xf32, #tpu.memory_space<vmem>>, vector<1x128xf32>
    %add3A_16 = vector.broadcast %get3A_15 : vector<1x128xf32> to vector<10240x128xf32>
    %add3A_17 = arith.addf %dot_general3A_12, %add3A_16 : vector<10240x128xf32>
    %swap3A = arith.constant 0 : index
    %swap3A_18 = arith.constant 0 : index
    %swap3A_19 = vector.load %arg3[%swap3A, %swap3A_18] : memref<10240x128xf32, #tpu.memory_space<vmem>>, vector<10240x128xf32>
    tpu.vector_store %arg3[%swap3A, %swap3A_18], %add3A_17 {strides = array<i32>} : memref<10240x128xf32, #tpu.memory_space<vmem>>, vector<10240x128xf32>,
    return
  }
}

</mosaic_0001>

<sc_bundles>
// kernel: kernel.10.cloned.1.call-start
scs
__scs_entry_jumppad:
0x0: {  	(pc) =	sbr.rel $0x88, $3  }
0x1: {  	(tag) =	ssettag $0x0;
	lr =	simm.s32 $0x1  }
0x2: {  	[smem:$0x3F9B] =	sst lr;
	_ =	strace $0xD0000000  }
0x3: {  	_ = 	snop  }
0x4: {  	_ = 	snop  }
0x5: {  	_ = 	snop  }
0x6: {  	_ = 	snop  }
0x7: {  	_ = 	snop  }
__scs_overlays_trampoline_lowered:
0x8: {  	[smem:$0x3FAA] =	sst s0  }
0x9: {  	[smem:$0x3FAB] =	sst s1  }
0xa: {  	[smem:$0x3FAC] =	sst s2  }
0xb: {  	[smem:$0x3FAD] =	sst s3  }
0xc: {  	[smem:$0x3FAE] =	sst s4  }
0xd: {  	[smem:$0x3FAF] =	sst s5  }
0xe: {  	[smem:$0x3FB0] =	sst s6  }
0xf: {  	[smem:$0x3FB1] =	sst s7  }
0x10: {  	[smem:$0x3FB2] =	sst s8  }
0x11: {  	[smem:$0x3FB3] =	sst s9;
	s0 =	simm.s32 @!p0 $0x0  }
0x12: {  	s1 =	sld [smem:$0x3F99];
	s0 =	simm.s32 @p0 $0x1  }
0x13: {  	[smem:$0x3FB4] =	sst s0;
	s0 =	simm.s32 @!p1 $0x0  }
0x14: {  	s2 =	sld [smem:$0x3F98];
	s0 =	simm.s32 @p1 $0x1  }
0x15: {  	[smem:$0x3FB5] =	sst s0;
	s0 =	simm.s32 @!p2 $0x0  }
0x16: {  	s3 =	sld [smem:$0x3FDB];
	s0 =	simm.s32 @p2 $0x1  }
0x17: {  	s4 =	simm.s32 $0x1BF5;
	[smem:$0x3FB7] =	sst s0  }
0x18: {  	s0 =	sld [smem:$0x3F9A];
	_ =	swait.ge [sflag:s4], $0x0  }
0x19: {  	s7 =	sld [smem:$0x3F9B]  }
0x1a: {  	s8 =	sadd.s32 $0xFFFFE003, lr  }
0x1b: {  	s9 =	sadd.s32 $0xFFFFFEF7, lr;
	s5 =	simm.s32 $0xFFFFFFFF;
	p2 =	slt.u32 s8, $0xFFFFF086  }
0x1c: {  	p1 =	slt.u32 s9, $0xF7A;
	s5 =	simm.s32 @!p2 $0x0  }
0x1d: {  	s5 =	simm.s32 @p1 $0x1;
	p0 =	seq.s32 s7, s2  }
0x1e: {  	s7 =	smul.u32 @!p0 $0xF7A, s2;
	p2 =	seq.s32 @!p0 s5, $0x0  }
0x1f: {  	s9 =	smul.u32 $0xF7A, s1;
	s8 =	simm.s32 @!p0 $0x1BF5;
	p2 =	por !p2, p0  }
0x20: {  	[sflag:s8] =	ssyncset.s32 @!p0 $0xFFFFF086;
	s6 =	sadd.s32 @!p0 s3, s7;
	s7 =	simm.s32 @!p0 $0x108  }
0x21: {  	s3 =	sadd.s32 s3, s9;
	s6 =	sadd.s32 @!p0 $0x88, s6;
	s7 =	simm.s32 @p2 $0x1082  }
0x22: {  	[simem:s7], [sflag:s8] =	dma.local @!p0 [hbm:s6], $0xF7A  }
0x23: {  	s9 =	sor.u32 $0xD0000000, s2;
	s6 =	simm.s32 $0x108;
	_ =	swait.ge @!p0 [sflag:s8], $0x0  }
0x24: {  	s3 =	sadd.s32 $0x88, s3;
	s6 =	simm.s32 @!p1 $0x1082;
	[sflag:s4] =	ssyncset.s32 $0xFFFFF086  }
0x25: {  	[simem:s6], [sflag:s4] =	dma.local [hbm:s3], $0xF7A  }
0x26: {  	[smem:$0x3F9B] =	sst s1;
	(tag) =	ssettag s2;
	_ =	strace s9  }
0x27: {  	s1 =	sld [smem:$0x3FAB]  }
0x28: {  	s2 =	sld [smem:$0x3FAC]  }
0x29: {  	s4 =	sld [smem:$0x3FAE]  }
0x2a: {  	p0 =	seq.s32 s5, $0x0;
	s5 =	sld [smem:$0x3FAF]  }
0x2b: {  	s6 =	sld [smem:$0x3FB0]  }
0x2c: {  	s7 =	sld [smem:$0x3FB1]  }
0x2d: {  	s3 =	simm.s32 $0x108;
	s8 =	sld [smem:$0x3FB2]  }
0x2e: {  	s3 =	simm.s32 @!p0 $0x1082;
	s9 =	sld [smem:$0x3FB3]  }
0x2f: {  	lr =	sadd.s32 s0, s3;
	s0 =	sld [smem:$0x3FAA]  }
0x30: {  	s3 =	sld [smem:$0x3FAD]  }
0x31: {  	[smem:$0x3FB6] =	sst s10  }
0x32: {  	s10 =	sld [smem:$0x3FB4];
	_ =	sdelay $0x3  }
0x33: {  	p0 =	seq.s32 s10, $0x1;
	s10 =	sld [smem:$0x3FB6];
	_ =	sdelay $0x3  }
0x34: {  	[smem:$0x3FB6] =	sst s10  }
0x35: {  	s10 =	sld [smem:$0x3FB5];
	_ =	sdelay $0x3  }
0x36: {  	p1 =	seq.s32 s10, $0x1;
	s10 =	sld [smem:$0x3FB6];
	_ =	sdelay $0x3  }
0x37: {  	[smem:$0x3FB6] =	sst s10  }
0x38: {  	s10 =	sld [smem:$0x3FB7]  }
0x39: {  	_ = 	snop;
	(pc) =	sbr.ind lr, $3  }
0x3a: {  	_ = 	snop  }
0x3b: {  	_ = 	snop  }
0x3c: {  	p2 =	seq.s32 s10, $0x1;
	s10 =	sld [smem:$0x3FB6]  }
0x3d: {  	_ =	shalt  }
0x3e: {  	_ =	shalt  }
0x3f: {  	_ =	shalt  }
0x40: {  	_ =	shalt  }
0x41: {  	_ =	shalt  }
0x42: {  	_ =	shalt  }
0x43: {  	_ =	shalt  }
0x44: {  	_ =	shalt  }
0x45: {  	_ =	shalt  }
0x46: {  	_ =	shalt  }
0x47: {  	_ =	shalt  }
0x48: {  	_ =	shalt  }
0x49: {  	_ =	shalt  }
0x4a: {  	_ =	shalt  }
0x4b: {  	_ =	shalt  }
0x4c: {  	_ =	shalt  }
0x4d: {  	_ =	shalt  }
0x4e: {  	_ =	shalt  }
0x4f: {  	_ =	shalt  }
0x50: {  	_ =	shalt  }
0x51: {  	_ =	shalt  }
0x52: {  	_ =	shalt  }
0x53: {  	_ =	shalt  }
0x54: {  	_ =	shalt  }
0x55: {  	_ =	shalt  }
0x56: {  	_ =	shalt  }
0x57: {  	_ =	shalt  }
0x58: {  	_ =	shalt  }
0x59: {  	_ =	shalt  }
0x5a: {  	_ =	shalt  }
0x5b: {  	_ =	shalt  }
0x5c: {  	_ =	shalt  }
0x5d: {  	_ =	shalt  }
0x5e: {  	_ =	shalt  }
0x5f: {  	_ =	shalt  }
0x60: {  	_ =	shalt  }
0x61: {  	_ =	shalt  }
0x62: {  	_ =	shalt  }
0x63: {  	_ =	shalt  }
0x64: {  	_ =	shalt  }
0x65: {  	_ =	shalt  }
0x66: {  	_ =	shalt  }
0x67: {  	_ =	shalt  }
0x68: {  	_ =	shalt  }
0x69: {  	_ =	shalt  }
0x6a: {  	_ =	shalt  }
0x6b: {  	_ =	shalt  }
0x6c: {  	_ =	shalt  }
0x6d: {  	_ =	shalt  }
0x6e: {  	_ =	shalt  }
0x6f: {  	_ =	shalt  }
0x70: {  	_ =	shalt  }
0x71: {  	_ =	shalt  }
0x72: {  	_ =	shalt  }
0x73: {  	_ =	shalt  }
0x74: {  	_ =	shalt  }
0x75: {  	_ =	shalt  }
0x76: {  	_ =	shalt  }
0x77: {  	_ =	shalt  }
0x78: {  	_ =	shalt  }
0x79: {  	_ =	shalt  }
0x7a: {  	_ =	shalt  }
0x7b: {  	_ =	shalt  }
0x7c: {  	_ =	shalt  }
0x7d: {  	_ =	shalt  }
0x7e: {  	_ =	shalt  }
0x7f: {  	_ =	shalt  }
0x80: {  	_ =	shalt  }
0x81: {  	_ =	shalt  }
0x82: {  	_ =	shalt  }
0x83: {  	_ =	shalt  }
0x84: {  	_ =	shalt  }
0x85: {  	_ =	shalt  }
0x86: {  	_ =	shalt  }
0x87: {  	_ =	shalt  }
.Lfunc_end0:
.L_simem_size_0:
called_computation.1_lowered:
.L_overlay_start_0:
0x88: {  	s2 =	sld [smem:$0x3FD9]  }
0x89: {  	s3 =	sld [smem:$0x3FFE];
	_ =	sdelay $0x1  }
0x8a: {  	s1 =	srdreg.scid  }
0x8b: {  	s0 =	sand.u32 $0x1, s1  }
0x8c: {  	s17 =	sshll.u32 s0, $0xA;
	s2 =	sadd.s32 s3, s2  }
0x8d: {  	s2 =	sadd.s32 s2, s17  }
0x8e: {  	[smem:$0x3FC2] =	sst s2  }
0x8f: {  	_ = 	snop  }
0x90: {  	s2 =	sld [smem:$0x3FD0];
	(tm) =	ssettm $0x1  }
0x91: {  	s18 =	sld [smem:$0x3FFB];
	_ =	sdelay $0x3  }
0x92: {  	_ =	strace s18  }
0x93: {  	s3 =	sld [smem:$0x3FFC];
	_ =	sdelay $0x3  }
0x94: {  	_ =	strace s3  }
0x95: {  	s3 =	sld [smem:$0x3FFD];
	_ =	sdelay $0x3  }
0x96: {  	_ =	strace s3  }
0x97: {  	_ =	strace $0x8FFFFFFF  }
0x98: {  	s19 =	sld [smem:$0x3FDB];
	_ =	sdelay $0x1  }
0x99: {  	s4 =	simm.s32 $_scs_section_size  }
0x9a: {  	s5 =	simm.s32 $_size__tile_overlayer_lowered;
	s6 =	simm.s32 $_tile_overlayer_lowered  }
0x9b: {  	s22 =	simm.s32 $0x1BFF;
	s21 =	sshll.u32 s6, $0x1;
	s3 =	sadd.s32 s4, s19  }
0x9c: {  	s7 =	simm.s32 $0x0;
	s20 =	sshll.u32 s5, $0x1;
	s5 =	sadd.s32 s21, s3  }
0x9d: {  	[timem:s7], [sflag:s22] =	dma.local [hbm:s5], s20  }
0x9e: {  	_ =	swait.ge [sflag:s22], s20  }
0x9f: {  	s4 =	ssub.s32 $0x0, s20;
	[sflag:s22] =	ssyncset.done $0x0  }
0xa0: {  	[sflag:s22] =	ssyncadd.s32 s4;
	_ =	sdelay $0x1  }
0xa1: {  	s23 =	simm.s32 $0x1B8B  }
0xa2: {  	_ =	swait.ge [sflag:s23], $0x1  }
0xa3: {  	[sflag:s23] =	ssyncset.done $0x0  }
0xa4: {  	s25 =	simm.s32 $0x1B8E;
	s24 =	sld [smem:$0x3FFE];
	[sflag:s23] =	ssyncadd.s32 $0xFFFFFFFF  }
0xa5: {  	s26 =	simm.s32 $execute0_lowered;
	[smem:$0x3FD2] =	sst s25  }
0xa6: {  	s5 =	sshll.u32 s26, $0x1;
	_ =	strace $0x80000049;
	[dreg:$0x1] =	wrdreg $0xFFFFFFFF  }
0xa7: {  	s28 =	simm.s32 $_size_execute0_lowered;
	s3 =	sadd.s32 s3, s5;
	[dreg:$0x0] =	wrdreg $0x0  }
0xa8: {  	s5 =	sshll.u32 s28, $0x1;
	[dreg:$0x2] =	wrdreg s3  }
0xa9: {  	[dreg:$0x3] =	wrdreg s5  }
0xaa: {  	[dreg:$0x4] =	wrdreg $0xC0  }
0xab: {  	_ =	task [dreg:s7], $0x5FFFF  }
0xac: {  	[dreg:$0x1] =	wrdreg $0xFFFFFFFF  }
0xad: {  	[dreg:$0x0] =	wrdreg $0x60  }
0xae: {  	[dreg:$0x2] =	wrdreg s24  }
0xaf: {  	[dreg:$0x3] =	wrdreg s2  }
0xb0: {  	[dreg:$0x4] =	wrdreg $0xE2800  }
0xb1: {  	[dreg:$0x5] =	wrdreg $0x10A800  }
0xb2: {  	[dreg:$0x6] =	wrdreg $0x9  }
0xb3: {  	_ =	task.clear_ibuf [dreg:s7], $0x7FFFF;
	_ =	strace $0x90000049  }
0xb4: {  	s29 =	simm.s32 $0x9;
	_ =	strace $0x8000004B  }
0xb5: {  	_ =	swait.ge [sflag:s29], $0x1  }
0xb6: {  	[sflag:s29] =	ssyncadd.s32 $0xFFFFFFFF  }
0xb7: {  	_ =	strace $0x9000004B  }
0xb8: {  	_ =	sfence  }
0xb9: {  	s30 =	sld [smem:$0x0];
	_ =	sdelay $0x2  }
0xba: {  	s31 =	sshll.u32 s1, $0xD;
	s1 =	sshrl.u32 s1, $0x2  }
0xbb: {  	s3 =	sand.u32 $0x4000, s31;
	s1 =	sadd.s32 s1, s30  }
0xbc: {  	s0 =	sor.u32 s3, s0;
	s1 =	sshll.u32 s1, $0x11  }
0xbd: {  	s0 =	sor.u32 s1, s0  }
0xbe: {  	s0 =	sadd.s32 $0x8F2B, s0  }
0xbf: {  	[sflag:s0] =	ssyncadd.remote.s32 $0x1  }
0xc0: {  	_ =	sfence.sel $0xFFFF  }
0xc1: {  	[dreg:$0x0] =	wrdreg $0xFFFFFFFF;
	(pc) =	sbr.abs _section_cstart, $3  }
0xc2: {  	[dreg:$0x1] =	wrdreg $0xFFFFFFFF  }
0xc3: {  	_ =	task.clear_ibuf [dreg:s7], $0x2FFFF;
	_ =	strace $0x9FFFFFFF  }
0xc4: {  	(tm) =	ssettm $0x7FFFFFFF  }
0xc5: {  	_ =	shalt  }
tec
execute0_lowered:
.L_overlay_start_1:
0x0: {  	(tag) =	ssettag $0x1  }
0x1: {  	s0 =	rddreg [dreg:$0x0]  }
0x2: {  	s8 =	stileid.u32;
	s5 =	rddreg [dreg:$0x1]  }
0x3: {  	s1 =	srdreg.scid;
	s2 =	rddreg [dreg:$0x2];
	s14 =	simm.s32 $0x5  }
0x4: {  	s15 =	simm.s32 $0x2800;
	s16 =	simm.s32 $0xBA80;
	s17 =	simm.s32 $0xCE80  }
0x5: {  	s18 =	simm.s32 $0x9000;
	s19 =	simm.s32 $0xB800;
	s21 =	simm.s32 $0x200  }
0x6: {  	s22 =	simm.s32 $0x5000;
	s23 =	simm.s32 $0x1;
	s30 =	simm.s32 $0x4  }
0x7: {  	s28 =	simm.s32 $0x4C00;
	s29 =	simm.s32 $0x4E00;
	s6 =	smul.u32 $0x1400, s8  }
0x8: {  	s1 =	sand.u32 $0x1, s1;
	s3 =	sshll.u32 s8, $0x1;
	s11 =	smul.u32 $0x2800, s8  }
0x9: {  	s31 =	simm.s32 $0x0;
	s4 =	sor.u32 s1, s3;
	s24 =	smul.u32 $0x28000, s1  }
0xa: {  	s3 =	rddreg [dreg:$0x3];
	s1 =	ssub.s32 $0x2, s1;
	s7 =	smul.u32 $0x500, s4  }
0xb: {  	s4 =	simm.s32 $0x0;
	s6 =	sshrl.u32 s6, $0x3;
	s10 =	sshrl.u32 s11, $0x3  }
0xc: {  	s26 =	sshrl.u32 s1, $0x1;
	s20 =	sadd.s32 s11, s3;
	[smem:$0x7FF] =	sst s4  }
0xd: {  	s9 =	sadd.s32 s6, s0;
	s8 =	sadd.s32 s11, s24;
	s12 =	sadd.s32 s10, s0  }
0xe: {  	s1 =	ssub.s32 s1, s26;
	s10 =	sadd.s32 s11, s2;
	s20 =	sshrl.u32 s20, $0x3  }
0xf: {  	s24 =	simm.s32 $0x7000;
	s26 =	simm.s32 $0x3;
	_ =	strace $0x8000004A  }
0x10: {  	s25 =	sadd.s32 s7, s0;
	s8 =	sshrl.u32 s8, $0x3;
	s5 =	sadd.s32 s5, s7  }
0x11: {  	v0 =	vlaneseq.u32;
	s7 =	sadd.s32 $0xDC00, s9;
	s11 =	sadd.s32 $0x1CC00, s12;
	s13 =	smax.u32 s1, $0x1  }
0x12: {  	v0 =	vmul.u32 $0x8, v0;
	s0 =	sadd.s32 s8, s0;
	s6 =	sadd.s32 $0x1200, s25;
	s8 =	sadd.s32 $0x12C00, s9  }
0x13: {  	s9 =	sadd.s32 $0x17C00, s12;
	s25 =	simm.s32 $0x2;
	s12 =	sadd.s32 $0x21C00, s0  }
.LBB2_1:
0x14: {  	[tilespmem:s4], [sflag:$0x5] =	stream.linear.gather [hbm4b:s5+s4], $0x2800, $0x38;
	[tilespmem:$0x13280] =	vst v63  }
0x15: {  	_ =	swait.ge [sflag:s14], $0x2800  }
0x16: {  	[sflag:s14] =	ssyncset.done $0x0  }
0x17: {  	[sflag:s14] =	ssyncadd.s32 $0xFFFFD800  }
0x18: {  	[tilespmem:s15], [sflag:$0x5] =	stream.linear.gather [hbm4b:s6+s4], $0x2800, $0x38;
	[tilespmem:$0x13280] =	vst v63  }
0x19: {  	_ =	swait.ge [sflag:s14], $0x2800  }
0x1a: {  	[sflag:s14] =	ssyncset.done $0x0  }
0x1b: {  	[sflag:s14] =	ssyncadd.s32 $0xFFFFD800  }
0x1c: {  	[tilespmem:s16], [sflag:$0x5] =	stream.linear.gather [hbm4b:s7+s4], $0x1400, $0x38;
	[tilespmem:$0x13280] =	vst v63  }
0x1d: {  	_ =	swait.ge [sflag:s14], $0x1400  }
0x1e: {  	[sflag:s14] =	ssyncset.done $0x0  }
0x1f: {  	[sflag:s14] =	ssyncadd.s32 $0xFFFFEC00  }
0x20: {  	[tilespmem:s17], [sflag:$0x5] =	stream.linear.gather [hbm4b:s8+s4], $0x1400, $0x38;
	[tilespmem:$0x13280] =	vst v63  }
0x21: {  	v1 =	vmov s4;
	_ =	swait.ge [sflag:s14], $0x1400  }
0x22: {  	v1 =	vshll.u32 v1, $0x3;
	[sflag:s14] =	ssyncset.done $0x0  }
0x23: {  	v1 =	vor.u32 v0, v1;
	[sflag:s14] =	ssyncadd.s32 $0xFFFFEC00  }
0x24: {  	[tilespmem:s18], [sflag:$0x5] =	stream.linear.gather [hbm4b:s9+s4], $0x2800, $0x38;
	[tilespmem:$0x13280] =	vst v63  }
0x25: {  	_ =	swait.ge [sflag:s14], $0x2800  }
0x26: {  	[sflag:s14] =	ssyncset.done $0x0  }
0x27: {  	[sflag:s14] =	ssyncadd.s32 $0xFFFFD800  }
0x28: {  	v2 =	vld.idx.msk [tilespmem:v1+s17+$0x0], $0xffff  }
0x29: {  	v1 =	vld.idx.msk [tilespmem:v1+s16+$0x0], $0xffff;
	_ =	sdelay $0x4  }
0x2a: {  	v1 =	vadd.f32 v2, v1;
	_ =	sdelay $0x1  }
0x2b: {  	v1 =	vmax.f32 v1, $1.000000000e+00  }
0x2c: {  	v2 =	vshra.s32 v1, $0x1;
	v1 =	vmul.f32 $5.000000000e-01, v1  }
0x2d: {  	v2 =	vsub.s32 $0x5F3759DF, v2  }
0x2e: {  	v3 =	vmul.f32 v2, v1;
	_ =	sdelay $0x1  }
0x2f: {  	v3 =	vmul.f32 v2, v3;
	_ =	sdelay $0x1  }
0x30: {  	v3 =	vsub.f32 $1.500000000e+00, v3;
	_ =	sdelay $0x1  }
0x31: {  	v2 =	vmul.f32 v2, v3;
	_ =	sdelay $0x1  }
0x32: {  	v3 =	vmul.f32 v2, v1;
	_ =	sdelay $0x1  }
0x33: {  	v3 =	vmul.f32 v3, v2;
	_ =	sdelay $0x1  }
0x34: {  	v3 =	vsub.f32 $1.500000000e+00, v3;
	_ =	sdelay $0x1  }
0x35: {  	v2 =	vmul.f32 v3, v2;
	_ =	sdelay $0x1  }
0x36: {  	v1 =	vmul.f32 v2, v1  }
0x37: {  	s0 =	simm.s32 $0x10  }
0x38: {  	v3 =	vmov s0;
	v1 =	vmul.f32 v1, v2  }
0x39: {  	v3 =	vshll.u32 v3, $0x3  }
0x3a: {  	v3 =	vor.u32 v0, v3;
	v1 =	vsub.f32 $1.500000000e+00, v1;
	_ =	sdelay $0x1  }
0x3b: {  	v1 =	vmul.f32 v1, v2;
	_ =	sdelay $0x1  }
0x3c: {  	[tilespmem:s19+$0x0] =	vst v1  }
0x3d: {  	v1 =	vld.idx.msk [tilespmem:v3+s17+$0x0], $0xffff  }
0x3e: {  	v2 =	vld.idx.msk [tilespmem:v3+s16+$0x0], $0xffff;
	_ =	sdelay $0x4  }
0x3f: {  	v1 =	vadd.f32 v1, v2;
	_ =	sdelay $0x1  }
0x40: {  	v1 =	vmax.f32 v1, $1.000000000e+00  }
0x41: {  	v2 =	vshra.s32 v1, $0x1;
	v3 =	vmul.f32 $5.000000000e-01, v1  }
0x42: {  	v1 =	vsub.s32 $0x5F3759DF, v2  }
0x43: {  	v2 =	vmul.f32 v1, v3;
	_ =	sdelay $0x1  }
0x44: {  	v2 =	vmul.f32 v1, v2;
	_ =	sdelay $0x1  }
0x45: {  	v2 =	vsub.f32 $1.500000000e+00, v2;
	_ =	sdelay $0x1  }
0x46: {  	v1 =	vmul.f32 v1, v2;
	_ =	sdelay $0x1  }
0x47: {  	v2 =	vmul.f32 v1, v3;
	_ =	sdelay $0x1  }
0x48: {  	v2 =	vmul.f32 v2, v1;
	_ =	sdelay $0x1  }
0x49: {  	v2 =	vsub.f32 $1.500000000e+00, v2;
	_ =	sdelay $0x1  }
0x4a: {  	v1 =	vmul.f32 v2, v1;
	_ =	sdelay $0x1  }
0x4b: {  	v2 =	vmul.f32 v1, v3  }
0x4c: {  	s1 =	simm.s32 $0x20  }
0x4d: {  	v3 =	vmov s1;
	v2 =	vmul.f32 v2, v1  }
0x4e: {  	s0 =	simm.s32 $0x30;
	s1 =	simm.s32 $0xB800;
	v3 =	vshll.u32 v3, $0x3  }
.LBB2_2:
0x4f: {  	p0 =	sne.s32 s0, $0x270;
	v3 =	vor.u32 v0, v3;
	v2 =	vsub.f32 $1.500000000e+00, v2;
	_ =	sdelay $0x1  }
0x50: {  	v1 =	vmul.f32 v2, v1  }
0x51: {  	s1 =	sadd.s32 $0x10, s1  }
0x52: {  	[tilespmem:s1+$0x0] =	vst v1  }
0x53: {  	v1 =	vld.idx.msk [tilespmem:v3+s17+$0x0], $0xffff  }
0x54: {  	v2 =	vld.idx.msk [tilespmem:v3+s16+$0x0], $0xffff;
	_ =	sdelay $0x5  }
0x55: {  	v1 =	vadd.f32 v1, v2;
	_ =	sdelay $0x1  }
0x56: {  	v1 =	vmax.f32 v1, $1.000000000e+00  }
0x57: {  	v2 =	vshra.s32 v1, $0x1;
	v3 =	vmul.f32 $5.000000000e-01, v1  }
0x58: {  	v1 =	vsub.s32 $0x5F3759DF, v2  }
0x59: {  	v2 =	vmul.f32 v1, v3;
	_ =	sdelay $0x1  }
0x5a: {  	v2 =	vmul.f32 v1, v2;
	_ =	sdelay $0x1  }
0x5b: {  	v2 =	vsub.f32 $1.500000000e+00, v2;
	_ =	sdelay $0x1  }
0x5c: {  	v1 =	vmul.f32 v1, v2;
	_ =	sdelay $0x1  }
0x5d: {  	v2 =	vmul.f32 v1, v3;
	_ =	sdelay $0x1  }
0x5e: {  	v2 =	vmul.f32 v2, v1;
	_ =	sdelay $0x1  }
0x5f: {  	v2 =	vsub.f32 $1.500000000e+00, v2;
	_ =	sdelay $0x1  }
0x60: {  	v1 =	vmul.f32 v2, v1  }
.Ltmp0:
0x61: {  	(pc) =	sbr.rel @p0 .LBB2_2-.Ltmp0, $3  }
0x62: {  	v2 =	vmul.f32 v1, v3;
	_ =	sdelay $0x1  }
0x63: {  	v3 =	vmov s0;
	v2 =	vmul.f32 v2, v1  }
0x64: {  	s0 =	sadd.s32 $0x10, s0;
	v3 =	vshll.u32 v3, $0x3  }
0x65: {  	v3 =	vor.u32 v0, v3;
	v2 =	vsub.f32 $1.500000000e+00, v2;
	_ =	sdelay $0x1  }
0x66: {  	v1 =	vmul.f32 v2, v1  }
0x67: {  	s0 =	sadd.s32 $0x10, s1  }
0x68: {  	[tilespmem:s0+$0x0] =	vst v1  }
0x69: {  	v1 =	vld.idx.msk [tilespmem:v3+s17+$0x0], $0xffff  }
0x6a: {  	v2 =	vld.idx.msk [tilespmem:v3+s16+$0x0], $0xffff;
	_ =	sdelay $0x4  }
0x6b: {  	v1 =	vadd.f32 v1, v2;
	_ =	sdelay $0x1  }
0x6c: {  	v1 =	vmax.f32 v1, $1.000000000e+00  }
0x6d: {  	v2 =	vshra.s32 v1, $0x1;
	v1 =	vmul.f32 $5.000000000e-01, v1  }
0x6e: {  	v2 =	vsub.s32 $0x5F3759DF, v2  }
0x6f: {  	v3 =	vmul.f32 v2, v1;
	_ =	sdelay $0x1  }
0x70: {  	v3 =	vmul.f32 v2, v3;
	_ =	sdelay $0x1  }
0x71: {  	v3 =	vsub.f32 $1.500000000e+00, v3;
	_ =	sdelay $0x1  }
0x72: {  	v2 =	vmul.f32 v2, v3;
	_ =	sdelay $0x1  }
0x73: {  	v3 =	vmul.f32 v2, v1;
	_ =	sdelay $0x1  }
0x74: {  	v3 =	vmul.f32 v3, v2;
	_ =	sdelay $0x1  }
0x75: {  	v3 =	vsub.f32 $1.500000000e+00, v3;
	_ =	sdelay $0x1  }
0x76: {  	v2 =	vmul.f32 v3, v2;
	_ =	sdelay $0x1  }
0x77: {  	v1 =	vmul.f32 v2, v1;
	_ =	sdelay $0x1  }
0x78: {  	v1 =	vmul.f32 v1, v2  }
0x79: {  	s1 =	simm.s32 $0x0  }
0x7a: {  	v3 =	vmov s1;
	v1 =	vsub.f32 $1.500000000e+00, v1;
	_ =	sdelay $0x1  }
0x7b: {  	v1 =	vmul.f32 v1, v2  }
0x7c: {  	s0 =	sadd.s32 $0x10, s0  }
0x7d: {  	[tilespmem:s0+$0x0] =	vst v1  }
0x7e: {  	s0 =	simm.s32 $0x9000;
	v1 =	vld.idx.msk [tilespmem:v3+s19+$0x0], $0xffff  }
0x7f: {  	v3 =	vld [tilespmem:s0+$0x0];
	_ =	sdelay $0x1  }
0x80: {  	s1 =	simm.s32 $0x1  }
0x81: {  	v2 =	vmov s1;
	s1 =	simm.s32 $0x2  }
.LBB2_4:
0x82: {  	p0 =	sne.s32 s1, $0x27F  }
0x83: {  	v1 =	vmul.f32 v1, v3;
	_ =	sdelay $0x1  }
0x84: {  	[tilespmem:s0+$0x0] =	vst v1  }
.Ltmp1:
0x85: {  	s0 =	sadd.s32 $0x10, s0;
	v1 =	vld.idx.msk [tilespmem:v2+s19+$0x0], $0xffff;
	(pc) =	sbr.rel @p0 .LBB2_4-.Ltmp1, $2  }
0x86: {  	v3 =	vld [tilespmem:s0+$0x0];
	_ =	sdelay $0x2  }
0x87: {  	v2 =	vmov s1;
	s1 =	sadd.s32 $0x1, s1  }
0x88: {  	_ = 	snop  }
0x89: {  	v1 =	vmul.f32 v1, v3;
	_ =	sdelay $0x1  }
0x8a: {  	[tilespmem:s0+$0x0] =	vst v1  }
0x8b: {  	s1 =	sadd.s32 $0x10, s0;
	v1 =	vld.idx.msk [tilespmem:v2+s19+$0x0], $0xffff  }
0x8c: {  	v2 =	vld [tilespmem:s1+$0x0];
	_ =	sdelay $0x4  }
0x8d: {  	v1 =	vmul.f32 v1, v2;
	_ =	sdelay $0x1  }
0x8e: {  	[tilespmem:s1+$0x0] =	vst v1  }
0x8f: {  	[spmem:s10] =	stream.linear.scatter [tilespmem:s18], [sflag:$0x5], $0x2800, $0x38;
	[tilespmem:$0x13280] =	vst v63  }
0x90: {  	s1 =	stileid.u32;
	_ =	swait.ge [sflag:s14], $0x2800  }
0x91: {  	s0 =	sshll.u32 s1, $0x6;
	[sflag:s14] =	ssyncset.done $0x0  }
0x92: {  	s1 =	sor.u32 $0x1C05, s0;
	[sflag:s14] =	ssyncadd.s32 $0xFFFFD800  }
0x93: {  	[spmem:s20], [sflag:s1] =	dma.local [hbm:s11], $0x500  }
0x94: {  	_ =	swait.ge [sflag:s14], $0x500  }
0x95: {  	[sflag:s14] =	ssyncset.done $0x0  }
0x96: {  	[sflag:s14] =	ssyncadd.s32 $0xFFFFFB00  }
0x97: {  	[bflag:$0x0] =	sbarrier.arrive $0xFFFF  }
0x98: {  	[tilespmem:s22], [sflag:$0x1] =	stream.indirect.gather [spmem:s2], $0x10, s4, s21, $0xb8;
	[tilespmem:$0x13280] =	vst v63  }
0x99: {  	_ =	swait.ge [sflag:s23], $0x2000  }
0x9a: {  	[sflag:s23] =	ssyncset.done $0x0  }
0x9b: {  	[sflag:s23] =	ssyncadd.s32 $0xFFFFE000  }
0x9c: {  	[tilespmem:s24], [sflag:$0x2] =	stream.indirect.gather [spmem:s2], $0x10, s21, s21, $0xb8;
	[tilespmem:$0x13280] =	vst v63  }
0x9d: {  	_ = 	snop  }
0x9e: {  	[spmem:s3] =	stream.indirect.scatter.add.f32 [tilespmem:s22], [sflag:$0x3], $0x10, s15, s21, $0xb8;
	[tilespmem:$0x13280] =	vst v63  }
0x9f: {  	_ =	swait.ge [sflag:s25], $0x2000  }
0xa0: {  	[sflag:s25] =	ssyncset.done $0x0  }
0xa1: {  	[sflag:s25] =	ssyncadd.s32 $0xFFFFE000  }
0xa2: {  	_ =	swait.ge [sflag:s26], $0x2000  }
0xa3: {  	[sflag:s26] =	ssyncset.done $0x0  }
0xa4: {  	s0 =	simm.s32 $0x400;
	[sflag:s26] =	ssyncadd.s32 $0xFFFFE000  }
0xa5: {  	[tilespmem:s22], [sflag:$0x1] =	stream.indirect.gather [spmem:s2], $0x10, s0, s21, $0xb8;
	[tilespmem:$0x13280] =	vst v63  }
0xa6: {  	s0 =	simm.s32 $0x2A00  }
0xa7: {  	[spmem:s3] =	stream.indirect.scatter.add.f32 [tilespmem:s24], [sflag:$0x4], $0x10, s0, s21, $0xb8;
	[tilespmem:$0x13280] =	vst v63  }
0xa8: {  	_ =	swait.ge [sflag:s23], $0x2000  }
0xa9: {  	[sflag:s23] =	ssyncset.done $0x0  }
0xaa: {  	[sflag:s23] =	ssyncadd.s32 $0xFFFFE000  }
0xab: {  	_ =	swait.ge [sflag:s30], $0x2000  }
0xac: {  	[sflag:s30] =	ssyncset.done $0x0  }
0xad: {  	s0 =	simm.s32 $0x600;
	[sflag:s30] =	ssyncadd.s32 $0xFFFFE000  }
0xae: {  	[tilespmem:s24], [sflag:$0x2] =	stream.indirect.gather [spmem:s2], $0x10, s0, s21, $0xb8;
	[tilespmem:$0x13280] =	vst v63  }
0xaf: {  	s0 =	simm.s32 $0x2C00  }
0xb0: {  	[spmem:s3] =	stream.indirect.scatter.add.f32 [tilespmem:s22], [sflag:$0x3], $0x10, s0, s21, $0xb8;
	[tilespmem:$0x13280] =	vst v63  }
0xb1: {  	_ =	swait.ge [sflag:s25], $0x2000  }
0xb2: {  	[sflag:s25] =	ssyncset.done $0x0  }
0xb3: {  	[sflag:s25] =	ssyncadd.s32 $0xFFFFE000  }
0xb4: {  	_ =	swait.ge [sflag:s26], $0x2000  }
0xb5: {  	[sflag:s26] =	ssyncset.done $0x0  }
0xb6: {  	s0 =	simm.s32 $0x800;
	[sflag:s26] =	ssyncadd.s32 $0xFFFFE000  }
0xb7: {  	[tilespmem:s22], [sflag:$0x1] =	stream.indirect.gather [spmem:s2], $0x10, s0, s21, $0xb8;
	[tilespmem:$0x13280] =	vst v63  }
0xb8: {  	s0 =	simm.s32 $0x2E00  }
0xb9: {  	[spmem:s3] =	stream.indirect.scatter.add.f32 [tilespmem:s24], [sflag:$0x4], $0x10, s0, s21, $0xb8;
	[tilespmem:$0x13280] =	vst v63  }
0xba: {  	_ =	swait.ge [sflag:s23], $0x2000  }
0xbb: {  	[sflag:s23] =	ssyncset.done $0x0  }
0xbc: {  	[sflag:s23] =	ssyncadd.s32 $0xFFFFE000  }
0xbd: {  	_ =	swait.ge [sflag:s30], $0x2000  }
0xbe: {  	[sflag:s30] =	ssyncset.done $0x0  }
0xbf: {  	s0 =	simm.s32 $0xA00;
	[sflag:s30] =	ssyncadd.s32 $0xFFFFE000  }
0xc0: {  	[tilespmem:s24], [sflag:$0x2] =	stream.indirect.gather [spmem:s2], $0x10, s0, s21, $0xb8;
	[tilespmem:$0x13280] =	vst v63  }
0xc1: {  	s0 =	simm.s32 $0x3000  }
0xc2: {  	[spmem:s3] =	stream.indirect.scatter.add.f32 [tilespmem:s22], [sflag:$0x3], $0x10, s0, s21, $0xb8;
	[tilespmem:$0x13280] =	vst v63  }
0xc3: {  	_ =	swait.ge [sflag:s25], $0x2000  }
0xc4: {  	[sflag:s25] =	ssyncset.done $0x0  }
0xc5: {  	[sflag:s25] =	ssyncadd.s32 $0xFFFFE000  }
0xc6: {  	_ =	swait.ge [sflag:s26], $0x2000  }
0xc7: {  	[sflag:s26] =	ssyncset.done $0x0  }
0xc8: {  	s0 =	simm.s32 $0xC00;
	[sflag:s26] =	ssyncadd.s32 $0xFFFFE000  }
0xc9: {  	[tilespmem:s22], [sflag:$0x1] =	stream.indirect.gather [spmem:s2], $0x10, s0, s21, $0xb8;
	[tilespmem:$0x13280] =	vst v63  }
0xca: {  	s0 =	simm.s32 $0x3200  }
0xcb: {  	[spmem:s3] =	stream.indirect.scatter.add.f32 [tilespmem:s24], [sflag:$0x4], $0x10, s0, s21, $0xb8;
	[tilespmem:$0x13280] =	vst v63  }
0xcc: {  	_ =	swait.ge [sflag:s23], $0x2000  }
0xcd: {  	[sflag:s23] =	ssyncset.done $0x0  }
0xce: {  	[sflag:s23] =	ssyncadd.s32 $0xFFFFE000  }
0xcf: {  	_ =	swait.ge [sflag:s30], $0x2000  }
0xd0: {  	[sflag:s30] =	ssyncset.done $0x0  }
0xd1: {  	s0 =	simm.s32 $0xE00;
	[sflag:s30] =	ssyncadd.s32 $0xFFFFE000  }
0xd2: {  	[tilespmem:s24], [sflag:$0x2] =	stream.indirect.gather [spmem:s2], $0x10, s0, s21, $0xb8;
	[tilespmem:$0x13280] =	vst v63  }
0xd3: {  	s0 =	simm.s32 $0x3400  }
0xd4: {  	[spmem:s3] =	stream.indirect.scatter.add.f32 [tilespmem:s22], [sflag:$0x3], $0x10, s0, s21, $0xb8;
	[tilespmem:$0x13280] =	vst v63  }
0xd5: {  	_ =	swait.ge [sflag:s25], $0x2000  }
0xd6: {  	[sflag:s25] =	ssyncset.done $0x0  }
0xd7: {  	[sflag:s25] =	ssyncadd.s32 $0xFFFFE000  }
0xd8: {  	_ =	swait.ge [sflag:s26], $0x2000  }
0xd9: {  	[sflag:s26] =	ssyncset.done $0x0  }
0xda: {  	s0 =	simm.s32 $0x1000;
	[sflag:s26] =	ssyncadd.s32 $0xFFFFE000  }
0xdb: {  	[tilespmem:s22], [sflag:$0x1] =	stream.indirect.gather [spmem:s2], $0x10, s0, s21, $0xb8;
	[tilespmem:$0x13280] =	vst v63  }
0xdc: {  	s0 =	simm.s32 $0x3600  }
0xdd: {  	[spmem:s3] =	stream.indirect.scatter.add.f32 [tilespmem:s24], [sflag:$0x4], $0x10, s0, s21, $0xb8;
	[tilespmem:$0x13280] =	vst v63  }
0xde: {  	_ =	swait.ge [sflag:s23], $0x2000  }
0xdf: {  	[sflag:s23] =	ssyncset.done $0x0  }
0xe0: {  	[sflag:s23] =	ssyncadd.s32 $0xFFFFE000  }
0xe1: {  	_ =	swait.ge [sflag:s30], $0x2000  }
0xe2: {  	[sflag:s30] =	ssyncset.done $0x0  }
0xe3: {  	s0 =	simm.s32 $0x1200;
	[sflag:s30] =	ssyncadd.s32 $0xFFFFE000  }
0xe4: {  	[tilespmem:s24], [sflag:$0x2] =	stream.indirect.gather [spmem:s2], $0x10, s0, s21, $0xb8;
	[tilespmem:$0x13280] =	vst v63  }
0xe5: {  	s0 =	simm.s32 $0x3800  }
0xe6: {  	[spmem:s3] =	stream.indirect.scatter.add.f32 [tilespmem:s22], [sflag:$0x3], $0x10, s0, s21, $0xb8;
	[tilespmem:$0x13280] =	vst v63  }
0xe7: {  	_ =	swait.ge [sflag:s25], $0x2000  }
0xe8: {  	[sflag:s25] =	ssyncset.done $0x0  }
0xe9: {  	[sflag:s25] =	ssyncadd.s32 $0xFFFFE000  }
0xea: {  	_ =	swait.ge [sflag:s26], $0x2000  }
0xeb: {  	[sflag:s26] =	ssyncset.done $0x0  }
0xec: {  	s0 =	simm.s32 $0x1400;
	[sflag:s26] =	ssyncadd.s32 $0xFFFFE000  }
0xed: {  	[tilespmem:s22], [sflag:$0x1] =	stream.indirect.gather [spmem:s2], $0x10, s0, s21, $0xb8;
	[tilespmem:$0x13280] =	vst v63  }
0xee: {  	s0 =	simm.s32 $0x3A00  }
0xef: {  	[spmem:s3] =	stream.indirect.scatter.add.f32 [tilespmem:s24], [sflag:$0x4], $0x10, s0, s21, $0xb8;
	[tilespmem:$0x13280] =	vst v63  }
0xf0: {  	_ =	swait.ge [sflag:s23], $0x2000  }
0xf1: {  	[sflag:s23] =	ssyncset.done $0x0  }
0xf2: {  	[sflag:s23] =	ssyncadd.s32 $0xFFFFE000  }
0xf3: {  	_ =	swait.ge [sflag:s30], $0x2000  }
0xf4: {  	[sflag:s30] =	ssyncset.done $0x0  }
0xf5: {  	s0 =	simm.s32 $0x1600;
	[sflag:s30] =	ssyncadd.s32 $0xFFFFE000  }
0xf6: {  	[tilespmem:s24], [sflag:$0x2] =	stream.indirect.gather [spmem:s2], $0x10, s0, s21, $0xb8;
	[tilespmem:$0x13280] =	vst v63  }
0xf7: {  	s0 =	simm.s32 $0x3C00  }
0xf8: {  	[spmem:s3] =	stream.indirect.scatter.add.f32 [tilespmem:s22], [sflag:$0x3], $0x10, s0, s21, $0xb8;
	[tilespmem:$0x13280] =	vst v63  }
0xf9: {  	_ =	swait.ge [sflag:s25], $0x2000  }
0xfa: {  	[sflag:s25] =	ssyncset.done $0x0  }
0xfb: {  	[sflag:s25] =	ssyncadd.s32 $0xFFFFE000  }
0xfc: {  	_ =	swait.ge [sflag:s26], $0x2000  }
0xfd: {  	[sflag:s26] =	ssyncset.done $0x0  }
0xfe: {  	s0 =	simm.s32 $0x1800;
	[sflag:s26] =	ssyncadd.s32 $0xFFFFE000  }
0xff: {  	[tilespmem:s22], [sflag:$0x1] =	stream.indirect.gather [spmem:s2], $0x10, s0, s21, $0xb8;
	[tilespmem:$0x13280] =	vst v63  }
0x100: {  	s0 =	simm.s32 $0x3E00  }
0x101: {  	[spmem:s3] =	stream.indirect.scatter.add.f32 [tilespmem:s24], [sflag:$0x4], $0x10, s0, s21, $0xb8;
	[tilespmem:$0x13280] =	vst v63  }
0x102: {  	_ =	swait.ge [sflag:s23], $0x2000  }
0x103: {  	[sflag:s23] =	ssyncset.done $0x0  }
0x104: {  	[sflag:s23] =	ssyncadd.s32 $0xFFFFE000  }
0x105: {  	_ =	swait.ge [sflag:s30], $0x2000  }
0x106: {  	[sflag:s30] =	ssyncset.done $0x0  }
0x107: {  	s0 =	simm.s32 $0x1A00;
	[sflag:s30] =	ssyncadd.s32 $0xFFFFE000  }
0x108: {  	[tilespmem:s24], [sflag:$0x2] =	stream.indirect.gather [spmem:s2], $0x10, s0, s21, $0xb8;
	[tilespmem:$0x13280] =	vst v63  }
0x109: {  	s0 =	simm.s32 $0x4000  }
0x10a: {  	[spmem:s3] =	stream.indirect.scatter.add.f32 [tilespmem:s22], [sflag:$0x3], $0x10, s0, s21, $0xb8;
	[tilespmem:$0x13280] =	vst v63  }
0x10b: {  	_ =	swait.ge [sflag:s25], $0x2000  }
0x10c: {  	[sflag:s25] =	ssyncset.done $0x0  }
0x10d: {  	[sflag:s25] =	ssyncadd.s32 $0xFFFFE000  }
0x10e: {  	_ =	swait.ge [sflag:s26], $0x2000  }
0x10f: {  	[sflag:s26] =	ssyncset.done $0x0  }
0x110: {  	s0 =	simm.s32 $0x1C00;
	[sflag:s26] =	ssyncadd.s32 $0xFFFFE000  }
0x111: {  	[tilespmem:s22], [sflag:$0x1] =	stream.indirect.gather [spmem:s2], $0x10, s0, s21, $0xb8;
	[tilespmem:$0x13280] =	vst v63  }
0x112: {  	s0 =	simm.s32 $0x4200  }
0x113: {  	[spmem:s3] =	stream.indirect.scatter.add.f32 [tilespmem:s24], [sflag:$0x4], $0x10, s0, s21, $0xb8;
	[tilespmem:$0x13280] =	vst v63  }
0x114: {  	_ =	swait.ge [sflag:s23], $0x2000  }
0x115: {  	[sflag:s23] =	ssyncset.done $0x0  }
0x116: {  	[sflag:s23] =	ssyncadd.s32 $0xFFFFE000  }
0x117: {  	_ =	swait.ge [sflag:s30], $0x2000  }
0x118: {  	[sflag:s30] =	ssyncset.done $0x0  }
0x119: {  	s0 =	simm.s32 $0x1E00;
	[sflag:s30] =	ssyncadd.s32 $0xFFFFE000  }
0x11a: {  	[tilespmem:s24], [sflag:$0x2] =	stream.indirect.gather [spmem:s2], $0x10, s0, s21, $0xb8;
	[tilespmem:$0x13280] =	vst v63  }
0x11b: {  	s0 =	simm.s32 $0x4400  }
0x11c: {  	[spmem:s3] =	stream.indirect.scatter.add.f32 [tilespmem:s22], [sflag:$0x3], $0x10, s0, s21, $0xb8;
	[tilespmem:$0x13280] =	vst v63  }
0x11d: {  	_ =	swait.ge [sflag:s25], $0x2000  }
0x11e: {  	[sflag:s25] =	ssyncset.done $0x0  }
0x11f: {  	[sflag:s25] =	ssyncadd.s32 $0xFFFFE000  }
0x120: {  	_ =	swait.ge [sflag:s26], $0x2000  }
0x121: {  	[sflag:s26] =	ssyncset.done $0x0  }
0x122: {  	s0 =	simm.s32 $0x2000;
	[sflag:s26] =	ssyncadd.s32 $0xFFFFE000  }
0x123: {  	[tilespmem:s22], [sflag:$0x1] =	stream.indirect.gather [spmem:s2], $0x10, s0, s21, $0xb8;
	[tilespmem:$0x13280] =	vst v63  }
0x124: {  	s0 =	simm.s32 $0x4600  }
0x125: {  	[spmem:s3] =	stream.indirect.scatter.add.f32 [tilespmem:s24], [sflag:$0x4], $0x10, s0, s21, $0xb8;
	[tilespmem:$0x13280] =	vst v63  }
0x126: {  	_ =	swait.ge [sflag:s23], $0x2000  }
0x127: {  	[sflag:s23] =	ssyncset.done $0x0  }
0x128: {  	[sflag:s23] =	ssyncadd.s32 $0xFFFFE000  }
0x129: {  	_ =	swait.ge [sflag:s30], $0x2000  }
0x12a: {  	[sflag:s30] =	ssyncset.done $0x0  }
0x12b: {  	s0 =	simm.s32 $0x2200;
	[sflag:s30] =	ssyncadd.s32 $0xFFFFE000  }
0x12c: {  	[tilespmem:s24], [sflag:$0x2] =	stream.indirect.gather [spmem:s2], $0x10, s0, s21, $0xb8;
	[tilespmem:$0x13280] =	vst v63  }
0x12d: {  	s0 =	simm.s32 $0x4800  }
0x12e: {  	[spmem:s3] =	stream.indirect.scatter.add.f32 [tilespmem:s22], [sflag:$0x3], $0x10, s0, s21, $0xb8;
	[tilespmem:$0x13280] =	vst v63  }
0x12f: {  	_ =	swait.ge [sflag:s25], $0x2000  }
0x130: {  	[sflag:s25] =	ssyncset.done $0x0  }
0x131: {  	[sflag:s25] =	ssyncadd.s32 $0xFFFFE000  }
0x132: {  	_ =	swait.ge [sflag:s26], $0x2000  }
0x133: {  	[sflag:s26] =	ssyncset.done $0x0  }
0x134: {  	s0 =	simm.s32 $0x2400;
	[sflag:s26] =	ssyncadd.s32 $0xFFFFE000  }
0x135: {  	[tilespmem:s22], [sflag:$0x1] =	stream.indirect.gather [spmem:s2], $0x10, s0, s21, $0xb8;
	[tilespmem:$0x13280] =	vst v63  }
0x136: {  	s0 =	simm.s32 $0x4A00  }
0x137: {  	[spmem:s3] =	stream.indirect.scatter.add.f32 [tilespmem:s24], [sflag:$0x4], $0x10, s0, s21, $0xb8;
	[tilespmem:$0x13280] =	vst v63  }
0x138: {  	_ =	swait.ge [sflag:s23], $0x2000  }
0x139: {  	[sflag:s23] =	ssyncset.done $0x0  }
0x13a: {  	[sflag:s23] =	ssyncadd.s32 $0xFFFFE000  }
0x13b: {  	_ =	swait.ge [sflag:s30], $0x2000  }
0x13c: {  	[sflag:s30] =	ssyncset.done $0x0  }
0x13d: {  	s0 =	simm.s32 $0x2600;
	[sflag:s30] =	ssyncadd.s32 $0xFFFFE000  }
0x13e: {  	[tilespmem:s24], [sflag:$0x2] =	stream.indirect.gather [spmem:s2], $0x10, s0, s21, $0xb8;
	[tilespmem:$0x13280] =	vst v63  }
0x13f: {  	_ = 	snop  }
0x140: {  	[spmem:s3] =	stream.indirect.scatter.add.f32 [tilespmem:s22], [sflag:$0x3], $0x10, s28, s21, $0xb8;
	[tilespmem:$0x13280] =	vst v63  }
0x141: {  	_ =	swait.ge [sflag:s25], $0x2000  }
0x142: {  	[sflag:s25] =	ssyncset.done $0x0  }
0x143: {  	[sflag:s25] =	ssyncadd.s32 $0xFFFFE000  }
0x144: {  	[spmem:s3] =	stream.indirect.scatter.add.f32 [tilespmem:s24], [sflag:$0x4], $0x10, s29, s21, $0xb8;
	[tilespmem:$0x13280] =	vst v63  }
0x145: {  	_ =	swait.ge [sflag:s26], $0x2000  }
0x146: {  	[sflag:s26] =	ssyncset.done $0x0  }
0x147: {  	[sflag:s26] =	ssyncadd.s32 $0xFFFFE000  }
0x148: {  	_ =	swait.ge [sflag:s30], $0x2000  }
0x149: {  	s31 =	sadd.s32 $0x1, s31;
	[sflag:s30] =	ssyncset.done $0x0  }
0x14a: {  	p0 =	sne.s32 s31, s13;
	[sflag:s30] =	ssyncadd.s32 $0xFFFFE000  }
.Ltmp2:
0x14b: {  	[bflag:$0x0] =	sbarrier.arrive $0xFFFF;
	(pc) =	sbr.rel @p0 .LBB2_1-.Ltmp2, $4  }
0x14c: {  	[hbm:s12], [sflag:s1] =	dma.local [spmem:s20], $0x500  }
0x14d: {  	_ =	swait.ge [sflag:s14], $0x500  }
0x14e: {  	[sflag:s14] =	ssyncset.done $0x0  }
0x14f: {  	[sflag:s14] =	ssyncadd.s32 $0xFFFFFB00  }
0x150: {  	_ =	sfence.sel $0x180000  }
0x151: {  	[bflag:$0x0] =	sbarrier.arrive $0xFFFF  }
0x152: {  	_ =	strace $0x9000004A  }
0x153: {  	s0 =	stileid.u32;
	[bflag:$0x2] =	sbarrier.arrive $0xFFFF  }
0x154: {  	p0 =	sne.s32 s0, $0x0;
	s0 =	rddreg [dreg:$0x4]  }
0x155: {  	s0 =	sadd.s32 @!p0 $0x100000, s0  }
0x156: {  	[sflag:s0] =	ssyncadd.tile.s32 @!p0 $0x1;
	_ =	shalt  }
.Lfunc_end2:
_tile_overlayer_lowered:
.L_overlay_start_2:
0x157: {  	(tag) =	ssettag $0x2  }
0x158: {  	s0 =	rddreg [dreg:$0x0];
	s2 =	stileid.u32  }
0x159: {  	s1 =	rddreg [dreg:$0x1];
	p0 =	sne.s32 s2, $0x0  }
0x15a: {  	s3 =	rddreg [dreg:$0x2];
	[bflag:$0x3] =	sbarrier.arrive $0xFFFF;
	s2 =	simm.s32 @!p0 $0x1C05  }
0x15b: {  	[timem:s3], [sflag:s2] =	dma.local @!p0 [hbm:s0], s1  }
0x15c: {  	s0 =	simm.s32 @!p0 $0x5  }
0x15d: {  	_ =	swait.ge @!p0 [sflag:s0], s1  }
0x15e: {  	s1 =	ssub.s32 @!p0 $0x0, s1;
	[sflag:s0] =	ssyncset.done @!p0 $0x0  }
0x15f: {  	[sflag:s0] =	ssyncadd.s32 @!p0 s1  }
0x160: {  	[bflag:$0x3] =	sbarrier.arrive $0xFFFF  }
0x161: {  	_ =	shalt  }

// kernel: kernel.13.cloned.1.call-start
scs
__scs_entry_jumppad:
0x0: {  	(pc) =	sbr.rel $0x88, $3  }
0x1: {  	(tag) =	ssettag $0x0;
	lr =	simm.s32 $0x1  }
0x2: {  	[smem:$0x3F9B] =	sst lr;
	_ =	strace $0xD0000000  }
0x3: {  	_ = 	snop  }
0x4: {  	_ = 	snop  }
0x5: {  	_ = 	snop  }
0x6: {  	_ = 	snop  }
0x7: {  	_ = 	snop  }
__scs_overlays_trampoline_lowered:
0x8: {  	[smem:$0x3FAA] =	sst s0  }
0x9: {  	[smem:$0x3FAB] =	sst s1  }
0xa: {  	[smem:$0x3FAC] =	sst s2  }
0xb: {  	[smem:$0x3FAD] =	sst s3  }
0xc: {  	[smem:$0x3FAE] =	sst s4  }
0xd: {  	[smem:$0x3FAF] =	sst s5  }
0xe: {  	[smem:$0x3FB0] =	sst s6  }
0xf: {  	[smem:$0x3FB1] =	sst s7  }
0x10: {  	[smem:$0x3FB2] =	sst s8  }
0x11: {  	[smem:$0x3FB3] =	sst s9;
	s0 =	simm.s32 @!p0 $0x0  }
0x12: {  	s1 =	sld [smem:$0x3F99];
	s0 =	simm.s32 @p0 $0x1  }
0x13: {  	[smem:$0x3FB4] =	sst s0;
	s0 =	simm.s32 @!p1 $0x0  }
0x14: {  	s2 =	sld [smem:$0x3F98];
	s0 =	simm.s32 @p1 $0x1  }
0x15: {  	[smem:$0x3FB5] =	sst s0;
	s0 =	simm.s32 @!p2 $0x0  }
0x16: {  	s3 =	sld [smem:$0x3FDB];
	s0 =	simm.s32 @p2 $0x1  }
0x17: {  	s4 =	simm.s32 $0x1BF5;
	[smem:$0x3FB7] =	sst s0  }
0x18: {  	s0 =	sld [smem:$0x3F9A];
	_ =	swait.ge [sflag:s4], $0x0  }
0x19: {  	s7 =	sld [smem:$0x3F9B]  }
0x1a: {  	s8 =	sadd.s32 $0xFFFFE003, lr  }
0x1b: {  	s9 =	sadd.s32 $0xFFFFFEF7, lr;
	s5 =	simm.s32 $0xFFFFFFFF;
	p2 =	slt.u32 s8, $0xFFFFF086  }
0x1c: {  	p1 =	slt.u32 s9, $0xF7A;
	s5 =	simm.s32 @!p2 $0x0  }
0x1d: {  	s5 =	simm.s32 @p1 $0x1;
	p0 =	seq.s32 s7, s2  }
0x1e: {  	s7 =	smul.u32 @!p0 $0xF7A, s2;
	p2 =	seq.s32 @!p0 s5, $0x0  }
0x1f: {  	s9 =	smul.u32 $0xF7A, s1;
	s8 =	simm.s32 @!p0 $0x1BF5;
	p2 =	por !p2, p0  }
0x20: {  	[sflag:s8] =	ssyncset.s32 @!p0 $0xFFFFF086;
	s6 =	sadd.s32 @!p0 s3, s7;
	s7 =	simm.s32 @!p0 $0x108  }
0x21: {  	s3 =	sadd.s32 s3, s9;
	s6 =	sadd.s32 @!p0 $0x88, s6;
	s7 =	simm.s32 @p2 $0x1082  }
0x22: {  	[simem:s7], [sflag:s8] =	dma.local @!p0 [hbm:s6], $0xF7A  }
0x23: {  	s9 =	sor.u32 $0xD0000000, s2;
	s6 =	simm.s32 $0x108;
	_ =	swait.ge @!p0 [sflag:s8], $0x0  }
0x24: {  	s3 =	sadd.s32 $0x88, s3;
	s6 =	simm.s32 @!p1 $0x1082;
	[sflag:s4] =	ssyncset.s32 $0xFFFFF086  }
0x25: {  	[simem:s6], [sflag:s4] =	dma.local [hbm:s3], $0xF7A  }
0x26: {  	[smem:$0x3F9B] =	sst s1;
	(tag) =	ssettag s2;
	_ =	strace s9  }
0x27: {  	s1 =	sld [smem:$0x3FAB]  }
0x28: {  	s2 =	sld [smem:$0x3FAC]  }
0x29: {  	s4 =	sld [smem:$0x3FAE]  }
0x2a: {  	p0 =	seq.s32 s5, $0x0;
	s5 =	sld [smem:$0x3FAF]  }
0x2b: {  	s6 =	sld [smem:$0x3FB0]  }
0x2c: {  	s7 =	sld [smem:$0x3FB1]  }
0x2d: {  	s3 =	simm.s32 $0x108;
	s8 =	sld [smem:$0x3FB2]  }
0x2e: {  	s3 =	simm.s32 @!p0 $0x1082;
	s9 =	sld [smem:$0x3FB3]  }
0x2f: {  	lr =	sadd.s32 s0, s3;
	s0 =	sld [smem:$0x3FAA]  }
0x30: {  	s3 =	sld [smem:$0x3FAD]  }
0x31: {  	[smem:$0x3FB6] =	sst s10  }
0x32: {  	s10 =	sld [smem:$0x3FB4];
	_ =	sdelay $0x3  }
0x33: {  	p0 =	seq.s32 s10, $0x1;
	s10 =	sld [smem:$0x3FB6];
	_ =	sdelay $0x3  }
0x34: {  	[smem:$0x3FB6] =	sst s10  }
0x35: {  	s10 =	sld [smem:$0x3FB5];
	_ =	sdelay $0x3  }
0x36: {  	p1 =	seq.s32 s10, $0x1;
	s10 =	sld [smem:$0x3FB6];
	_ =	sdelay $0x3  }
0x37: {  	[smem:$0x3FB6] =	sst s10  }
0x38: {  	s10 =	sld [smem:$0x3FB7]  }
0x39: {  	_ = 	snop;
	(pc) =	sbr.ind lr, $3  }
0x3a: {  	_ = 	snop  }
0x3b: {  	_ = 	snop  }
0x3c: {  	p2 =	seq.s32 s10, $0x1;
	s10 =	sld [smem:$0x3FB6]  }
0x3d: {  	_ =	shalt  }
0x3e: {  	_ =	shalt  }
0x3f: {  	_ =	shalt  }
0x40: {  	_ =	shalt  }
0x41: {  	_ =	shalt  }
0x42: {  	_ =	shalt  }
0x43: {  	_ =	shalt  }
0x44: {  	_ =	shalt  }
0x45: {  	_ =	shalt  }
0x46: {  	_ =	shalt  }
0x47: {  	_ =	shalt  }
0x48: {  	_ =	shalt  }
0x49: {  	_ =	shalt  }
0x4a: {  	_ =	shalt  }
0x4b: {  	_ =	shalt  }
0x4c: {  	_ =	shalt  }
0x4d: {  	_ =	shalt  }
0x4e: {  	_ =	shalt  }
0x4f: {  	_ =	shalt  }
0x50: {  	_ =	shalt  }
0x51: {  	_ =	shalt  }
0x52: {  	_ =	shalt  }
0x53: {  	_ =	shalt  }
0x54: {  	_ =	shalt  }
0x55: {  	_ =	shalt  }
0x56: {  	_ =	shalt  }
0x57: {  	_ =	shalt  }
0x58: {  	_ =	shalt  }
0x59: {  	_ =	shalt  }
0x5a: {  	_ =	shalt  }
0x5b: {  	_ =	shalt  }
0x5c: {  	_ =	shalt  }
0x5d: {  	_ =	shalt  }
0x5e: {  	_ =	shalt  }
0x5f: {  	_ =	shalt  }
0x60: {  	_ =	shalt  }
0x61: {  	_ =	shalt  }
0x62: {  	_ =	shalt  }
0x63: {  	_ =	shalt  }
0x64: {  	_ =	shalt  }
0x65: {  	_ =	shalt  }
0x66: {  	_ =	shalt  }
0x67: {  	_ =	shalt  }
0x68: {  	_ =	shalt  }
0x69: {  	_ =	shalt  }
0x6a: {  	_ =	shalt  }
0x6b: {  	_ =	shalt  }
0x6c: {  	_ =	shalt  }
0x6d: {  	_ =	shalt  }
0x6e: {  	_ =	shalt  }
0x6f: {  	_ =	shalt  }
0x70: {  	_ =	shalt  }
0x71: {  	_ =	shalt  }
0x72: {  	_ =	shalt  }
0x73: {  	_ =	shalt  }
0x74: {  	_ =	shalt  }
0x75: {  	_ =	shalt  }
0x76: {  	_ =	shalt  }
0x77: {  	_ =	shalt  }
0x78: {  	_ =	shalt  }
0x79: {  	_ =	shalt  }
0x7a: {  	_ =	shalt  }
0x7b: {  	_ =	shalt  }
0x7c: {  	_ =	shalt  }
0x7d: {  	_ =	shalt  }
0x7e: {  	_ =	shalt  }
0x7f: {  	_ =	shalt  }
0x80: {  	_ =	shalt  }
0x81: {  	_ =	shalt  }
0x82: {  	_ =	shalt  }
0x83: {  	_ =	shalt  }
0x84: {  	_ =	shalt  }
0x85: {  	_ =	shalt  }
0x86: {  	_ =	shalt  }
0x87: {  	_ =	shalt  }
.Lfunc_end0:
.L_simem_size_0:
called_computation.2_lowered:
.L_overlay_start_0:
0x88: {  	s2 =	sld [smem:$0x3FD9]  }
0x89: {  	s3 =	sld [smem:$0x3FFE];
	_ =	sdelay $0x1  }
0x8a: {  	s1 =	srdreg.scid  }
0x8b: {  	s0 =	sand.u32 $0x1, s1  }
0x8c: {  	s17 =	sshll.u32 s0, $0xA;
	s2 =	sadd.s32 s3, s2  }
0x8d: {  	s2 =	sadd.s32 s2, s17  }
0x8e: {  	[smem:$0x3FC2] =	sst s2  }
0x8f: {  	_ = 	snop  }
0x90: {  	s2 =	sld [smem:$0x3FC6]  }
0x91: {  	s18 =	sld [smem:$0x3FD0];
	(tm) =	ssettm $0x1  }
0x92: {  	s4 =	sld [smem:$0x3FFB];
	_ =	sdelay $0x3  }
0x93: {  	_ =	strace s4  }
0x94: {  	s4 =	sld [smem:$0x3FFC];
	_ =	sdelay $0x3  }
0x95: {  	_ =	strace s4  }
0x96: {  	s4 =	sld [smem:$0x3FFD];
	_ =	sdelay $0x3  }
0x97: {  	_ =	strace s4  }
0x98: {  	_ =	strace $0x8FFFFFFF  }
0x99: {  	s19 =	sld [smem:$0x3FDB];
	_ =	sdelay $0x1  }
0x9a: {  	s5 =	simm.s32 $_scs_section_size  }
0x9b: {  	s6 =	simm.s32 $_size__tile_overlayer_lowered;
	s7 =	simm.s32 $_tile_overlayer_lowered  }
0x9c: {  	s22 =	simm.s32 $0x1BFF;
	s21 =	sshll.u32 s7, $0x1;
	s4 =	sadd.s32 s5, s19  }
0x9d: {  	s8 =	simm.s32 $0x0;
	s20 =	sshll.u32 s6, $0x1;
	s6 =	sadd.s32 s21, s4  }
0x9e: {  	[timem:s8], [sflag:s22] =	dma.local [hbm:s6], s20  }
0x9f: {  	_ =	swait.ge [sflag:s22], s20  }
0xa0: {  	s5 =	ssub.s32 $0x0, s20;
	[sflag:s22] =	ssyncset.done $0x0  }
0xa1: {  	[sflag:s22] =	ssyncadd.s32 s5;
	_ =	sdelay $0x1  }
0xa2: {  	s23 =	simm.s32 $0x1B8B  }
0xa3: {  	_ =	swait.ge [sflag:s23], $0x1  }
0xa4: {  	[sflag:s23] =	ssyncset.done $0x0  }
0xa5: {  	s25 =	simm.s32 $0x1B8E;
	s24 =	sld [smem:$0x3FFE];
	[sflag:s23] =	ssyncadd.s32 $0xFFFFFFFF  }
0xa6: {  	s26 =	simm.s32 $execute0_lowered;
	[smem:$0x3FD2] =	sst s25  }
0xa7: {  	s6 =	sshll.u32 s26, $0x1;
	_ =	strace $0x8000004C;
	[dreg:$0x1] =	wrdreg $0xFFFFFFFF  }
0xa8: {  	s28 =	simm.s32 $_size_execute0_lowered;
	s4 =	sadd.s32 s4, s6;
	[dreg:$0x0] =	wrdreg $0x0  }
0xa9: {  	s6 =	sshll.u32 s28, $0x1;
	[dreg:$0x2] =	wrdreg s4  }
0xaa: {  	[dreg:$0x3] =	wrdreg s6  }
0xab: {  	[dreg:$0x4] =	wrdreg $0xC0  }
0xac: {  	_ =	task [dreg:s8], $0x5FFFF  }
0xad: {  	[dreg:$0x1] =	wrdreg $0xFFFFFFFF  }
0xae: {  	[dreg:$0x0] =	wrdreg $0x60  }
0xaf: {  	[dreg:$0x2] =	wrdreg s24  }
0xb0: {  	[dreg:$0x3] =	wrdreg s2  }
0xb1: {  	[dreg:$0x4] =	wrdreg s18  }
0xb2: {  	[dreg:$0x5] =	wrdreg $0x10D100  }
0xb3: {  	[dreg:$0x6] =	wrdreg $0x135100  }
0xb4: {  	[dreg:$0x7] =	wrdreg $0x9  }
0xb5: {  	_ =	task.clear_ibuf [dreg:s8], $0x8FFFF;
	_ =	strace $0x9000004C  }
0xb6: {  	s29 =	simm.s32 $0x9;
	_ =	strace $0x8000004E  }
0xb7: {  	_ =	swait.ge [sflag:s29], $0x1  }
0xb8: {  	[sflag:s29] =	ssyncadd.s32 $0xFFFFFFFF  }
0xb9: {  	_ =	strace $0x9000004E  }
0xba: {  	_ =	sfence  }
0xbb: {  	s30 =	sld [smem:$0x0];
	_ =	sdelay $0x2  }
0xbc: {  	s31 =	sshll.u32 s1, $0xD;
	s1 =	sshrl.u32 s1, $0x2  }
0xbd: {  	s3 =	sand.u32 $0x4000, s31;
	s1 =	sadd.s32 s1, s30  }
0xbe: {  	s0 =	sor.u32 s3, s0;
	s1 =	sshll.u32 s1, $0x11  }
0xbf: {  	s0 =	sor.u32 s1, s0  }
0xc0: {  	s0 =	sadd.s32 $0x8F2B, s0  }
0xc1: {  	[sflag:s0] =	ssyncadd.remote.s32 $0x1  }
0xc2: {  	_ =	sfence.sel $0xFFFF  }
0xc3: {  	[dreg:$0x0] =	wrdreg $0xFFFFFFFF;
	(pc) =	sbr.abs _section_cstart, $3  }
0xc4: {  	[dreg:$0x1] =	wrdreg $0xFFFFFFFF  }
0xc5: {  	_ =	task.clear_ibuf [dreg:s8], $0x2FFFF;
	_ =	strace $0x9FFFFFFF  }
0xc6: {  	(tm) =	ssettm $0x7FFFFFFF  }
0xc7: {  	_ =	shalt  }
tec
execute0_lowered:
.L_overlay_start_1:
0x0: {  	(tag) =	ssettag $0x1  }
0x1: {  	s0 =	rddreg [dreg:$0x0]  }
0x2: {  	s8 =	stileid.u32;
	s2 =	rddreg [dreg:$0x2]  }
0x3: {  	s1 =	srdreg.scid;
	s3 =	rddreg [dreg:$0x3]  }
0x4: {  	s19 =	simm.s32 $0x5;
	s20 =	simm.s32 $0x2800;
	s21 =	simm.s32 $0xE500  }
0x5: {  	s22 =	simm.s32 $0xF900;
	s28 =	simm.s32 $0x5000;
	s29 =	simm.s32 $0x1  }
0x6: {  	s30 =	simm.s32 $0x7000;
	s31 =	simm.s32 $0x2;
	s6 =	smul.u32 $0x1400, s8  }
0x7: {  	s1 =	sand.u32 $0x1, s1;
	s4 =	sshll.u32 s8, $0x1;
	s15 =	smul.u32 $0x2800, s8  }
0x8: {  	s5 =	sor.u32 s1, s4;
	s4 =	rddreg [dreg:$0x4];
	s23 =	smul.u32 $0x28000, s1  }
0x9: {  	s1 =	ssub.s32 $0x2, s1;
	s7 =	smul.u32 $0x500, s5;
	s5 =	simm.s32 $0x0  }
0xa: {  	s6 =	sshrl.u32 s6, $0x3;
	s10 =	sshrl.u32 s15, $0x3;
	s11 =	sshrl.u32 s1, $0x1  }
0xb: {  	s14 =	sadd.s32 s15, s3;
	[smem:$0x7FF] =	sst s5;
	s6 =	sadd.s32 s6, s0  }
0xc: {  	s8 =	sadd.s32 s15, s23;
	s16 =	sadd.s32 s10, s0;
	s1 =	ssub.s32 s1, s11  }
0xd: {  	s15 =	sadd.s32 s15, s4;
	s23 =	simm.s32 $0x0;
	_ =	strace $0x8000004D  }
0xe: {  	s9 =	sadd.s32 s7, s0;
	s8 =	sshrl.u32 s8, $0x3;
	s2 =	sadd.s32 s2, s7  }
0xf: {  	s25 =	sadd.s32 $0xDC00, s6;
	s26 =	sadd.s32 $0x12C00, s6;
	s10 =	sadd.s32 $0x10400, s6  }
0x10: {  	s11 =	sadd.s32 $0x15400, s6;
	s12 =	sadd.s32 $0x21C00, s16;
	s13 =	sadd.s32 $0x26C00, s16  }
0x11: {  	s16 =	sadd.s32 $0x1CC00, s16;
	s18 =	smax.u32 s1, $0x1;
	[dreg:$0x6] =	wrdreg s2  }
0x12: {  	s1 =	simm.s32 $0x4;
	s0 =	sadd.s32 s8, s0;
	[dreg:$0x8] =	wrdreg s25  }
0x13: {  	v0 =	vlaneseq.u32;
	s24 =	sadd.s32 $0x1200, s9;
	[dreg:$0x9] =	wrdreg s26;
	s25 =	simm.s32 $0xE280  }
0x14: {  	v0 =	vmul.u32 $0x8, v0;
	s26 =	simm.s32 $0x200;
	s2 =	simm.s32 $0x3;
	s9 =	simm.s32 $0x10D00  }
0x15: {  	[dreg:$0x7] =	wrdreg s24;
	s17 =	sadd.s32 $0x2BC00, s0;
	s24 =	simm.s32 $0xE000  }
.LBB2_1:
0x16: {  	s0 =	rddreg [dreg:$0x6]  }
0x17: {  	[tilespmem:s5], [sflag:$0x5] =	stream.linear.gather [hbm4b:s0+s5], $0x2800, $0x38;
	[tilespmem:$0x15D10] =	vst v63  }
0x18: {  	_ =	swait.ge [sflag:s19], $0x2800  }
0x19: {  	[sflag:s19] =	ssyncset.done $0x0  }
0x1a: {  	s7 =	rddreg [dreg:$0x7];
	[sflag:s19] =	ssyncadd.s32 $0xFFFFD800  }
0x1b: {  	[tilespmem:s20], [sflag:$0x5] =	stream.linear.gather [hbm4b:s7+s5], $0x2800, $0x38;
	[tilespmem:$0x15D10] =	vst v63  }
0x1c: {  	_ =	swait.ge [sflag:s19], $0x2800  }
0x1d: {  	[sflag:s19] =	ssyncset.done $0x0  }
0x1e: {  	s8 =	rddreg [dreg:$0x8];
	[sflag:s19] =	ssyncadd.s32 $0xFFFFD800  }
0x1f: {  	[tilespmem:s21], [sflag:$0x5] =	stream.linear.gather [hbm4b:s8+s5], $0x1400, $0x38;
	[tilespmem:$0x15D10] =	vst v63  }
0x20: {  	v1 =	vmov s5;
	_ =	swait.ge [sflag:s19], $0x1400  }
0x21: {  	v1 =	vshll.u32 v1, $0x3;
	[sflag:s19] =	ssyncset.done $0x0  }
0x22: {  	v1 =	vor.u32 v0, v1;
	s6 =	rddreg [dreg:$0x9];
	[sflag:s19] =	ssyncadd.s32 $0xFFFFEC00  }
0x23: {  	[tilespmem:s22], [sflag:$0x5] =	stream.linear.gather [hbm4b:s6+s5], $0x1400, $0x38;
	[tilespmem:$0x15D10] =	vst v63  }
0x24: {  	_ =	swait.ge [sflag:s19], $0x1400  }
0x25: {  	[sflag:s19] =	ssyncset.done $0x0  }
0x26: {  	[sflag:s19] =	ssyncadd.s32 $0xFFFFEC00  }
0x27: {  	v2 =	vld.idx.msk [tilespmem:v1+s22+$0x0], $0xffff  }
0x28: {  	v1 =	vld.idx.msk [tilespmem:v1+s21+$0x0], $0xffff;
	_ =	sdelay $0x4  }
0x29: {  	v1 =	vadd.f32 v2, v1;
	_ =	sdelay $0x1  }
0x2a: {  	v1 =	vmax.f32 v1, $1.000000000e+00  }
0x2b: {  	v2 =	vshra.s32 v1, $0x1;
	v1 =	vmul.f32 $5.000000000e-01, v1  }
0x2c: {  	v2 =	vsub.s32 $0x5F3759DF, v2  }
0x2d: {  	v3 =	vmul.f32 v2, v1;
	_ =	sdelay $0x1  }
0x2e: {  	v3 =	vmul.f32 v2, v3;
	_ =	sdelay $0x1  }
0x2f: {  	v3 =	vsub.f32 $1.500000000e+00, v3;
	_ =	sdelay $0x1  }
0x30: {  	v2 =	vmul.f32 v2, v3;
	_ =	sdelay $0x1  }
0x31: {  	v3 =	vmul.f32 v2, v1;
	_ =	sdelay $0x1  }
0x32: {  	v3 =	vmul.f32 v3, v2;
	_ =	sdelay $0x1  }
0x33: {  	v3 =	vsub.f32 $1.500000000e+00, v3;
	_ =	sdelay $0x1  }
0x34: {  	v2 =	vmul.f32 v3, v2;
	_ =	sdelay $0x1  }
0x35: {  	v1 =	vmul.f32 v2, v1  }
0x36: {  	s7 =	simm.s32 $0x10  }
0x37: {  	v3 =	vmov s7;
	v1 =	vmul.f32 v1, v2  }
0x38: {  	v3 =	vshll.u32 v3, $0x3  }
0x39: {  	v3 =	vor.u32 v0, v3;
	v1 =	vsub.f32 $1.500000000e+00, v1;
	_ =	sdelay $0x1  }
0x3a: {  	v1 =	vmul.f32 v1, v2;
	_ =	sdelay $0x1  }
0x3b: {  	[tilespmem:s25+$0x0] =	vst v1  }
0x3c: {  	v1 =	vld.idx.msk [tilespmem:v3+s22+$0x0], $0xffff  }
0x3d: {  	v2 =	vld.idx.msk [tilespmem:v3+s21+$0x0], $0xffff;
	_ =	sdelay $0x4  }
0x3e: {  	v1 =	vadd.f32 v1, v2;
	_ =	sdelay $0x1  }
0x3f: {  	v1 =	vmax.f32 v1, $1.000000000e+00  }
0x40: {  	v2 =	vshra.s32 v1, $0x1;
	v3 =	vmul.f32 $5.000000000e-01, v1  }
0x41: {  	v1 =	vsub.s32 $0x5F3759DF, v2  }
0x42: {  	v2 =	vmul.f32 v1, v3;
	_ =	sdelay $0x1  }
0x43: {  	v2 =	vmul.f32 v1, v2;
	_ =	sdelay $0x1  }
0x44: {  	v2 =	vsub.f32 $1.500000000e+00, v2;
	_ =	sdelay $0x1  }
0x45: {  	v1 =	vmul.f32 v1, v2;
	_ =	sdelay $0x1  }
0x46: {  	v2 =	vmul.f32 v1, v3;
	_ =	sdelay $0x1  }
0x47: {  	v2 =	vmul.f32 v2, v1;
	_ =	sdelay $0x1  }
0x48: {  	v2 =	vsub.f32 $1.500000000e+00, v2;
	_ =	sdelay $0x1  }
0x49: {  	v1 =	vmul.f32 v2, v1;
	_ =	sdelay $0x1  }
0x4a: {  	v2 =	vmul.f32 v1, v3  }
0x4b: {  	s8 =	simm.s32 $0x20  }
0x4c: {  	v3 =	vmov s8;
	v2 =	vmul.f32 v2, v1  }
0x4d: {  	s0 =	simm.s32 $0xE280;
	s6 =	simm.s32 $0x30;
	v3 =	vshll.u32 v3, $0x3  }
.LBB2_2:
0x4e: {  	p0 =	sne.s32 s6, $0x270;
	v3 =	vor.u32 v0, v3;
	v2 =	vsub.f32 $1.500000000e+00, v2;
	_ =	sdelay $0x1  }
0x4f: {  	v1 =	vmul.f32 v2, v1  }
0x50: {  	s0 =	sadd.s32 $0x10, s0  }
0x51: {  	[tilespmem:s0+$0x0] =	vst v1  }
0x52: {  	v1 =	vld.idx.msk [tilespmem:v3+s22+$0x0], $0xffff  }
0x53: {  	v2 =	vld.idx.msk [tilespmem:v3+s21+$0x0], $0xffff;
	_ =	sdelay $0x5  }
0x54: {  	v1 =	vadd.f32 v1, v2;
	_ =	sdelay $0x1  }
0x55: {  	v1 =	vmax.f32 v1, $1.000000000e+00  }
0x56: {  	v2 =	vshra.s32 v1, $0x1;
	v3 =	vmul.f32 $5.000000000e-01, v1  }
0x57: {  	v1 =	vsub.s32 $0x5F3759DF, v2  }
0x58: {  	v2 =	vmul.f32 v1, v3;
	_ =	sdelay $0x1  }
0x59: {  	v2 =	vmul.f32 v1, v2;
	_ =	sdelay $0x1  }
0x5a: {  	v2 =	vsub.f32 $1.500000000e+00, v2;
	_ =	sdelay $0x1  }
0x5b: {  	v1 =	vmul.f32 v1, v2;
	_ =	sdelay $0x1  }
0x5c: {  	v2 =	vmul.f32 v1, v3;
	_ =	sdelay $0x1  }
0x5d: {  	v2 =	vmul.f32 v2, v1;
	_ =	sdelay $0x1  }
0x5e: {  	v2 =	vsub.f32 $1.500000000e+00, v2;
	_ =	sdelay $0x1  }
0x5f: {  	v1 =	vmul.f32 v2, v1  }
.Ltmp0:
0x60: {  	(pc) =	sbr.rel @p0 .LBB2_2-.Ltmp0, $3  }
0x61: {  	v2 =	vmul.f32 v1, v3;
	_ =	sdelay $0x1  }
0x62: {  	v3 =	vmov s6;
	v2 =	vmul.f32 v2, v1  }
0x63: {  	s6 =	sadd.s32 $0x10, s6;
	v3 =	vshll.u32 v3, $0x3  }
0x64: {  	v3 =	vor.u32 v0, v3;
	v2 =	vsub.f32 $1.500000000e+00, v2;
	_ =	sdelay $0x1  }
0x65: {  	v1 =	vmul.f32 v2, v1  }
0x66: {  	s0 =	sadd.s32 $0x10, s0  }
0x67: {  	[tilespmem:s0+$0x0] =	vst v1  }
0x68: {  	v1 =	vld.idx.msk [tilespmem:v3+s22+$0x0], $0xffff  }
0x69: {  	v2 =	vld.idx.msk [tilespmem:v3+s21+$0x0], $0xffff;
	_ =	sdelay $0x4  }
0x6a: {  	v1 =	vadd.f32 v1, v2;
	_ =	sdelay $0x1  }
0x6b: {  	v1 =	vmax.f32 v1, $1.000000000e+00  }
0x6c: {  	v2 =	vshra.s32 v1, $0x1;
	v1 =	vmul.f32 $5.000000000e-01, v1  }
0x6d: {  	v2 =	vsub.s32 $0x5F3759DF, v2  }
0x6e: {  	v3 =	vmul.f32 v2, v1;
	_ =	sdelay $0x1  }
0x6f: {  	v3 =	vmul.f32 v2, v3;
	_ =	sdelay $0x1  }
0x70: {  	v3 =	vsub.f32 $1.500000000e+00, v3;
	_ =	sdelay $0x1  }
0x71: {  	v2 =	vmul.f32 v2, v3;
	_ =	sdelay $0x1  }
0x72: {  	v3 =	vmul.f32 v2, v1;
	_ =	sdelay $0x1  }
0x73: {  	v3 =	vmul.f32 v3, v2;
	_ =	sdelay $0x1  }
0x74: {  	v3 =	vsub.f32 $1.500000000e+00, v3;
	_ =	sdelay $0x1  }
0x75: {  	v2 =	vmul.f32 v3, v2;
	_ =	sdelay $0x1  }
0x76: {  	v1 =	vmul.f32 v2, v1;
	_ =	sdelay $0x1  }
0x77: {  	v1 =	vmul.f32 v1, v2;
	_ =	sdelay $0x1  }
0x78: {  	v1 =	vsub.f32 $1.500000000e+00, v1;
	_ =	sdelay $0x1  }
0x79: {  	v1 =	vmul.f32 v1, v2  }
0x7a: {  	s0 =	sadd.s32 $0x10, s0  }
0x7b: {  	s7 =	simm.s32 $0x0;
	[tilespmem:s0+$0x0] =	vst v1  }
0x7c: {  	[tilespmem:s21], [sflag:$0x5] =	stream.linear.gather [hbm4b:s10+s7], $0x1400, $0x38;
	[tilespmem:$0x15D10] =	vst v63  }
0x7d: {  	v1 =	vmov s7;
	_ =	swait.ge [sflag:s19], $0x1400  }
0x7e: {  	v1 =	vshll.u32 v1, $0x3;
	[sflag:s19] =	ssyncset.done $0x0  }
0x7f: {  	v1 =	vor.u32 v0, v1;
	[sflag:s19] =	ssyncadd.s32 $0xFFFFEC00  }
0x80: {  	[tilespmem:s22], [sflag:$0x5] =	stream.linear.gather [hbm4b:s11+s7], $0x1400, $0x38;
	[tilespmem:$0x15D10] =	vst v63  }
0x81: {  	_ =	swait.ge [sflag:s19], $0x1400  }
0x82: {  	[sflag:s19] =	ssyncset.done $0x0  }
0x83: {  	[sflag:s19] =	ssyncadd.s32 $0xFFFFEC00  }
0x84: {  	v2 =	vld.idx.msk [tilespmem:v1+s22+$0x0], $0xffff  }
0x85: {  	v1 =	vld.idx.msk [tilespmem:v1+s21+$0x0], $0xffff;
	_ =	sdelay $0x4  }
0x86: {  	v1 =	vadd.f32 v2, v1;
	_ =	sdelay $0x1  }
0x87: {  	v1 =	vmax.f32 v1, $1.000000000e+00  }
0x88: {  	v2 =	vshra.s32 v1, $0x1;
	v1 =	vmul.f32 $5.000000000e-01, v1  }
0x89: {  	v2 =	vsub.s32 $0x5F3759DF, v2  }
0x8a: {  	v3 =	vmul.f32 v2, v1;
	_ =	sdelay $0x1  }
0x8b: {  	v3 =	vmul.f32 v2, v3;
	_ =	sdelay $0x1  }
0x8c: {  	v3 =	vsub.f32 $1.500000000e+00, v3;
	_ =	sdelay $0x1  }
0x8d: {  	v2 =	vmul.f32 v2, v3;
	_ =	sdelay $0x1  }
0x8e: {  	v3 =	vmul.f32 v2, v1;
	_ =	sdelay $0x1  }
0x8f: {  	v3 =	vmul.f32 v3, v2;
	_ =	sdelay $0x1  }
0x90: {  	v3 =	vsub.f32 $1.500000000e+00, v3;
	_ =	sdelay $0x1  }
0x91: {  	v2 =	vmul.f32 v3, v2;
	_ =	sdelay $0x1  }
0x92: {  	v1 =	vmul.f32 v2, v1  }
0x93: {  	s8 =	simm.s32 $0x10  }
0x94: {  	v3 =	vmov s8;
	v1 =	vmul.f32 v1, v2  }
0x95: {  	v3 =	vshll.u32 v3, $0x3  }
0x96: {  	v3 =	vor.u32 v0, v3;
	v1 =	vsub.f32 $1.500000000e+00, v1;
	_ =	sdelay $0x1  }
0x97: {  	v1 =	vmul.f32 v1, v2  }
0x98: {  	s0 =	simm.s32 $0xE000  }
0x99: {  	[tilespmem:s0+$0x0] =	vst v1  }
0x9a: {  	v1 =	vld.idx.msk [tilespmem:v3+s22+$0x0], $0xffff  }
0x9b: {  	v2 =	vld.idx.msk [tilespmem:v3+s21+$0x0], $0xffff;
	_ =	sdelay $0x4  }
0x9c: {  	v1 =	vadd.f32 v1, v2;
	_ =	sdelay $0x1  }
0x9d: {  	v1 =	vmax.f32 v1, $1.000000000e+00  }
0x9e: {  	v2 =	vshra.s32 v1, $0x1;
	v3 =	vmul.f32 $5.000000000e-01, v1  }
0x9f: {  	v1 =	vsub.s32 $0x5F3759DF, v2  }
0xa0: {  	v2 =	vmul.f32 v1, v3;
	_ =	sdelay $0x1  }
0xa1: {  	v2 =	vmul.f32 v1, v2;
	_ =	sdelay $0x1  }
0xa2: {  	v2 =	vsub.f32 $1.500000000e+00, v2;
	_ =	sdelay $0x1  }
0xa3: {  	v1 =	vmul.f32 v1, v2;
	_ =	sdelay $0x1  }
0xa4: {  	v2 =	vmul.f32 v1, v3;
	_ =	sdelay $0x1  }
0xa5: {  	v2 =	vmul.f32 v2, v1;
	_ =	sdelay $0x1  }
0xa6: {  	v2 =	vsub.f32 $1.500000000e+00, v2;
	_ =	sdelay $0x1  }
0xa7: {  	v1 =	vmul.f32 v2, v1;
	_ =	sdelay $0x1  }
0xa8: {  	v2 =	vmul.f32 v1, v3  }
0xa9: {  	s6 =	simm.s32 $0x20  }
0xaa: {  	v3 =	vmov s6;
	v2 =	vmul.f32 v2, v1  }
0xab: {  	s6 =	simm.s32 $0x30;
	v3 =	vshll.u32 v3, $0x3  }
.LBB2_4:
0xac: {  	p0 =	sne.s32 s6, $0x270;
	v3 =	vor.u32 v0, v3;
	v2 =	vsub.f32 $1.500000000e+00, v2;
	_ =	sdelay $0x1  }
0xad: {  	v1 =	vmul.f32 v2, v1  }
0xae: {  	s0 =	sadd.s32 $0x10, s0  }
0xaf: {  	[tilespmem:s0+$0x0] =	vst v1  }
0xb0: {  	v1 =	vld.idx.msk [tilespmem:v3+s22+$0x0], $0xffff  }
0xb1: {  	v2 =	vld.idx.msk [tilespmem:v3+s21+$0x0], $0xffff;
	_ =	sdelay $0x5  }
0xb2: {  	v1 =	vadd.f32 v1, v2;
	_ =	sdelay $0x1  }
0xb3: {  	v1 =	vmax.f32 v1, $1.000000000e+00  }
0xb4: {  	v2 =	vshra.s32 v1, $0x1;
	v3 =	vmul.f32 $5.000000000e-01, v1  }
0xb5: {  	v1 =	vsub.s32 $0x5F3759DF, v2  }
0xb6: {  	v2 =	vmul.f32 v1, v3;
	_ =	sdelay $0x1  }
0xb7: {  	v2 =	vmul.f32 v1, v2;
	_ =	sdelay $0x1  }
0xb8: {  	v2 =	vsub.f32 $1.500000000e+00, v2;
	_ =	sdelay $0x1  }
0xb9: {  	v1 =	vmul.f32 v1, v2;
	_ =	sdelay $0x1  }
0xba: {  	v2 =	vmul.f32 v1, v3;
	_ =	sdelay $0x1  }
0xbb: {  	v2 =	vmul.f32 v2, v1;
	_ =	sdelay $0x1  }
0xbc: {  	v2 =	vsub.f32 $1.500000000e+00, v2;
	_ =	sdelay $0x1  }
0xbd: {  	v1 =	vmul.f32 v2, v1  }
.Ltmp1:
0xbe: {  	(pc) =	sbr.rel @p0 .LBB2_4-.Ltmp1, $3  }
0xbf: {  	v2 =	vmul.f32 v1, v3;
	_ =	sdelay $0x1  }
0xc0: {  	v3 =	vmov s6;
	v2 =	vmul.f32 v2, v1  }
0xc1: {  	s6 =	sadd.s32 $0x10, s6;
	v3 =	vshll.u32 v3, $0x3  }
0xc2: {  	v3 =	vor.u32 v0, v3;
	v2 =	vsub.f32 $1.500000000e+00, v2;
	_ =	sdelay $0x1  }
0xc3: {  	v1 =	vmul.f32 v2, v1  }
0xc4: {  	s0 =	sadd.s32 $0x10, s0  }
0xc5: {  	[tilespmem:s0+$0x0] =	vst v1  }
0xc6: {  	v1 =	vld.idx.msk [tilespmem:v3+s22+$0x0], $0xffff  }
0xc7: {  	v2 =	vld.idx.msk [tilespmem:v3+s21+$0x0], $0xffff;
	_ =	sdelay $0x4  }
0xc8: {  	v1 =	vadd.f32 v1, v2;
	_ =	sdelay $0x1  }
0xc9: {  	v1 =	vmax.f32 v1, $1.000000000e+00  }
0xca: {  	v2 =	vshra.s32 v1, $0x1;
	v1 =	vmul.f32 $5.000000000e-01, v1  }
0xcb: {  	v2 =	vsub.s32 $0x5F3759DF, v2  }
0xcc: {  	v3 =	vmul.f32 v2, v1;
	_ =	sdelay $0x1  }
0xcd: {  	v3 =	vmul.f32 v2, v3;
	_ =	sdelay $0x1  }
0xce: {  	v3 =	vsub.f32 $1.500000000e+00, v3;
	_ =	sdelay $0x1  }
0xcf: {  	v2 =	vmul.f32 v2, v3;
	_ =	sdelay $0x1  }
0xd0: {  	v3 =	vmul.f32 v2, v1;
	_ =	sdelay $0x1  }
0xd1: {  	v3 =	vmul.f32 v3, v2;
	_ =	sdelay $0x1  }
0xd2: {  	v3 =	vsub.f32 $1.500000000e+00, v3;
	_ =	sdelay $0x1  }
0xd3: {  	v2 =	vmul.f32 v3, v2;
	_ =	sdelay $0x1  }
0xd4: {  	v1 =	vmul.f32 v2, v1;
	_ =	sdelay $0x1  }
0xd5: {  	v1 =	vmul.f32 v1, v2;
	_ =	sdelay $0x1  }
0xd6: {  	v1 =	vsub.f32 $1.500000000e+00, v1;
	_ =	sdelay $0x1  }
0xd7: {  	v1 =	vmul.f32 v1, v2  }
0xd8: {  	s0 =	sadd.s32 $0x10, s0  }
0xd9: {  	s7 =	simm.s32 $0x0;
	[tilespmem:s0+$0x0] =	vst v1;
	s0 =	simm.s32 $0x9000  }
0xda: {  	[tilespmem:s0], [sflag:$0x5] =	stream.linear.gather [hbm4b:s12+s7], $0x2800, $0x38;
	[tilespmem:$0x15D10] =	vst v63  }
0xdb: {  	_ =	swait.ge [sflag:s19], $0x2800  }
0xdc: {  	[sflag:s19] =	ssyncset.done $0x0  }
0xdd: {  	s6 =	simm.s32 $0xB800;
	[sflag:s19] =	ssyncadd.s32 $0xFFFFD800  }
0xde: {  	[tilespmem:s6], [sflag:$0x5] =	stream.linear.gather [hbm4b:s13+s7], $0x2800, $0x38;
	[tilespmem:$0x15D10] =	vst v63  }
0xdf: {  	_ =	swait.ge [sflag:s19], $0x2800  }
0xe0: {  	[sflag:s19] =	ssyncset.done $0x0  }
0xe1: {  	[sflag:s19] =	ssyncadd.s32 $0xFFFFD800  }
0xe2: {  	s8 =	rddreg [dreg:$0x1]  }
0xe3: {  	[tilespmem:s9], [sflag:$0x5] =	stream.linear.gather [hbm4b:s8+s7], $0x10, $0x38;
	[tilespmem:$0x15D10] =	vst v63  }
0xe4: {  	_ =	swait.ge [sflag:s19], $0x10  }
0xe5: {  	v1 =	vmov s7;
	[sflag:s19] =	ssyncset.done $0x0  }
0xe6: {  	[sflag:s19] =	ssyncadd.s32 $0xFFFFFFF0  }
0xe7: {  	v2 =	vld [tilespmem:s6+$0x0]  }
0xe8: {  	v3 =	vld [tilespmem:s0+$0x0];
	_ =	sdelay $0x1  }
0xe9: {  	v4 =	vld.idx.msk [tilespmem:v1+s24+$0x0], $0xffff;
	_ =	sdelay $0x1  }
0xea: {  	v5 =	vld [tilespmem:$0x10D00]  }
0xeb: {  	v2 =	vadd.f32 v2, v3;
	_ =	sdelay $0x1  }
0xec: {  	v3 =	vld.idx.msk [tilespmem:v1+s25+$0x0], $0xffff;
	v1 =	vmul.f32 v4, v2;
	_ =	sdelay $0x1  }
0xed: {  	v1 =	vadd.f32 v5, v1;
	_ =	sdelay $0x1  }
0xee: {  	s8 =	simm.s32 $0x1;
	v2 =	vmax.f32 v1, $0.0e+00  }
0xef: {  	s7 =	simm.s32 $0x2;
	v1 =	vmov s8;
	v2 =	vmul.f32 v2, v3  }
.LBB2_6:
0xf0: {  	p0 =	sne.s32 s7, $0x27F  }
0xf1: {  	s6 =	sadd.s32 $0x10, s6;
	[tilespmem:s0+$0x0] =	vst v2  }
0xf2: {  	s0 =	sadd.s32 $0x10, s0;
	v2 =	vld [tilespmem:s6+$0x0]  }
0xf3: {  	v3 =	vld [tilespmem:s0+$0x0]  }
0xf4: {  	v4 =	vld.idx.msk [tilespmem:v1+s24+$0x0], $0xffff;
	_ =	sdelay $0x2  }
0xf5: {  	v5 =	vld [tilespmem:$0x10D00]  }
0xf6: {  	v2 =	vadd.f32 v2, v3  }
0xf7: {  	v3 =	vld.idx.msk [tilespmem:v1+s25+$0x0], $0xffff  }
0xf8: {  	v1 =	vmul.f32 v4, v2  }
.Ltmp2:
0xf9: {  	(pc) =	sbr.rel @p0 .LBB2_6-.Ltmp2, $3  }
0xfa: {  	v1 =	vadd.f32 v5, v1;
	_ =	sdelay $0x1  }
0xfb: {  	v2 =	vmax.f32 v1, $0.0e+00  }
0xfc: {  	v1 =	vmov s7;
	s7 =	sadd.s32 $0x1, s7;
	v2 =	vmul.f32 v2, v3  }
0xfd: {  	_ = 	snop  }
0xfe: {  	s6 =	sadd.s32 $0x10, s6;
	[tilespmem:s0+$0x0] =	vst v2  }
0xff: {  	v2 =	vld [tilespmem:s6+$0x0];
	s6 =	sadd.s32 $0x10, s0  }
0x100: {  	v3 =	vld [tilespmem:s6+$0x0];
	_ =	sdelay $0x1  }
0x101: {  	v4 =	vld.idx.msk [tilespmem:v1+s24+$0x0], $0xffff;
	_ =	sdelay $0x1  }
0x102: {  	v5 =	vld [tilespmem:$0x10D00]  }
0x103: {  	v2 =	vadd.f32 v2, v3;
	_ =	sdelay $0x1  }
0x104: {  	v1 =	vld.idx.msk [tilespmem:v1+s25+$0x0], $0xffff;
	v2 =	vmul.f32 v4, v2;
	_ =	sdelay $0x1  }
0x105: {  	v2 =	vadd.f32 v5, v2;
	_ =	sdelay $0x1  }
0x106: {  	v2 =	vmax.f32 v2, $0.0e+00  }
0x107: {  	v1 =	vmul.f32 v2, v1;
	_ =	sdelay $0x1  }
0x108: {  	s0 =	simm.s32 $0x9000;
	[tilespmem:s6+$0x0] =	vst v1  }
0x109: {  	[spmem:s14] =	stream.linear.scatter [tilespmem:s0], [sflag:$0x5], $0x2800, $0x38;
	[tilespmem:$0x15D10] =	vst v63  }
0x10a: {  	s7 =	stileid.u32;
	_ =	swait.ge [sflag:s19], $0x2800  }
0x10b: {  	s6 =	sshll.u32 s7, $0x6;
	[sflag:s19] =	ssyncset.done $0x0  }
0x10c: {  	s7 =	sshrl.u32 s15, $0x3;
	s6 =	sor.u32 $0x1C05, s6;
	[sflag:s19] =	ssyncadd.s32 $0xFFFFD800  }
0x10d: {  	[spmem:s7], [sflag:s6] =	dma.local [hbm:s16], $0x500  }
0x10e: {  	_ =	swait.ge [sflag:s19], $0x500  }
0x10f: {  	[sflag:s19] =	ssyncset.done $0x0  }
0x110: {  	[sflag:s19] =	ssyncadd.s32 $0xFFFFFB00  }
0x111: {  	s6 =	simm.s32 $0x0;
	[bflag:$0x0] =	sbarrier.arrive $0xFFFF  }
0x112: {  	[tilespmem:s28], [sflag:$0x1] =	stream.indirect.gather [spmem:s3], $0x10, s6, s26, $0xb8;
	[tilespmem:$0x15D10] =	vst v63  }
0x113: {  	_ =	swait.ge [sflag:s29], $0x2000  }
0x114: {  	[sflag:s29] =	ssyncset.done $0x0  }
0x115: {  	[sflag:s29] =	ssyncadd.s32 $0xFFFFE000  }
0x116: {  	[tilespmem:s30], [sflag:$0x2] =	stream.indirect.gather [spmem:s3], $0x10, s26, s26, $0xb8;
	[tilespmem:$0x15D10] =	vst v63  }
0x117: {  	_ = 	snop  }
0x118: {  	[spmem:s4] =	stream.indirect.scatter.add.f32 [tilespmem:s28], [sflag:$0x3], $0x10, s20, s26, $0xb8;
	[tilespmem:$0x15D10] =	vst v63  }
0x119: {  	_ =	swait.ge [sflag:s31], $0x2000  }
0x11a: {  	[sflag:s31] =	ssyncset.done $0x0  }
0x11b: {  	[sflag:s31] =	ssyncadd.s32 $0xFFFFE000  }
0x11c: {  	_ =	swait.ge [sflag:s2], $0x2000  }
0x11d: {  	[sflag:s2] =	ssyncset.done $0x0  }
0x11e: {  	s8 =	simm.s32 $0x400;
	[sflag:s2] =	ssyncadd.s32 $0xFFFFE000  }
0x11f: {  	[tilespmem:s28], [sflag:$0x1] =	stream.indirect.gather [spmem:s3], $0x10, s8, s26, $0xb8;
	[tilespmem:$0x15D10] =	vst v63  }
0x120: {  	s8 =	simm.s32 $0x2A00  }
0x121: {  	[spmem:s4] =	stream.indirect.scatter.add.f32 [tilespmem:s30], [sflag:$0x4], $0x10, s8, s26, $0xb8;
	[tilespmem:$0x15D10] =	vst v63  }
0x122: {  	_ =	swait.ge [sflag:s29], $0x2000  }
0x123: {  	[sflag:s29] =	ssyncset.done $0x0  }
0x124: {  	[sflag:s29] =	ssyncadd.s32 $0xFFFFE000  }
0x125: {  	_ =	swait.ge [sflag:s1], $0x2000  }
0x126: {  	[sflag:s1] =	ssyncset.done $0x0  }
0x127: {  	s8 =	simm.s32 $0x600;
	[sflag:s1] =	ssyncadd.s32 $0xFFFFE000  }
0x128: {  	[tilespmem:s30], [sflag:$0x2] =	stream.indirect.gather [spmem:s3], $0x10, s8, s26, $0xb8;
	[tilespmem:$0x15D10] =	vst v63  }
0x129: {  	s8 =	simm.s32 $0x2C00  }
0x12a: {  	[spmem:s4] =	stream.indirect.scatter.add.f32 [tilespmem:s28], [sflag:$0x3], $0x10, s8, s26, $0xb8;
	[tilespmem:$0x15D10] =	vst v63  }
0x12b: {  	_ =	swait.ge [sflag:s31], $0x2000  }
0x12c: {  	[sflag:s31] =	ssyncset.done $0x0  }
0x12d: {  	[sflag:s31] =	ssyncadd.s32 $0xFFFFE000  }
0x12e: {  	_ =	swait.ge [sflag:s2], $0x2000  }
0x12f: {  	[sflag:s2] =	ssyncset.done $0x0  }
0x130: {  	s8 =	simm.s32 $0x800;
	[sflag:s2] =	ssyncadd.s32 $0xFFFFE000  }
0x131: {  	[tilespmem:s28], [sflag:$0x1] =	stream.indirect.gather [spmem:s3], $0x10, s8, s26, $0xb8;
	[tilespmem:$0x15D10] =	vst v63  }
0x132: {  	s8 =	simm.s32 $0x2E00  }
0x133: {  	[spmem:s4] =	stream.indirect.scatter.add.f32 [tilespmem:s30], [sflag:$0x4], $0x10, s8, s26, $0xb8;
	[tilespmem:$0x15D10] =	vst v63  }
0x134: {  	_ =	swait.ge [sflag:s29], $0x2000  }
0x135: {  	[sflag:s29] =	ssyncset.done $0x0  }
0x136: {  	[sflag:s29] =	ssyncadd.s32 $0xFFFFE000  }
0x137: {  	_ =	swait.ge [sflag:s1], $0x2000  }
0x138: {  	[sflag:s1] =	ssyncset.done $0x0  }
0x139: {  	s8 =	simm.s32 $0xA00;
	[sflag:s1] =	ssyncadd.s32 $0xFFFFE000  }
0x13a: {  	[tilespmem:s30], [sflag:$0x2] =	stream.indirect.gather [spmem:s3], $0x10, s8, s26, $0xb8;
	[tilespmem:$0x15D10] =	vst v63  }
0x13b: {  	s8 =	simm.s32 $0x3000  }
0x13c: {  	[spmem:s4] =	stream.indirect.scatter.add.f32 [tilespmem:s28], [sflag:$0x3], $0x10, s8, s26, $0xb8;
	[tilespmem:$0x15D10] =	vst v63  }
0x13d: {  	_ =	swait.ge [sflag:s31], $0x2000  }
0x13e: {  	[sflag:s31] =	ssyncset.done $0x0  }
0x13f: {  	[sflag:s31] =	ssyncadd.s32 $0xFFFFE000  }
0x140: {  	_ =	swait.ge [sflag:s2], $0x2000  }
0x141: {  	[sflag:s2] =	ssyncset.done $0x0  }
0x142: {  	s8 =	simm.s32 $0xC00;
	[sflag:s2] =	ssyncadd.s32 $0xFFFFE000  }
0x143: {  	[tilespmem:s28], [sflag:$0x1] =	stream.indirect.gather [spmem:s3], $0x10, s8, s26, $0xb8;
	[tilespmem:$0x15D10] =	vst v63  }
0x144: {  	s8 =	simm.s32 $0x3200  }
0x145: {  	[spmem:s4] =	stream.indirect.scatter.add.f32 [tilespmem:s30], [sflag:$0x4], $0x10, s8, s26, $0xb8;
	[tilespmem:$0x15D10] =	vst v63  }
0x146: {  	_ =	swait.ge [sflag:s29], $0x2000  }
0x147: {  	[sflag:s29] =	ssyncset.done $0x0  }
0x148: {  	[sflag:s29] =	ssyncadd.s32 $0xFFFFE000  }
0x149: {  	_ =	swait.ge [sflag:s1], $0x2000  }
0x14a: {  	[sflag:s1] =	ssyncset.done $0x0  }
0x14b: {  	s8 =	simm.s32 $0xE00;
	[sflag:s1] =	ssyncadd.s32 $0xFFFFE000  }
0x14c: {  	[tilespmem:s30], [sflag:$0x2] =	stream.indirect.gather [spmem:s3], $0x10, s8, s26, $0xb8;
	[tilespmem:$0x15D10] =	vst v63  }
0x14d: {  	s8 =	simm.s32 $0x3400  }
0x14e: {  	[spmem:s4] =	stream.indirect.scatter.add.f32 [tilespmem:s28], [sflag:$0x3], $0x10, s8, s26, $0xb8;
	[tilespmem:$0x15D10] =	vst v63  }
0x14f: {  	_ =	swait.ge [sflag:s31], $0x2000  }
0x150: {  	[sflag:s31] =	ssyncset.done $0x0  }
0x151: {  	[sflag:s31] =	ssyncadd.s32 $0xFFFFE000  }
0x152: {  	_ =	swait.ge [sflag:s2], $0x2000  }
0x153: {  	[sflag:s2] =	ssyncset.done $0x0  }
0x154: {  	s8 =	simm.s32 $0x1000;
	[sflag:s2] =	ssyncadd.s32 $0xFFFFE000  }
0x155: {  	[tilespmem:s28], [sflag:$0x1] =	stream.indirect.gather [spmem:s3], $0x10, s8, s26, $0xb8;
	[tilespmem:$0x15D10] =	vst v63  }
0x156: {  	s8 =	simm.s32 $0x3600  }
0x157: {  	[spmem:s4] =	stream.indirect.scatter.add.f32 [tilespmem:s30], [sflag:$0x4], $0x10, s8, s26, $0xb8;
	[tilespmem:$0x15D10] =	vst v63  }
0x158: {  	_ =	swait.ge [sflag:s29], $0x2000  }
0x159: {  	[sflag:s29] =	ssyncset.done $0x0  }
0x15a: {  	[sflag:s29] =	ssyncadd.s32 $0xFFFFE000  }
0x15b: {  	_ =	swait.ge [sflag:s1], $0x2000  }
0x15c: {  	[sflag:s1] =	ssyncset.done $0x0  }
0x15d: {  	s8 =	simm.s32 $0x1200;
	[sflag:s1] =	ssyncadd.s32 $0xFFFFE000  }
0x15e: {  	[tilespmem:s30], [sflag:$0x2] =	stream.indirect.gather [spmem:s3], $0x10, s8, s26, $0xb8;
	[tilespmem:$0x15D10] =	vst v63  }
0x15f: {  	s8 =	simm.s32 $0x3800  }
0x160: {  	[spmem:s4] =	stream.indirect.scatter.add.f32 [tilespmem:s28], [sflag:$0x3], $0x10, s8, s26, $0xb8;
	[tilespmem:$0x15D10] =	vst v63  }
0x161: {  	_ =	swait.ge [sflag:s31], $0x2000  }
0x162: {  	[sflag:s31] =	ssyncset.done $0x0  }
0x163: {  	[sflag:s31] =	ssyncadd.s32 $0xFFFFE000  }
0x164: {  	_ =	swait.ge [sflag:s2], $0x2000  }
0x165: {  	[sflag:s2] =	ssyncset.done $0x0  }
0x166: {  	s8 =	simm.s32 $0x1400;
	[sflag:s2] =	ssyncadd.s32 $0xFFFFE000  }
0x167: {  	[tilespmem:s28], [sflag:$0x1] =	stream.indirect.gather [spmem:s3], $0x10, s8, s26, $0xb8;
	[tilespmem:$0x15D10] =	vst v63  }
0x168: {  	s8 =	simm.s32 $0x3A00  }
0x169: {  	[spmem:s4] =	stream.indirect.scatter.add.f32 [tilespmem:s30], [sflag:$0x4], $0x10, s8, s26, $0xb8;
	[tilespmem:$0x15D10] =	vst v63  }
0x16a: {  	_ =	swait.ge [sflag:s29], $0x2000  }
0x16b: {  	[sflag:s29] =	ssyncset.done $0x0  }
0x16c: {  	[sflag:s29] =	ssyncadd.s32 $0xFFFFE000  }
0x16d: {  	_ =	swait.ge [sflag:s1], $0x2000  }
0x16e: {  	[sflag:s1] =	ssyncset.done $0x0  }
0x16f: {  	s8 =	simm.s32 $0x1600;
	[sflag:s1] =	ssyncadd.s32 $0xFFFFE000  }
0x170: {  	[tilespmem:s30], [sflag:$0x2] =	stream.indirect.gather [spmem:s3], $0x10, s8, s26, $0xb8;
	[tilespmem:$0x15D10] =	vst v63  }
0x171: {  	s8 =	simm.s32 $0x3C00  }
0x172: {  	[spmem:s4] =	stream.indirect.scatter.add.f32 [tilespmem:s28], [sflag:$0x3], $0x10, s8, s26, $0xb8;
	[tilespmem:$0x15D10] =	vst v63  }
0x173: {  	_ =	swait.ge [sflag:s31], $0x2000  }
0x174: {  	[sflag:s31] =	ssyncset.done $0x0  }
0x175: {  	[sflag:s31] =	ssyncadd.s32 $0xFFFFE000  }
0x176: {  	_ =	swait.ge [sflag:s2], $0x2000  }
0x177: {  	[sflag:s2] =	ssyncset.done $0x0  }
0x178: {  	s8 =	simm.s32 $0x1800;
	[sflag:s2] =	ssyncadd.s32 $0xFFFFE000  }
0x179: {  	[tilespmem:s28], [sflag:$0x1] =	stream.indirect.gather [spmem:s3], $0x10, s8, s26, $0xb8;
	[tilespmem:$0x15D10] =	vst v63  }
0x17a: {  	s8 =	simm.s32 $0x3E00  }
0x17b: {  	[spmem:s4] =	stream.indirect.scatter.add.f32 [tilespmem:s30], [sflag:$0x4], $0x10, s8, s26, $0xb8;
	[tilespmem:$0x15D10] =	vst v63  }
0x17c: {  	_ =	swait.ge [sflag:s29], $0x2000  }
0x17d: {  	[sflag:s29] =	ssyncset.done $0x0  }
0x17e: {  	[sflag:s29] =	ssyncadd.s32 $0xFFFFE000  }
0x17f: {  	_ =	swait.ge [sflag:s1], $0x2000  }
0x180: {  	[sflag:s1] =	ssyncset.done $0x0  }
0x181: {  	s8 =	simm.s32 $0x1A00;
	[sflag:s1] =	ssyncadd.s32 $0xFFFFE000  }
0x182: {  	[tilespmem:s30], [sflag:$0x2] =	stream.indirect.gather [spmem:s3], $0x10, s8, s26, $0xb8;
	[tilespmem:$0x15D10] =	vst v63  }
0x183: {  	s8 =	simm.s32 $0x4000  }
0x184: {  	[spmem:s4] =	stream.indirect.scatter.add.f32 [tilespmem:s28], [sflag:$0x3], $0x10, s8, s26, $0xb8;
	[tilespmem:$0x15D10] =	vst v63  }
0x185: {  	_ =	swait.ge [sflag:s31], $0x2000  }
0x186: {  	[sflag:s31] =	ssyncset.done $0x0  }
0x187: {  	[sflag:s31] =	ssyncadd.s32 $0xFFFFE000  }
0x188: {  	_ =	swait.ge [sflag:s2], $0x2000  }
0x189: {  	[sflag:s2] =	ssyncset.done $0x0  }
0x18a: {  	s8 =	simm.s32 $0x1C00;
	[sflag:s2] =	ssyncadd.s32 $0xFFFFE000  }
0x18b: {  	[tilespmem:s28], [sflag:$0x1] =	stream.indirect.gather [spmem:s3], $0x10, s8, s26, $0xb8;
	[tilespmem:$0x15D10] =	vst v63  }
0x18c: {  	s8 =	simm.s32 $0x4200  }
0x18d: {  	[spmem:s4] =	stream.indirect.scatter.add.f32 [tilespmem:s30], [sflag:$0x4], $0x10, s8, s26, $0xb8;
	[tilespmem:$0x15D10] =	vst v63  }
0x18e: {  	_ =	swait.ge [sflag:s29], $0x2000  }
0x18f: {  	[sflag:s29] =	ssyncset.done $0x0  }
0x190: {  	[sflag:s29] =	ssyncadd.s32 $0xFFFFE000  }
0x191: {  	_ =	swait.ge [sflag:s1], $0x2000  }
0x192: {  	[sflag:s1] =	ssyncset.done $0x0  }
0x193: {  	s8 =	simm.s32 $0x1E00;
	[sflag:s1] =	ssyncadd.s32 $0xFFFFE000  }
0x194: {  	[tilespmem:s30], [sflag:$0x2] =	stream.indirect.gather [spmem:s3], $0x10, s8, s26, $0xb8;
	[tilespmem:$0x15D10] =	vst v63  }
0x195: {  	s8 =	simm.s32 $0x4400  }
0x196: {  	[spmem:s4] =	stream.indirect.scatter.add.f32 [tilespmem:s28], [sflag:$0x3], $0x10, s8, s26, $0xb8;
	[tilespmem:$0x15D10] =	vst v63  }
0x197: {  	_ =	swait.ge [sflag:s31], $0x2000  }
0x198: {  	[sflag:s31] =	ssyncset.done $0x0  }
0x199: {  	[sflag:s31] =	ssyncadd.s32 $0xFFFFE000  }
0x19a: {  	_ =	swait.ge [sflag:s2], $0x2000  }
0x19b: {  	[sflag:s2] =	ssyncset.done $0x0  }
0x19c: {  	s8 =	simm.s32 $0x2000;
	[sflag:s2] =	ssyncadd.s32 $0xFFFFE000  }
0x19d: {  	[tilespmem:s28], [sflag:$0x1] =	stream.indirect.gather [spmem:s3], $0x10, s8, s26, $0xb8;
	[tilespmem:$0x15D10] =	vst v63  }
0x19e: {  	s8 =	simm.s32 $0x4600  }
0x19f: {  	[spmem:s4] =	stream.indirect.scatter.add.f32 [tilespmem:s30], [sflag:$0x4], $0x10, s8, s26, $0xb8;
	[tilespmem:$0x15D10] =	vst v63  }
0x1a0: {  	_ =	swait.ge [sflag:s29], $0x2000  }
0x1a1: {  	[sflag:s29] =	ssyncset.done $0x0  }
0x1a2: {  	[sflag:s29] =	ssyncadd.s32 $0xFFFFE000  }
0x1a3: {  	_ =	swait.ge [sflag:s1], $0x2000  }
0x1a4: {  	[sflag:s1] =	ssyncset.done $0x0  }
0x1a5: {  	s8 =	simm.s32 $0x2200;
	[sflag:s1] =	ssyncadd.s32 $0xFFFFE000  }
0x1a6: {  	[tilespmem:s30], [sflag:$0x2] =	stream.indirect.gather [spmem:s3], $0x10, s8, s26, $0xb8;
	[tilespmem:$0x15D10] =	vst v63  }
0x1a7: {  	s8 =	simm.s32 $0x4800  }
0x1a8: {  	[spmem:s4] =	stream.indirect.scatter.add.f32 [tilespmem:s28], [sflag:$0x3], $0x10, s8, s26, $0xb8;
	[tilespmem:$0x15D10] =	vst v63  }
0x1a9: {  	_ =	swait.ge [sflag:s31], $0x2000  }
0x1aa: {  	[sflag:s31] =	ssyncset.done $0x0  }
0x1ab: {  	[sflag:s31] =	ssyncadd.s32 $0xFFFFE000  }
0x1ac: {  	_ =	swait.ge [sflag:s2], $0x2000  }
0x1ad: {  	[sflag:s2] =	ssyncset.done $0x0  }
0x1ae: {  	s8 =	simm.s32 $0x2400;
	[sflag:s2] =	ssyncadd.s32 $0xFFFFE000  }
0x1af: {  	[tilespmem:s28], [sflag:$0x1] =	stream.indirect.gather [spmem:s3], $0x10, s8, s26, $0xb8;
	[tilespmem:$0x15D10] =	vst v63  }
0x1b0: {  	s8 =	simm.s32 $0x4A00  }
0x1b1: {  	[spmem:s4] =	stream.indirect.scatter.add.f32 [tilespmem:s30], [sflag:$0x4], $0x10, s8, s26, $0xb8;
	[tilespmem:$0x15D10] =	vst v63  }
0x1b2: {  	_ =	swait.ge [sflag:s29], $0x2000  }
0x1b3: {  	[sflag:s29] =	ssyncset.done $0x0  }
0x1b4: {  	[sflag:s29] =	ssyncadd.s32 $0xFFFFE000  }
0x1b5: {  	_ =	swait.ge [sflag:s1], $0x2000  }
0x1b6: {  	[sflag:s1] =	ssyncset.done $0x0  }
0x1b7: {  	s8 =	simm.s32 $0x2600;
	[sflag:s1] =	ssyncadd.s32 $0xFFFFE000  }
0x1b8: {  	[tilespmem:s30], [sflag:$0x2] =	stream.indirect.gather [spmem:s3], $0x10, s8, s26, $0xb8;
	[tilespmem:$0x15D10] =	vst v63  }
0x1b9: {  	s8 =	simm.s32 $0x4C00  }
0x1ba: {  	[spmem:s4] =	stream.indirect.scatter.add.f32 [tilespmem:s28], [sflag:$0x3], $0x10, s8, s26, $0xb8;
	[tilespmem:$0x15D10] =	vst v63  }
0x1bb: {  	_ =	swait.ge [sflag:s31], $0x2000  }
0x1bc: {  	[sflag:s31] =	ssyncset.done $0x0  }
0x1bd: {  	s8 =	simm.s32 $0x4E00;
	[sflag:s31] =	ssyncadd.s32 $0xFFFFE000  }
0x1be: {  	[spmem:s4] =	stream.indirect.scatter.add.f32 [tilespmem:s30], [sflag:$0x4], $0x10, s8, s26, $0xb8;
	[tilespmem:$0x15D10] =	vst v63  }
0x1bf: {  	_ =	swait.ge [sflag:s2], $0x2000  }
0x1c0: {  	[sflag:s2] =	ssyncset.done $0x0  }
0x1c1: {  	[sflag:s2] =	ssyncadd.s32 $0xFFFFE000  }
0x1c2: {  	_ =	swait.ge [sflag:s1], $0x2000  }
0x1c3: {  	[sflag:s1] =	ssyncset.done $0x0  }
0x1c4: {  	[sflag:s1] =	ssyncadd.s32 $0xFFFFE000  }
0x1c5: {  	v1 =	vmov s6;
	[bflag:$0x0] =	sbarrier.arrive $0xFFFF  }
0x1c6: {  	[tilespmem:s0], [sflag:$0x5] =	stream.linear.gather [spmem:s15], $0x2800, $0x38;
	[tilespmem:$0x15D10] =	vst v63  }
0x1c7: {  	_ =	swait.ge [sflag:s19], $0x2800  }
0x1c8: {  	[sflag:s19] =	ssyncset.done $0x0  }
0x1c9: {  	[sflag:s19] =	ssyncadd.s32 $0xFFFFD800  }
0x1ca: {  	v1 =	vld.idx.msk [tilespmem:v1+s24+$0x0], $0xffff  }
0x1cb: {  	v3 =	vld [tilespmem:s0+$0x0];
	_ =	sdelay $0x1  }
0x1cc: {  	s8 =	simm.s32 $0x1  }
0x1cd: {  	s6 =	simm.s32 $0x2;
	v2 =	vmov s8  }
.LBB2_8:
0x1ce: {  	p0 =	sne.s32 s6, $0x27F  }
0x1cf: {  	v1 =	vmul.f32 v1, v3;
	_ =	sdelay $0x1  }
0x1d0: {  	[tilespmem:s0+$0x0] =	vst v1  }
.Ltmp3:
0x1d1: {  	s0 =	sadd.s32 $0x10, s0;
	v1 =	vld.idx.msk [tilespmem:v2+s24+$0x0], $0xffff;
	(pc) =	sbr.rel @p0 .LBB2_8-.Ltmp3, $2  }
0x1d2: {  	v3 =	vld [tilespmem:s0+$0x0];
	_ =	sdelay $0x2  }
0x1d3: {  	v2 =	vmov s6;
	s6 =	sadd.s32 $0x1, s6  }
0x1d4: {  	_ = 	snop  }
0x1d5: {  	v1 =	vmul.f32 v1, v3;
	_ =	sdelay $0x1  }
0x1d6: {  	[tilespmem:s0+$0x0] =	vst v1  }
0x1d7: {  	s7 =	sadd.s32 $0x10, s0;
	v1 =	vld.idx.msk [tilespmem:v2+s24+$0x0], $0xffff  }
0x1d8: {  	v2 =	vld [tilespmem:s7+$0x0];
	_ =	sdelay $0x4  }
0x1d9: {  	s23 =	sadd.s32 $0x1, s23;
	v1 =	vmul.f32 v1, v2  }
0x1da: {  	p0 =	sne.s32 s23, s18  }
.Ltmp4:
0x1db: {  	s8 =	simm.s32 $0x9000;
	[tilespmem:s7+$0x0] =	vst v1;
	(pc) =	sbr.rel @p0 .LBB2_1-.Ltmp4, $4  }
0x1dc: {  	[hbm4b:s17+s5] =	stream.linear.scatter [tilespmem:s8], [sflag:$0x5], $0x2800, $0x38;
	[tilespmem:$0x15D10] =	vst v63  }
0x1dd: {  	_ =	swait.ge [sflag:s19], $0x2800  }
0x1de: {  	[sflag:s19] =	ssyncset.done $0x0  }
0x1df: {  	[sflag:s19] =	ssyncadd.s32 $0xFFFFD800  }
0x1e0: {  	_ =	sfence.sel $0x180000  }
0x1e1: {  	[bflag:$0x0] =	sbarrier.arrive $0xFFFF  }
0x1e2: {  	_ =	strace $0x9000004D  }
0x1e3: {  	s0 =	stileid.u32;
	[bflag:$0x2] =	sbarrier.arrive $0xFFFF  }
0x1e4: {  	p0 =	sne.s32 s0, $0x0;
	s0 =	rddreg [dreg:$0x5]  }
0x1e5: {  	s0 =	sadd.s32 @!p0 $0x100000, s0  }
0x1e6: {  	[sflag:s0] =	ssyncadd.tile.s32 @!p0 $0x1;
	_ =	shalt  }
.Lfunc_end2:
_tile_overlayer_lowered:
.L_overlay_start_2:
0x1e7: {  	(tag) =	ssettag $0x2  }
0x1e8: {  	s0 =	rddreg [dreg:$0x0];
	s2 =	stileid.u32  }
0x1e9: {  	s1 =	rddreg [dreg:$0x1];
	p0 =	sne.s32 s2, $0x0  }
0x1ea: {  	s3 =	rddreg [dreg:$0x2];
	[bflag:$0x3] =	sbarrier.arrive $0xFFFF;
	s2 =	simm.s32 @!p0 $0x1C05  }
0x1eb: {  	[timem:s3], [sflag:s2] =	dma.local @!p0 [hbm:s0], s1  }
0x1ec: {  	s0 =	simm.s32 @!p0 $0x5  }
0x1ed: {  	_ =	swait.ge @!p0 [sflag:s0], s1  }
0x1ee: {  	s1 =	ssub.s32 @!p0 $0x0, s1;
	[sflag:s0] =	ssyncset.done @!p0 $0x0  }
0x1ef: {  	[sflag:s0] =	ssyncadd.s32 @!p0 s1  }
0x1f0: {  	[bflag:$0x3] =	sbarrier.arrive $0xFFFF  }
0x1f1: {  	_ =	shalt  }

// kernel: kernel.7.cloned.1.call-start
scs
__scs_entry_jumppad:
0x0: {  	(pc) =	sbr.rel $0x88, $3  }
0x1: {  	(tag) =	ssettag $0x0;
	lr =	simm.s32 $0x1  }
0x2: {  	[smem:$0x3F9B] =	sst lr;
	_ =	strace $0xD0000000  }
0x3: {  	_ = 	snop  }
0x4: {  	_ = 	snop  }
0x5: {  	_ = 	snop  }
0x6: {  	_ = 	snop  }
0x7: {  	_ = 	snop  }
__scs_overlays_trampoline_lowered:
0x8: {  	[smem:$0x3FAA] =	sst s0  }
0x9: {  	[smem:$0x3FAB] =	sst s1  }
0xa: {  	[smem:$0x3FAC] =	sst s2  }
0xb: {  	[smem:$0x3FAD] =	sst s3  }
0xc: {  	[smem:$0x3FAE] =	sst s4  }
0xd: {  	[smem:$0x3FAF] =	sst s5  }
0xe: {  	[smem:$0x3FB0] =	sst s6  }
0xf: {  	[smem:$0x3FB1] =	sst s7  }
0x10: {  	[smem:$0x3FB2] =	sst s8  }
0x11: {  	[smem:$0x3FB3] =	sst s9;
	s0 =	simm.s32 @!p0 $0x0  }
0x12: {  	s1 =	sld [smem:$0x3F99];
	s0 =	simm.s32 @p0 $0x1  }
0x13: {  	[smem:$0x3FB4] =	sst s0;
	s0 =	simm.s32 @!p1 $0x0  }
0x14: {  	s2 =	sld [smem:$0x3F98];
	s0 =	simm.s32 @p1 $0x1  }
0x15: {  	[smem:$0x3FB5] =	sst s0;
	s0 =	simm.s32 @!p2 $0x0  }
0x16: {  	s3 =	sld [smem:$0x3FDB];
	s0 =	simm.s32 @p2 $0x1  }
0x17: {  	s4 =	simm.s32 $0x1BF5;
	[smem:$0x3FB7] =	sst s0  }
0x18: {  	s0 =	sld [smem:$0x3F9A];
	_ =	swait.ge [sflag:s4], $0x0  }
0x19: {  	s7 =	sld [smem:$0x3F9B]  }
0x1a: {  	s8 =	sadd.s32 $0xFFFFE003, lr  }
0x1b: {  	s9 =	sadd.s32 $0xFFFFFEF7, lr;
	s5 =	simm.s32 $0xFFFFFFFF;
	p2 =	slt.u32 s8, $0xFFFFF086  }
0x1c: {  	p1 =	slt.u32 s9, $0xF7A;
	s5 =	simm.s32 @!p2 $0x0  }
0x1d: {  	s5 =	simm.s32 @p1 $0x1;
	p0 =	seq.s32 s7, s2  }
0x1e: {  	s7 =	smul.u32 @!p0 $0xF7A, s2;
	p2 =	seq.s32 @!p0 s5, $0x0  }
0x1f: {  	s9 =	smul.u32 $0xF7A, s1;
	s8 =	simm.s32 @!p0 $0x1BF5;
	p2 =	por !p2, p0  }
0x20: {  	[sflag:s8] =	ssyncset.s32 @!p0 $0xFFFFF086;
	s6 =	sadd.s32 @!p0 s3, s7;
	s7 =	simm.s32 @!p0 $0x108  }
0x21: {  	s3 =	sadd.s32 s3, s9;
	s6 =	sadd.s32 @!p0 $0x88, s6;
	s7 =	simm.s32 @p2 $0x1082  }
0x22: {  	[simem:s7], [sflag:s8] =	dma.local @!p0 [hbm:s6], $0xF7A  }
0x23: {  	s9 =	sor.u32 $0xD0000000, s2;
	s6 =	simm.s32 $0x108;
	_ =	swait.ge @!p0 [sflag:s8], $0x0  }
0x24: {  	s3 =	sadd.s32 $0x88, s3;
	s6 =	simm.s32 @!p1 $0x1082;
	[sflag:s4] =	ssyncset.s32 $0xFFFFF086  }
0x25: {  	[simem:s6], [sflag:s4] =	dma.local [hbm:s3], $0xF7A  }
0x26: {  	[smem:$0x3F9B] =	sst s1;
	(tag) =	ssettag s2;
	_ =	strace s9  }
0x27: {  	s1 =	sld [smem:$0x3FAB]  }
0x28: {  	s2 =	sld [smem:$0x3FAC]  }
0x29: {  	s4 =	sld [smem:$0x3FAE]  }
0x2a: {  	p0 =	seq.s32 s5, $0x0;
	s5 =	sld [smem:$0x3FAF]  }
0x2b: {  	s6 =	sld [smem:$0x3FB0]  }
0x2c: {  	s7 =	sld [smem:$0x3FB1]  }
0x2d: {  	s3 =	simm.s32 $0x108;
	s8 =	sld [smem:$0x3FB2]  }
0x2e: {  	s3 =	simm.s32 @!p0 $0x1082;
	s9 =	sld [smem:$0x3FB3]  }
0x2f: {  	lr =	sadd.s32 s0, s3;
	s0 =	sld [smem:$0x3FAA]  }
0x30: {  	s3 =	sld [smem:$0x3FAD]  }
0x31: {  	[smem:$0x3FB6] =	sst s10  }
0x32: {  	s10 =	sld [smem:$0x3FB4];
	_ =	sdelay $0x3  }
0x33: {  	p0 =	seq.s32 s10, $0x1;
	s10 =	sld [smem:$0x3FB6];
	_ =	sdelay $0x3  }
0x34: {  	[smem:$0x3FB6] =	sst s10  }
0x35: {  	s10 =	sld [smem:$0x3FB5];
	_ =	sdelay $0x3  }
0x36: {  	p1 =	seq.s32 s10, $0x1;
	s10 =	sld [smem:$0x3FB6];
	_ =	sdelay $0x3  }
0x37: {  	[smem:$0x3FB6] =	sst s10  }
0x38: {  	s10 =	sld [smem:$0x3FB7]  }
0x39: {  	_ = 	snop;
	(pc) =	sbr.ind lr, $3  }
0x3a: {  	_ = 	snop  }
0x3b: {  	_ = 	snop  }
0x3c: {  	p2 =	seq.s32 s10, $0x1;
	s10 =	sld [smem:$0x3FB6]  }
0x3d: {  	_ =	shalt  }
0x3e: {  	_ =	shalt  }
0x3f: {  	_ =	shalt  }
0x40: {  	_ =	shalt  }
0x41: {  	_ =	shalt  }
0x42: {  	_ =	shalt  }
0x43: {  	_ =	shalt  }
0x44: {  	_ =	shalt  }
0x45: {  	_ =	shalt  }
0x46: {  	_ =	shalt  }
0x47: {  	_ =	shalt  }
0x48: {  	_ =	shalt  }
0x49: {  	_ =	shalt  }
0x4a: {  	_ =	shalt  }
0x4b: {  	_ =	shalt  }
0x4c: {  	_ =	shalt  }
0x4d: {  	_ =	shalt  }
0x4e: {  	_ =	shalt  }
0x4f: {  	_ =	shalt  }
0x50: {  	_ =	shalt  }
0x51: {  	_ =	shalt  }
0x52: {  	_ =	shalt  }
0x53: {  	_ =	shalt  }
0x54: {  	_ =	shalt  }
0x55: {  	_ =	shalt  }
0x56: {  	_ =	shalt  }
0x57: {  	_ =	shalt  }
0x58: {  	_ =	shalt  }
0x59: {  	_ =	shalt  }
0x5a: {  	_ =	shalt  }
0x5b: {  	_ =	shalt  }
0x5c: {  	_ =	shalt  }
0x5d: {  	_ =	shalt  }
0x5e: {  	_ =	shalt  }
0x5f: {  	_ =	shalt  }
0x60: {  	_ =	shalt  }
0x61: {  	_ =	shalt  }
0x62: {  	_ =	shalt  }
0x63: {  	_ =	shalt  }
0x64: {  	_ =	shalt  }
0x65: {  	_ =	shalt  }
0x66: {  	_ =	shalt  }
0x67: {  	_ =	shalt  }
0x68: {  	_ =	shalt  }
0x69: {  	_ =	shalt  }
0x6a: {  	_ =	shalt  }
0x6b: {  	_ =	shalt  }
0x6c: {  	_ =	shalt  }
0x6d: {  	_ =	shalt  }
0x6e: {  	_ =	shalt  }
0x6f: {  	_ =	shalt  }
0x70: {  	_ =	shalt  }
0x71: {  	_ =	shalt  }
0x72: {  	_ =	shalt  }
0x73: {  	_ =	shalt  }
0x74: {  	_ =	shalt  }
0x75: {  	_ =	shalt  }
0x76: {  	_ =	shalt  }
0x77: {  	_ =	shalt  }
0x78: {  	_ =	shalt  }
0x79: {  	_ =	shalt  }
0x7a: {  	_ =	shalt  }
0x7b: {  	_ =	shalt  }
0x7c: {  	_ =	shalt  }
0x7d: {  	_ =	shalt  }
0x7e: {  	_ =	shalt  }
0x7f: {  	_ =	shalt  }
0x80: {  	_ =	shalt  }
0x81: {  	_ =	shalt  }
0x82: {  	_ =	shalt  }
0x83: {  	_ =	shalt  }
0x84: {  	_ =	shalt  }
0x85: {  	_ =	shalt  }
0x86: {  	_ =	shalt  }
0x87: {  	_ =	shalt  }
.Lfunc_end0:
.L_simem_size_0:
called_computation_lowered:
.L_overlay_start_0:
0x88: {  	s2 =	sld [smem:$0x3FD9]  }
0x89: {  	s3 =	sld [smem:$0x3FFE];
	_ =	sdelay $0x1  }
0x8a: {  	s1 =	srdreg.scid  }
0x8b: {  	s0 =	sand.u32 $0x1, s1  }
0x8c: {  	s17 =	sshll.u32 s0, $0xA;
	s2 =	sadd.s32 s3, s2  }
0x8d: {  	s2 =	sadd.s32 s2, s17  }
0x8e: {  	[smem:$0x3FC2] =	sst s2  }
0x8f: {  	_ = 	snop  }
0x90: {  	s2 =	sld [smem:$0x3FD0];
	(tm) =	ssettm $0x1  }
0x91: {  	s18 =	sld [smem:$0x3FFB];
	_ =	sdelay $0x3  }
0x92: {  	_ =	strace s18  }
0x93: {  	s3 =	sld [smem:$0x3FFC];
	_ =	sdelay $0x3  }
0x94: {  	_ =	strace s3  }
0x95: {  	s3 =	sld [smem:$0x3FFD];
	_ =	sdelay $0x3  }
0x96: {  	_ =	strace s3  }
0x97: {  	_ =	strace $0x8FFFFFFF  }
0x98: {  	s19 =	sld [smem:$0x3FDB];
	_ =	sdelay $0x1  }
0x99: {  	s4 =	simm.s32 $_scs_section_size  }
0x9a: {  	s5 =	simm.s32 $_size__tile_overlayer_lowered;
	s6 =	simm.s32 $_tile_overlayer_lowered  }
0x9b: {  	s22 =	simm.s32 $0x1BFF;
	s21 =	sshll.u32 s6, $0x1;
	s3 =	sadd.s32 s4, s19  }
0x9c: {  	s7 =	simm.s32 $0x0;
	s20 =	sshll.u32 s5, $0x1;
	s5 =	sadd.s32 s21, s3  }
0x9d: {  	[timem:s7], [sflag:s22] =	dma.local [hbm:s5], s20  }
0x9e: {  	_ =	swait.ge [sflag:s22], s20  }
0x9f: {  	s4 =	ssub.s32 $0x0, s20;
	[sflag:s22] =	ssyncset.done $0x0  }
0xa0: {  	[sflag:s22] =	ssyncadd.s32 s4;
	_ =	sdelay $0x1  }
0xa1: {  	s23 =	simm.s32 $0x1B8B  }
0xa2: {  	_ =	swait.ge [sflag:s23], $0x1  }
0xa3: {  	[sflag:s23] =	ssyncset.done $0x0  }
0xa4: {  	s25 =	simm.s32 $0x1B8E;
	s24 =	sld [smem:$0x3FFE];
	[sflag:s23] =	ssyncadd.s32 $0xFFFFFFFF  }
0xa5: {  	s26 =	simm.s32 $execute0_lowered;
	[smem:$0x3FD2] =	sst s25  }
0xa6: {  	s5 =	sshll.u32 s26, $0x1;
	_ =	strace $0x80000046;
	[dreg:$0x1] =	wrdreg $0xFFFFFFFF  }
0xa7: {  	s28 =	simm.s32 $_size_execute0_lowered;
	s3 =	sadd.s32 s3, s5;
	[dreg:$0x0] =	wrdreg $0x0  }
0xa8: {  	s5 =	sshll.u32 s28, $0x1;
	[dreg:$0x2] =	wrdreg s3  }
0xa9: {  	[dreg:$0x3] =	wrdreg s5  }
0xaa: {  	[dreg:$0x4] =	wrdreg $0xC0  }
0xab: {  	_ =	task [dreg:s7], $0x5FFFF  }
0xac: {  	[dreg:$0x1] =	wrdreg $0xFFFFFFFF  }
0xad: {  	[dreg:$0x0] =	wrdreg $0x60  }
0xae: {  	[dreg:$0x2] =	wrdreg s2  }
0xaf: {  	[dreg:$0x3] =	wrdreg s24  }
0xb0: {  	[dreg:$0x4] =	wrdreg $0x60000  }
0xb1: {  	[dreg:$0x5] =	wrdreg $0x74000  }
0xb2: {  	[dreg:$0x6] =	wrdreg $0x9  }
0xb3: {  	_ =	task.clear_ibuf [dreg:s7], $0x7FFFF;
	_ =	strace $0x90000046  }
0xb4: {  	s29 =	simm.s32 $0x9;
	_ =	strace $0x80000048  }
0xb5: {  	_ =	swait.ge [sflag:s29], $0x1  }
0xb6: {  	[sflag:s29] =	ssyncadd.s32 $0xFFFFFFFF  }
0xb7: {  	_ =	strace $0x90000048  }
0xb8: {  	_ =	sfence  }
0xb9: {  	s30 =	sld [smem:$0x0];
	_ =	sdelay $0x2  }
0xba: {  	s31 =	sshll.u32 s1, $0xD;
	s1 =	sshrl.u32 s1, $0x2  }
0xbb: {  	s3 =	sand.u32 $0x4000, s31;
	s1 =	sadd.s32 s1, s30  }
0xbc: {  	s0 =	sor.u32 s3, s0;
	s1 =	sshll.u32 s1, $0x11  }
0xbd: {  	s0 =	sor.u32 s1, s0  }
0xbe: {  	s0 =	sadd.s32 $0x8F2B, s0  }
0xbf: {  	[sflag:s0] =	ssyncadd.remote.s32 $0x1  }
0xc0: {  	_ =	sfence.sel $0xFFFF  }
0xc1: {  	[dreg:$0x0] =	wrdreg $0xFFFFFFFF;
	(pc) =	sbr.abs _section_cstart, $3  }
0xc2: {  	[dreg:$0x1] =	wrdreg $0xFFFFFFFF  }
0xc3: {  	_ =	task.clear_ibuf [dreg:s7], $0x2FFFF;
	_ =	strace $0x9FFFFFFF  }
0xc4: {  	(tm) =	ssettm $0x7FFFFFFF  }
0xc5: {  	_ =	shalt  }
tec
execute0_lowered:
.L_overlay_start_1:
0x0: {  	(tag) =	ssettag $0x1  }
0x1: {  	s6 =	rddreg [dreg:$0x0]  }
0x2: {  	s7 =	rddreg [dreg:$0x1]  }
0x3: {  	s1 =	srdreg.scid;
	s2 =	rddreg [dreg:$0x2]  }
0x4: {  	s0 =	stileid.u32;
	s3 =	rddreg [dreg:$0x3]  }
0x5: {  	s4 =	simm.s32 $0x0;
	s18 =	simm.s32 $0x200;
	s19 =	simm.s32 $0x1  }
0x6: {  	s20 =	simm.s32 $0x2;
	s21 =	simm.s32 $0x0;
	s8 =	sand.u32 $0x1, s1  }
0x7: {  	s31 =	sshll.u32 s0, $0x1;
	s10 =	smul.u32 $0x1400, s0;
	[smem:$0x7FF] =	sst s4  }
0x8: {  	s5 =	sadd.s32 $0xB200, s7;
	s15 =	sshll.u32 s0, $0x6;
	s1 =	sor.u32 s8, s31  }
0x9: {  	s11 =	smul.u32 $0x28000, s8;
	s8 =	ssub.s32 $0x2, s8;
	s15 =	sor.u32 $0x1C03, s15  }
0xa: {  	s9 =	smul.u32 $0x500, s1;
	s1 =	rddreg [dreg:$0x4];
	_ =	strace $0x80000047  }
0xb: {  	s13 =	sshrl.u32 s10, $0x3;
	s14 =	sshrl.u32 s8, $0x1;
	s16 =	sadd.s32 s10, s2  }
0xc: {  	s17 =	sadd.s32 s10, s3;
	s11 =	sadd.s32 s10, s11;
	s13 =	sadd.s32 s13, s7  }
0xd: {  	s14 =	ssub.s32 s8, s14;
	s16 =	sshrl.u32 s16, $0x3;
	s17 =	sshrl.u32 s17, $0x3  }
0xe: {  	s12 =	sadd.s32 s9, s7;
	s11 =	sshrl.u32 s11, $0x3;
	s6 =	sadd.s32 s6, s9  }
0xf: {  	s8 =	sadd.s32 $0xB400, s13;
	s13 =	simm.s32 $0x2800;
	s11 =	sadd.s32 s11, s7  }
0x10: {  	s7 =	sadd.s32 $0x1200, s12;
	s12 =	simm.s32 $0x3;
	s9 =	sadd.s32 $0xDC00, s11  }
0x11: {  	s10 =	sadd.s32 $0x10400, s11;
	s11 =	smax.u32 s14, $0x1;
	s14 =	simm.s32 $0x5000  }
.LBB2_1:
0x12: {  	[tilespmem:s4], [sflag:$0x3] =	stream.linear.gather [hbm4b:s6+s4], $0x2800, $0x38;
	[tilespmem:$0x8800] =	vst v63  }
0x13: {  	_ =	swait.ge [sflag:s12], $0x2800  }
0x14: {  	[sflag:s12] =	ssyncset.done $0x0  }
0x15: {  	[sflag:s12] =	ssyncadd.s32 $0xFFFFD800  }
0x16: {  	[tilespmem:s13], [sflag:$0x3] =	stream.linear.gather [hbm4b:s7+s4], $0x2800, $0x38;
	[tilespmem:$0x8800] =	vst v63  }
0x17: {  	_ =	swait.ge [sflag:s12], $0x2800  }
0x18: {  	[sflag:s12] =	ssyncset.done $0x0  }
0x19: {  	[sflag:s12] =	ssyncadd.s32 $0xFFFFD800  }
0x1a: {  	[tilespmem:s14], [sflag:$0x3] =	stream.linear.gather [hbm4b:s5+s4], $0x1000, $0x38;
	[tilespmem:$0x8800] =	vst v63  }
0x1b: {  	_ =	swait.ge [sflag:s12], $0x1000  }
0x1c: {  	[sflag:s12] =	ssyncset.done $0x0  }
0x1d: {  	[sflag:s12] =	ssyncadd.s32 $0xFFFFF000  }
0x1e: {  	[spmem:s16], [sflag:s15] =	dma.local [hbm:s8], $0x280  }
0x1f: {  	_ =	swait.ge [sflag:s12], $0x280  }
0x20: {  	[sflag:s12] =	ssyncset.done $0x0  }
0x21: {  	[sflag:s12] =	ssyncadd.s32 $0xFFFFFD80  }
0x22: {  	[spmem:s17], [sflag:s15] =	dma.local [hbm:s8], $0x280  }
0x23: {  	_ =	swait.ge [sflag:s12], $0x280  }
0x24: {  	[sflag:s12] =	ssyncset.done $0x0  }
0x25: {  	[sflag:s12] =	ssyncadd.s32 $0xFFFFFD80  }
0x26: {  	[bflag:$0x0] =	sbarrier.arrive $0xFFFF  }
0x27: {  	[spmem:s2] =	stream.indirect.scatter.add.f32 [tilespmem:s14], [sflag:$0x1], $0x8, s4, s18, $0xb8;
	[tilespmem:$0x8800] =	vst v63  }
0x28: {  	_ = 	snop  }
0x29: {  	[spmem:s3] =	stream.indirect.scatter.add.f32 [tilespmem:s14], [sflag:$0x2], $0x8, s13, s18, $0xb8;
	[tilespmem:$0x8800] =	vst v63  }
0x2a: {  	s22 =	simm.s32 $0x200  }
0x2b: {  	[spmem:s2] =	stream.indirect.scatter.add.f32 [tilespmem:s14], [sflag:$0x1], $0x8, s22, s18, $0xb8;
	[tilespmem:$0x8800] =	vst v63  }
0x2c: {  	s31 =	simm.s32 $0x2A00  }
0x2d: {  	[spmem:s3] =	stream.indirect.scatter.add.f32 [tilespmem:s14], [sflag:$0x2], $0x8, s31, s18, $0xb8;
	[tilespmem:$0x8800] =	vst v63  }
0x2e: {  	_ =	swait.ge [sflag:s19], $0x1000  }
0x2f: {  	[sflag:s19] =	ssyncset.done $0x0  }
0x30: {  	[sflag:s19] =	ssyncadd.s32 $0xFFFFF000  }
0x31: {  	_ =	swait.ge [sflag:s20], $0x1000  }
0x32: {  	s23 =	simm.s32 $0x1800;
	s22 =	simm.s32 $0x1000;
	[sflag:s20] =	ssyncset.done $0x0  }
.LBB2_2:
0x33: {  	s24 =	sshra.s32 s22, $0x2  }
0x34: {  	[sflag:s20] =	ssyncadd.s32 $0xFFFFF000;
	s22 =	smov.u32 s23;
	s25 =	sadd.s32 $0x800, s23  }
0x35: {  	[spmem:s2] =	stream.indirect.scatter.add.f32 [tilespmem:s14], [sflag:$0x1], $0x8, s24, s18, $0xb8;
	[tilespmem:$0x8800] =	vst v63  }
0x36: {  	p0 =	sne.s32 s23, $0x9800;
	s23 =	sadd.s32 $0x2800, s24  }
0x37: {  	[spmem:s3] =	stream.indirect.scatter.add.f32 [tilespmem:s14], [sflag:$0x2], $0x8, s23, s18, $0xb8;
	[tilespmem:$0x8800] =	vst v63  }
.Ltmp0:
0x38: {  	_ =	swait.ge [sflag:s19], $0x1000;
	(pc) =	sbr.rel @p0 .LBB2_2-.Ltmp0, $4  }
0x39: {  	[sflag:s19] =	ssyncset.done $0x0  }
0x3a: {  	[sflag:s19] =	ssyncadd.s32 $0xFFFFF000  }
0x3b: {  	_ =	swait.ge [sflag:s20], $0x1000  }
0x3c: {  	s23 =	smov.u32 s25;
	[sflag:s20] =	ssyncset.done $0x0  }
0x3d: {  	s22 =	sshra.s32 s22, $0x2;
	[sflag:s20] =	ssyncadd.s32 $0xFFFFF000  }
0x3e: {  	[spmem:s2] =	stream.indirect.scatter.add.f32 [tilespmem:s14], [sflag:$0x1], $0x8, s22, s18, $0xb8;
	[tilespmem:$0x8800] =	vst v63  }
0x3f: {  	s22 =	sadd.s32 $0x2800, s22  }
0x40: {  	[spmem:s3] =	stream.indirect.scatter.add.f32 [tilespmem:s14], [sflag:$0x2], $0x8, s22, s18, $0xb8;
	[tilespmem:$0x8800] =	vst v63  }
0x41: {  	_ =	swait.ge [sflag:s19], $0x1000  }
0x42: {  	[sflag:s19] =	ssyncset.done $0x0  }
0x43: {  	[sflag:s19] =	ssyncadd.s32 $0xFFFFF000  }
0x44: {  	_ =	swait.ge [sflag:s20], $0x1000  }
0x45: {  	[sflag:s20] =	ssyncset.done $0x0  }
0x46: {  	[sflag:s20] =	ssyncadd.s32 $0xFFFFF000  }
0x47: {  	_ =	swait.ge [sflag:s19], $0x1000  }
0x48: {  	[sflag:s19] =	ssyncset.done $0x0  }
0x49: {  	[sflag:s19] =	ssyncadd.s32 $0xFFFFF000  }
0x4a: {  	_ =	swait.ge [sflag:s20], $0x1000  }
0x4b: {  	[sflag:s20] =	ssyncset.done $0x0  }
0x4c: {  	[sflag:s20] =	ssyncadd.s32 $0xFFFFF000  }
0x4d: {  	[bflag:$0x0] =	sbarrier.arrive $0xFFFF  }
0x4e: {  	[hbm:s9], [sflag:s15] =	dma.local [spmem:s16], $0x280  }
0x4f: {  	s21 =	sadd.s32 $0x1, s21;
	_ =	swait.ge [sflag:s12], $0x280  }
0x50: {  	p0 =	sne.s32 s21, s11;
	[sflag:s12] =	ssyncset.done $0x0  }
.Ltmp1:
0x51: {  	[sflag:s12] =	ssyncadd.s32 $0xFFFFFD80;
	(pc) =	sbr.rel @p0 .LBB2_1-.Ltmp1, $4  }
0x52: {  	[hbm:s10], [sflag:s15] =	dma.local [spmem:s17], $0x280  }
0x53: {  	_ =	swait.ge [sflag:s12], $0x280  }
0x54: {  	[sflag:s12] =	ssyncset.done $0x0  }
0x55: {  	[sflag:s12] =	ssyncadd.s32 $0xFFFFFD80  }
0x56: {  	_ =	sfence.sel $0x180000  }
0x57: {  	[bflag:$0x0] =	sbarrier.arrive $0xFFFF  }
0x58: {  	p0 =	sne.s32 s0, $0x0;
	_ =	strace $0x90000047  }
0x59: {  	s0 =	sadd.s32 @!p0 $0x100000, s1;
	[bflag:$0x2] =	sbarrier.arrive $0xFFFF  }
0x5a: {  	[sflag:s0] =	ssyncadd.tile.s32 @!p0 $0x1;
	_ =	shalt  }
.Lfunc_end2:
_tile_overlayer_lowered:
.L_overlay_start_2:
0x5b: {  	(tag) =	ssettag $0x2  }
0x5c: {  	s0 =	rddreg [dreg:$0x0];
	s2 =	stileid.u32  }
0x5d: {  	s1 =	rddreg [dreg:$0x1];
	p0 =	sne.s32 s2, $0x0  }
0x5e: {  	s3 =	rddreg [dreg:$0x2];
	[bflag:$0x3] =	sbarrier.arrive $0xFFFF;
	s2 =	simm.s32 @!p0 $0x1C03  }
0x5f: {  	[timem:s3], [sflag:s2] =	dma.local @!p0 [hbm:s0], s1  }
0x60: {  	s0 =	simm.s32 @!p0 $0x3  }
0x61: {  	_ =	swait.ge @!p0 [sflag:s0], s1  }
0x62: {  	s1 =	ssub.s32 @!p0 $0x0, s1;
	[sflag:s0] =	ssyncset.done @!p0 $0x0  }
0x63: {  	[sflag:s0] =	ssyncadd.s32 @!p0 s1  }
0x64: {  	[bflag:$0x3] =	sbarrier.arrive $0xFFFF  }
0x65: {  	_ =	shalt  }

</sc_bundles>
